<compile_context>
chip_gen: v7x
topology: tpu7x:2x2x1
jax: 0.10.2.dev20260603
libtpu: 0.0.44.dev20260713+nightly
codegen_flags: <defaults>
</compile_context>

<pallas_src>
import functools

import jax
import jax.numpy as jnp
from jax import lax
from jax.experimental import pallas as pl
from jax.experimental.pallas import tpu as pltpu
from jax.experimental.pallas import tpu_sc as plsc

N = 10000
NPAD = 10240
E = 320000
EPAD = 327680
D_IN = 128
D_HID = 128
DH = 64
N_CLASSES = 40
EPS = 1e-5

NC = 2
NS = 16
NWORK = NC * NS
CHUNK = 128
CPW = EPAD // (NWORK * CHUNK)
CPT = EPAD // (NS * CHUNK)
ROWS_PT = NPAD // NS
DEGW = 8

_MESH = plsc.VectorSubcoreMesh(core_axis_name="c", subcore_axis_name="s")



def _norms_body(d_ref, o_ref):
    d = d_ref[..., 0]
    deg_out = d[0, 0] + d[1, 0]
    deg_in = d[0, 1] + d[1, 1]
    ns = jnp.where(deg_out > 0, jax.lax.rsqrt(jnp.maximum(deg_out, 1e-30)), 0.0)
    nd = jnp.where(deg_in > 0, jax.lax.rsqrt(jnp.maximum(deg_in, 1e-30)), 0.0)
    o_ref[...] = jnp.stack([ns, nd])


def _norms_tc(degp):
    return pl.pallas_call(
        _norms_body,
        out_shape=jax.ShapeDtypeStruct((2, NPAD), jnp.float32),
    )(degp)


def _mm_body(x_ref, w_ref, o_ref):
    o_ref[...] = jnp.dot(x_ref[...], w_ref[...],
                         preferred_element_type=jnp.float32)


def _mm_tc(xpad, W):
    return pl.pallas_call(
        _mm_body,
        out_shape=jax.ShapeDtypeStruct((NPAD, W.shape[1]), jnp.float32),
    )(xpad, W)


def _scale_body(z_ref, d_ref, o_ref, n_ref):
    _norms_body(d_ref, n_ref)
    ns = n_ref[0, :]
    o_ref[...] = z_ref[...] * ns[:, None]


def _layer_in_tc(xpad, degp, W):
    z = _mm_tc(xpad, W)
    return pl.pallas_call(
        _scale_body,
        out_shape=(jax.ShapeDtypeStruct((NPAD, D_HID), jnp.float32),
                   jax.ShapeDtypeStruct((2, NPAD), jnp.float32)),
    )(z, degp)


NP2 = NPAD // 2
NR2 = N // 2


def _mid_body(split_out, p_ref, n_ref, b_ref, g_ref, be_ref, w_ref, o_ref):
    lane = lax.broadcasted_iota(jnp.int32, (2, 2 * DH), 1)
    half = lax.broadcasted_iota(jnp.int32, (2, 2 * DH), 0)
    sel = ((lane < DH) == (half == 0)).astype(jnp.float32)
    npk = [jnp.dot(n_ref[k], sel, preferred_element_type=jnp.float32)
           for k in range(2)]
    ys = []
    for c in range(2):
        t = p_ref[c] * npk[1] + b_ref[c]
        tr = t[:NR2, :]
        cs = jnp.sum(tr, axis=0)
        mu = (cs[:DH] + cs[DH:]) * (1.0 / N)
        mup = jnp.concatenate([mu, mu])
        vs = jnp.sum((tr - mup) ** 2, axis=0)
        var = (vs[:DH] + vs[DH:]) * (1.0 / N)
        varp = jnp.concatenate([var, var])
        y = (t - mup) * jax.lax.rsqrt(varp + EPS) * g_ref[c] + be_ref[c]
        y = jnp.maximum(y, 0.0) * npk[0]
        ys.append(y)
    if split_out:
        for c in range(2):
            o_ref[c] = (
                jnp.dot(ys[0], w_ref[0, c], preferred_element_type=jnp.float32)
                + jnp.dot(ys[1], w_ref[1, c],
                          preferred_element_type=jnp.float32))
    else:
        o_ref[...] = (
            jnp.dot(ys[0], w_ref[0], preferred_element_type=jnp.float32)
            + jnp.dot(ys[1], w_ref[1], preferred_element_type=jnp.float32))


def _blkdiag(Wh):
    do = Wh.shape[1]
    z = jnp.zeros((DH, do), jnp.float32)
    return jnp.concatenate([jnp.concatenate([Wh, z], axis=1),
                            jnp.concatenate([z, Wh], axis=1)], axis=0)


def _layer_mid_tc(parts, norms, b, g, be, W):
    split_out = W.shape[1] == D_HID
    bp = jnp.stack([jnp.tile(b[c * DH:(c + 1) * DH], 2) for c in range(2)])
    gp = jnp.stack([jnp.tile(g[c * DH:(c + 1) * DH], 2) for c in range(2)])
    bep = jnp.stack([jnp.tile(be[c * DH:(c + 1) * DH], 2) for c in range(2)])
    if split_out:
        wblk = jnp.stack([
            jnp.stack([_blkdiag(W[ci * DH:(ci + 1) * DH, co * DH:(co + 1) * DH])
                       for co in range(2)]) for ci in range(2)])
        out_shape = jax.ShapeDtypeStruct((2, NP2, D_HID), jnp.float32)
    else:
        wblk = jnp.stack([_blkdiag(W[ci * DH:(ci + 1) * DH, :])
                          for ci in range(2)])
        out_shape = jax.ShapeDtypeStruct((NP2, 2 * W.shape[1]), jnp.float32)
    return pl.pallas_call(
        functools.partial(_mid_body, split_out),
        out_shape=out_shape,
    )(parts, norms.reshape(2, NP2, 2), bp[:, None, :], gp[:, None, :],
      bep[:, None, :], wblk)


def _final_body(p_ref, n_ref, b_ref, o_ref):
    t = p_ref[0, :N, :] + p_ref[1, :N, :]
    nd = n_ref[1, :N]
    o_ref[...] = t * nd[:, None] + b_ref[...]


def _final_tc(parts, norms, b2):
    return pl.pallas_call(
        _final_body,
        out_shape=jax.ShapeDtypeStruct((N, N_CLASSES), jnp.float32),
    )(parts, norms, b2.reshape(1, -1))



def _deg_body(src_hbm, dst_hbm, ones_hbm, zeros_hbm, out_hbm,
              sidx, didx, ones_v, deg_sh, dsem):
    c = lax.axis_index("c")
    s = lax.axis_index("s")
    wid = c * NS + s
    pltpu.sync_copy(ones_hbm, ones_v)
    pltpu.sync_copy(src_hbm.at[pl.ds(wid * CPW, CPW)], sidx)
    pltpu.sync_copy(dst_hbm.at[pl.ds(wid * CPW, CPW)], didx)
    pltpu.sync_copy(zeros_hbm, deg_sh.at[0].at[pl.ds(s * ROWS_PT, ROWS_PT)])
    pltpu.sync_copy(zeros_hbm, deg_sh.at[1].at[pl.ds(s * ROWS_PT, ROWS_PT)])
    plsc.subcore_barrier()

    def chunk(j, carry):
        pltpu.async_copy(ones_v, deg_sh.at[0].at[sidx.at[j]], dsem, add=True)
        pltpu.async_copy(ones_v, deg_sh.at[1].at[didx.at[j]], dsem, add=True)
        return carry

    lax.fori_loop(0, CPW, chunk, 0)

    def drain(j, carry):
        pltpu.make_async_copy(ones_v, deg_sh.at[0].at[sidx.at[0]], dsem).wait()
        pltpu.make_async_copy(ones_v, deg_sh.at[1].at[didx.at[0]], dsem).wait()
        return carry

    lax.fori_loop(0, CPW, drain, 0)
    plsc.subcore_barrier()
    pltpu.sync_copy(deg_sh.at[0].at[pl.ds(s * ROWS_PT, ROWS_PT)],
                    out_hbm.at[c].at[0].at[pl.ds(s * ROWS_PT, ROWS_PT)])
    pltpu.sync_copy(deg_sh.at[1].at[pl.ds(s * ROWS_PT, ROWS_PT)],
                    out_hbm.at[c].at[1].at[pl.ds(s * ROWS_PT, ROWS_PT)])


@functools.partial(
    pl.kernel,
    out_type=jax.ShapeDtypeStruct((NC, 2, NPAD, DEGW), jnp.float32),
    mesh=_MESH,
    compiler_params=pltpu.CompilerParams(use_tc_tiling_on_sc=False),
    scratch_types=[
        pltpu.VMEM((CPW, CHUNK), jnp.int32),
        pltpu.VMEM((CPW, CHUNK), jnp.int32),
        pltpu.VMEM((CHUNK, DEGW), jnp.float32),
        pltpu.VMEM_SHARED((2, NPAD, DEGW), jnp.float32),
        pltpu.SemaphoreType.DMA,
    ],
)
def _deg_sc(src2d, dst2d, ones_hbm, zeros_hbm, out, *rest):
    _deg_body(src2d, dst2d, ones_hbm, zeros_hbm, out, *rest)


NBUF = 4


def _pipe_chunks(n_chunks, h_tab, sidx, didx, bufs, agg_sh, gsems, ssems):
    for b in range(NBUF):
        pltpu.async_copy(h_tab.at[sidx.at[b]], bufs[b], gsems[b])

    def pipe(i, carry):
        for b in range(NBUF):
            j = i * NBUF + b
            pltpu.make_async_copy(h_tab.at[sidx.at[j]], bufs[b], gsems[b]).wait()
            pltpu.async_copy(bufs[b], agg_sh.at[didx.at[j]], ssems[b], add=True)
            jn = jnp.minimum(j + NBUF, n_chunks - 1)

            @pl.when(j + NBUF < n_chunks)
            def _():
                pltpu.make_async_copy(bufs[b], agg_sh.at[didx.at[j]],
                                      ssems[b]).wait()
                pltpu.async_copy(h_tab.at[sidx.at[jn]], bufs[b], gsems[b])
        return carry

    lax.fori_loop(0, n_chunks // NBUF, pipe, 0)
    for b in range(NBUF):
        pltpu.make_async_copy(bufs[b], agg_sh.at[didx.at[0]], ssems[b]).wait()


def _agg_col_body(h_hbm, src_hbm, dst_hbm, zeros_hbm, out_hbm,
                  sidx, didx, b0, b1, b2, b3, agg_sh,
                  g0, g1, g2, g3, s0, s1, s2, s3):
    bufs = (b0, b1, b2, b3)
    gsems = (g0, g1, g2, g3)
    ssems = (s0, s1, s2, s3)
    c = lax.axis_index("c")
    s = lax.axis_index("s")
    pltpu.sync_copy(zeros_hbm, agg_sh.at[pl.ds(s * ROWS_PT, ROWS_PT)])
    pltpu.sync_copy(src_hbm.at[c].at[pl.ds(s * CPT, CPT)], sidx)
    pltpu.sync_copy(dst_hbm.at[pl.ds(s * CPT, CPT)], didx)
    plsc.subcore_barrier()
    _pipe_chunks(CPT, h_hbm, sidx, didx, bufs, agg_sh, gsems, ssems)
    plsc.subcore_barrier()
    pltpu.sync_copy(agg_sh.at[pl.ds(s * ROWS_PT, ROWS_PT)],
                    out_hbm.at[c].at[pl.ds(s * ROWS_PT, ROWS_PT)])


@functools.partial(
    pl.kernel,
    out_type=jax.ShapeDtypeStruct((NC, NPAD, DH), jnp.float32),
    mesh=_MESH,
    compiler_params=pltpu.CompilerParams(use_tc_tiling_on_sc=False),
    scratch_types=[
        pltpu.VMEM((CPT, CHUNK), jnp.int32),
        pltpu.VMEM((CPT, CHUNK), jnp.int32),
        pltpu.VMEM((CHUNK, DH), jnp.float32),
        pltpu.VMEM((CHUNK, DH), jnp.float32),
        pltpu.VMEM((CHUNK, DH), jnp.float32),
        pltpu.VMEM((CHUNK, DH), jnp.float32),
        pltpu.VMEM_SHARED((NPAD, DH), jnp.float32),
    ] + [pltpu.SemaphoreType.DMA] * 8,
)
def _agg_col_sc(h, srcx, dst2d, zeros_hbm, out, *rest):
    _agg_col_body(h, srcx, dst2d, zeros_hbm, out, *rest)


def _agg_fin_body(h_hbm, src_hbm, dst_hbm, zeros_hbm, out_hbm,
                  sidx, didx, b0, b1, b2, b3, agg_sh,
                  g0, g1, g2, g3, s0, s1, s2, s3):
    bufs = (b0, b1, b2, b3)
    gsems = (g0, g1, g2, g3)
    ssems = (s0, s1, s2, s3)
    c = lax.axis_index("c")
    s = lax.axis_index("s")
    wid = c * NS + s
    pltpu.sync_copy(zeros_hbm, agg_sh.at[pl.ds(s * ROWS_PT, ROWS_PT)])
    pltpu.sync_copy(src_hbm.at[pl.ds(wid * CPW, CPW)], sidx)
    pltpu.sync_copy(dst_hbm.at[pl.ds(wid * CPW, CPW)], didx)
    plsc.subcore_barrier()
    _pipe_chunks(CPW, h_hbm, sidx, didx, bufs, agg_sh, gsems, ssems)
    plsc.subcore_barrier()
    pltpu.sync_copy(agg_sh.at[pl.ds(s * ROWS_PT, ROWS_PT)],
                    out_hbm.at[c].at[pl.ds(s * ROWS_PT, ROWS_PT)])


@functools.partial(
    pl.kernel,
    out_type=jax.ShapeDtypeStruct((NC, NPAD, N_CLASSES), jnp.float32),
    mesh=_MESH,
    compiler_params=pltpu.CompilerParams(use_tc_tiling_on_sc=False),
    scratch_types=[
        pltpu.VMEM((CPW, CHUNK), jnp.int32),
        pltpu.VMEM((CPW, CHUNK), jnp.int32),
        pltpu.VMEM((CHUNK, N_CLASSES), jnp.float32),
        pltpu.VMEM((CHUNK, N_CLASSES), jnp.float32),
        pltpu.VMEM((CHUNK, N_CLASSES), jnp.float32),
        pltpu.VMEM((CHUNK, N_CLASSES), jnp.float32),
        pltpu.VMEM_SHARED((NPAD, N_CLASSES), jnp.float32),
    ] + [pltpu.SemaphoreType.DMA] * 8,
)
def _agg_fin_sc(h, src2d, dst2d, zeros_hbm, out, *rest):
    _agg_fin_body(h, src2d, dst2d, zeros_hbm, out, *rest)



def kernel(x, edge_index, W0, b0, g0, be0, W1, b1, g1, be1, W2, b2):
    pad_idx = (N + jnp.arange(EPAD - E, dtype=jnp.int32) % (NPAD - N))
    src2d = jnp.concatenate([edge_index[0], pad_idx]).reshape(EPAD // CHUNK, CHUNK)
    dst2d = jnp.concatenate([edge_index[1], pad_idx]).reshape(EPAD // CHUNK, CHUNK)
    srcx = jnp.stack([2 * src2d, 2 * src2d + 1])
    srcs = jnp.stack([src2d, NPAD + src2d])

    xpad = jnp.pad(x, ((0, NPAD - N), (0, 0)))

    ones_deg = jnp.ones((CHUNK, DEGW), jnp.float32)
    zeros_deg = jnp.zeros((ROWS_PT, DEGW), jnp.float32)
    zeros_dh = jnp.zeros((ROWS_PT, DH), jnp.float32)
    zeros_fin = jnp.zeros((ROWS_PT, N_CLASSES), jnp.float32)

    degp = _deg_sc(src2d, dst2d, ones_deg, zeros_deg)
    h0, norms = _layer_in_tc(xpad, degp, W0)
    p0 = _agg_col_sc(h0.reshape(2 * NPAD, DH), srcx, dst2d, zeros_dh)
    h1 = _layer_mid_tc(p0.reshape(2, NPAD // 2, D_HID), norms, b0, g0, be0, W1)
    p1 = _agg_col_sc(h1.reshape(2 * NPAD, DH), srcs, dst2d, zeros_dh)
    h2 = _layer_mid_tc(p1.reshape(2, NPAD // 2, D_HID), norms, b1, g1, be1, W2)
    p2 = _agg_fin_sc(h2.reshape(NPAD, N_CLASSES), src2d, dst2d, zeros_fin)
    return _final_tc(p2, norms, b2)

# --- scband reference (transcript-rebuilt; emitter-appended) ---
"""Pipeline reference for scband-gcn2-25159918420550 (READ-ONLY COPY).

The authoritative reference and input builder live on the scoring server;
editing this copy changes nothing except your own understanding.
"""

import jax, jax.numpy as jnp
import numpy as np

N = 10000
E = 320000
D_IN = 128
D_HID = 128
N_CLASSES = 40


def setup_inputs(seed: int = 0) -> dict:
    key = jax.random.key(seed)
    ks = jax.random.split(key, 8)
    x = jax.random.normal(ks[0], (N, D_IN), dtype=jnp.float32)
    edge_index = jax.random.randint(ks[1], (2, E), 0, N, dtype=jnp.int32)
    W0 = jax.random.normal(ks[2], (D_IN, D_HID), dtype=jnp.float32) * (1.0 / np.sqrt(D_IN))
    b0 = jnp.zeros((D_HID,), dtype=jnp.float32)
    g0 = jnp.ones((D_HID,), dtype=jnp.float32)
    be0 = jnp.zeros((D_HID,), dtype=jnp.float32)
    W1 = jax.random.normal(ks[3], (D_HID, D_HID), dtype=jnp.float32) * (1.0 / np.sqrt(D_HID))
    b1 = jnp.zeros((D_HID,), dtype=jnp.float32)
    g1 = jnp.ones((D_HID,), dtype=jnp.float32)
    be1 = jnp.zeros((D_HID,), dtype=jnp.float32)
    W2 = jax.random.normal(ks[4], (D_HID, N_CLASSES), dtype=jnp.float32) * (1.0 / np.sqrt(D_HID))
    b2 = jnp.zeros((N_CLASSES,), dtype=jnp.float32)
    return {"x": x, "edge_index": edge_index, "W0": W0, "b0": b0, "g0": g0, "be0": be0,
            "W1": W1, "b1": b1, "g1": g1, "be1": be1, "W2": W2, "b2": b2}


def _gcn_layer(x, src, dst, W, b):
    # DGL GraphConv with norm='both': D_out^{-1/2} -> linear -> sum-aggregate -> D_in^{-1/2} -> bias
    ones = jnp.ones((src.shape[0],), dtype=jnp.float32)
    deg_out = jnp.zeros((N,), dtype=jnp.float32).at[src].add(ones)
    deg_in = jnp.zeros((N,), dtype=jnp.float32).at[dst].add(ones)
    norm_src = jnp.where(deg_out > 0, deg_out ** -0.5, 0.0)
    norm_dst = jnp.where(deg_in > 0, deg_in ** -0.5, 0.0)
    h = x * norm_src[:, None]
    h = h @ W
    msg = jnp.take(h, src, axis=0)
    agg = jnp.zeros((N, h.shape[1]), dtype=h.dtype).at[dst].add(msg)
    return agg * norm_dst[:, None] + b


def _batch_norm(h, gamma, beta, eps=1e-5):
    mu = jnp.mean(h, axis=0)
    var = jnp.var(h, axis=0)  # biased, matching torch BatchNorm1d normalization
    return (h - mu) * jax.lax.rsqrt(var + eps) * gamma + beta


def reference(x, edge_index, W0, b0, g0, be0, W1, b1, g1, be1, W2, b2):
    src = edge_index[0]
    dst = edge_index[1]
    h = _gcn_layer(x, src, dst, W0, b0)
    h = _batch_norm(h, g0, be0)
    h = jax.nn.relu(h)
    h = _gcn_layer(h, src, dst, W1, b1)
    h = _batch_norm(h, g1, be1)
    h = jax.nn.relu(h)
    # dropout on final layer input is identity in eval mode
    h = _gcn_layer(h, src, dst, W2, b2)
    return h

if __name__ == "__main__":
    import jax
    _d = setup_inputs()
    print(jax.jit(kernel)(*tuple(_d.values())))

</pallas_src>

<mosaic_0001>
#map = affine_map<(d0, d1) -> (0, 0)>
#map1 = affine_map<(d0, d1) -> (0, 0, 0)>
module attributes {stable_mosaic.version = 14 : i64} {
  func.func @_agg_fin_sc(%arg0: i32, %arg1: i32, %arg2: memref<10240x40xf32, #tpu.memory_space<hbm>>, %arg3: memref<2560x128xi32, #tpu.memory_space<hbm>>, %arg4: memref<2560x128xi32, #tpu.memory_space<hbm>>, %arg5: memref<640x40xf32, #tpu.memory_space<hbm>>, %arg6: memref<2x10240x40xf32, #tpu.memory_space<hbm>>, %arg7: memref<80x128xi32, #tpu.memory_space<vmem>>, %arg8: memref<80x128xi32, #tpu.memory_space<vmem>>, %arg9: memref<128x40xf32, #tpu.memory_space<vmem>>, %arg10: memref<128x40xf32, #tpu.memory_space<vmem>>, %arg11: memref<128x40xf32, #tpu.memory_space<vmem>>, %arg12: memref<128x40xf32, #tpu.memory_space<vmem>>, %arg13: memref<10240x40xf32, #tpu.memory_space<vmem_shared>>, %arg14: memref<!tpu.dma_semaphore, #tpu.memory_space<semaphore_mem>>, %arg15: memref<!tpu.dma_semaphore, #tpu.memory_space<semaphore_mem>>, %arg16: memref<!tpu.dma_semaphore, #tpu.memory_space<semaphore_mem>>, %arg17: memref<!tpu.dma_semaphore, #tpu.memory_space<semaphore_mem>>, %arg18: memref<!tpu.dma_semaphore, #tpu.memory_space<semaphore_mem>>, %arg19: memref<!tpu.dma_semaphore, #tpu.memory_space<semaphore_mem>>, %arg20: memref<!tpu.dma_semaphore, #tpu.memory_space<semaphore_mem>>, %arg21: memref<!tpu.dma_semaphore, #tpu.memory_space<semaphore_mem>>) attributes {dimension_semantics = [#tpu.dimension_semantics<core_parallel>, #tpu.dimension_semantics<subcore_parallel>], iteration_bounds = array<i64: 2, 16>, scalar_prefetch = 0 : i64, scratch_operands = 15 : i64, tpu.core_type = #tpu.core_type<sc_vector_subcore>, window_params = [{transform_indices = #map}, {transform_indices = #map}, {transform_indices = #map}, {transform_indices = #map}, {transform_indices = #map1}]} {
    %mul3A = arith.constant 16 : i32
    %mul3A_0 = arith.muli %arg0, %mul3A : i32
    %add3A = arith.addi %mul3A_0, %arg1 : i32
    %mul3A_1 = arith.constant 640 : i32
    %mul3A_2 = arith.muli %arg1, %mul3A_1 : i32
    "tpu.region"() ({
      %run_scoped3A = tpu.sem_alloc : memref<!tpu.dma_semaphore, #tpu.memory_space<semaphore_mem>>
      %dma_start3A_71 = arith.constant 0 : i32
      %dma_start3A_72 = tpu.memref_slice %arg13[%mul3A_2, %dma_start3A_71] : memref<10240x40xf32, #tpu.memory_space<vmem_shared>> -> memref<640x40xf32, #tpu.memory_space<vmem_shared>>
      tpu.enqueue_dma source(%arg5 : memref<640x40xf32, #tpu.memory_space<hbm>>) target(%dma_start3A_72 : memref<640x40xf32, #tpu.memory_space<vmem_shared>>) target_semaphore(%run_scoped3A : memref<!tpu.dma_semaphore, #tpu.memory_space<semaphore_mem>>)
      %dma_wait3A_73 = arith.constant 0 : i32
      %dma_wait3A_74 = tpu.memref_slice %arg13[%mul3A_2, %dma_wait3A_73] : memref<10240x40xf32, #tpu.memory_space<vmem_shared>> -> memref<640x40xf32, #tpu.memory_space<vmem_shared>>
      tpu.wait_dma2 semaphore(%run_scoped3A : memref<!tpu.dma_semaphore, #tpu.memory_space<semaphore_mem>>) src(%arg5 : memref<640x40xf32, #tpu.memory_space<hbm>>) dst(%dma_wait3A_74 : memref<640x40xf32, #tpu.memory_space<vmem_shared>>)
      tpu.yield
    }) : () -> ()
    %mul3A_3 = arith.constant 80 : i32
    %mul3A_4 = arith.muli %add3A, %mul3A_3 : i32
    "tpu.region"() ({
      %run_scoped3A = tpu.sem_alloc : memref<!tpu.dma_semaphore, #tpu.memory_space<semaphore_mem>>
      %dma_start3A_71 = arith.constant 0 : i32
      %dma_start3A_72 = tpu.memref_slice %arg3[%mul3A_4, %dma_start3A_71] : memref<2560x128xi32, #tpu.memory_space<hbm>> -> memref<80x128xi32, #tpu.memory_space<hbm>>
      %dma_start3A_73 = arith.constant 0 : i32
      %dma_start3A_74 = tpu.memref_slice %arg3[%mul3A_4, %dma_start3A_73] : memref<2560x128xi32, #tpu.memory_space<hbm>> -> memref<80x128xi32, #tpu.memory_space<hbm>>
      tpu.enqueue_dma source(%dma_start3A_74 : memref<80x128xi32, #tpu.memory_space<hbm>>) target(%arg7 : memref<80x128xi32, #tpu.memory_space<vmem>>) target_semaphore(%run_scoped3A : memref<!tpu.dma_semaphore, #tpu.memory_space<semaphore_mem>>)
      %dma_wait3A_75 = arith.constant 0 : i32
      %dma_wait3A_76 = tpu.memref_slice %arg3[%mul3A_4, %dma_wait3A_75] : memref<2560x128xi32, #tpu.memory_space<hbm>> -> memref<80x128xi32, #tpu.memory_space<hbm>>
      %dma_wait3A_77 = arith.constant 0 : i32
      %dma_wait3A_78 = tpu.memref_slice %arg3[%mul3A_4, %dma_wait3A_77] : memref<2560x128xi32, #tpu.memory_space<hbm>> -> memref<80x128xi32, #tpu.memory_space<hbm>>
      tpu.wait_dma2 semaphore(%run_scoped3A : memref<!tpu.dma_semaphore, #tpu.memory_space<semaphore_mem>>) src(%dma_wait3A_78 : memref<80x128xi32, #tpu.memory_space<hbm>>) dst(%arg7 : memref<80x128xi32, #tpu.memory_space<vmem>>)
      tpu.yield
    }) : () -> ()
    %mul3A_5 = arith.constant 80 : i32
    %mul3A_6 = arith.muli %add3A, %mul3A_5 : i32
    "tpu.region"() ({
      %run_scoped3A = tpu.sem_alloc : memref<!tpu.dma_semaphore, #tpu.memory_space<semaphore_mem>>
      %dma_start3A_71 = arith.constant 0 : i32
      %dma_start3A_72 = tpu.memref_slice %arg4[%mul3A_6, %dma_start3A_71] : memref<2560x128xi32, #tpu.memory_space<hbm>> -> memref<80x128xi32, #tpu.memory_space<hbm>>
      %dma_start3A_73 = arith.constant 0 : i32
      %dma_start3A_74 = tpu.memref_slice %arg4[%mul3A_6, %dma_start3A_73] : memref<2560x128xi32, #tpu.memory_space<hbm>> -> memref<80x128xi32, #tpu.memory_space<hbm>>
      tpu.enqueue_dma source(%dma_start3A_74 : memref<80x128xi32, #tpu.memory_space<hbm>>) target(%arg8 : memref<80x128xi32, #tpu.memory_space<vmem>>) target_semaphore(%run_scoped3A : memref<!tpu.dma_semaphore, #tpu.memory_space<semaphore_mem>>)
      %dma_wait3A_75 = arith.constant 0 : i32
      %dma_wait3A_76 = tpu.memref_slice %arg4[%mul3A_6, %dma_wait3A_75] : memref<2560x128xi32, #tpu.memory_space<hbm>> -> memref<80x128xi32, #tpu.memory_space<hbm>>
      %dma_wait3A_77 = arith.constant 0 : i32
      %dma_wait3A_78 = tpu.memref_slice %arg4[%mul3A_6, %dma_wait3A_77] : memref<2560x128xi32, #tpu.memory_space<hbm>> -> memref<80x128xi32, #tpu.memory_space<hbm>>
      tpu.wait_dma2 semaphore(%run_scoped3A : memref<!tpu.dma_semaphore, #tpu.memory_space<semaphore_mem>>) src(%dma_wait3A_78 : memref<80x128xi32, #tpu.memory_space<hbm>>) dst(%arg8 : memref<80x128xi32, #tpu.memory_space<vmem>>)
      tpu.yield
    }) : () -> ()
    %barrier3A = arith.constant 0 : index
    tpu.barrier barrier_id(%barrier3A)
    %dma_start3A = arith.constant 0 : i32
    %dma_start3A_7 = arith.constant 0 : i32
    %dma_start3A_8 = tpu.memref_slice %arg7[%dma_start3A, %dma_start3A_7] : memref<80x128xi32, #tpu.memory_space<vmem>> -> memref<1x128xi32, #tpu.memory_space<vmem>>
    %dma_start3A_9 = tpu.memref_squeeze %dma_start3A_8 : memref<1x128xi32, #tpu.memory_space<vmem>> -> memref<128xi32, #tpu.memory_space<vmem>>
    %dma_start3A_10 = arith.constant 0 : i32
    %dma_start3A_11 = arith.constant 0 : i32
    %dma_start3A_12 = tpu.memref_slice %arg2[%dma_start3A_10, %dma_start3A_11] : memref<10240x40xf32, #tpu.memory_space<hbm>> -> memref<10240x40xf32, #tpu.memory_space<hbm>>
    tpu.enqueue_indirect_dma source(%dma_start3A_12 : memref<10240x40xf32, #tpu.memory_space<hbm>>) target(%arg9 : memref<128x40xf32, #tpu.memory_space<vmem>>) offsets(%dma_start3A_9 : memref<128xi32, #tpu.memory_space<vmem>>) semaphore(%arg14 : memref<!tpu.dma_semaphore, #tpu.memory_space<semaphore_mem>>)
    %dma_start3A_13 = arith.constant 1 : i32
    %dma_start3A_14 = arith.constant 0 : i32
    %dma_start3A_15 = tpu.memref_slice %arg7[%dma_start3A_13, %dma_start3A_14] : memref<80x128xi32, #tpu.memory_space<vmem>> -> memref<1x128xi32, #tpu.memory_space<vmem>>
    %dma_start3A_16 = tpu.memref_squeeze %dma_start3A_15 : memref<1x128xi32, #tpu.memory_space<vmem>> -> memref<128xi32, #tpu.memory_space<vmem>>
    %dma_start3A_17 = arith.constant 0 : i32
    %dma_start3A_18 = arith.constant 0 : i32
    %dma_start3A_19 = tpu.memref_slice %arg2[%dma_start3A_17, %dma_start3A_18] : memref<10240x40xf32, #tpu.memory_space<hbm>> -> memref<10240x40xf32, #tpu.memory_space<hbm>>
    tpu.enqueue_indirect_dma source(%dma_start3A_19 : memref<10240x40xf32, #tpu.memory_space<hbm>>) target(%arg10 : memref<128x40xf32, #tpu.memory_space<vmem>>) offsets(%dma_start3A_16 : memref<128xi32, #tpu.memory_space<vmem>>) semaphore(%arg15 : memref<!tpu.dma_semaphore, #tpu.memory_space<semaphore_mem>>)
    %dma_start3A_20 = arith.constant 2 : i32
    %dma_start3A_21 = arith.constant 0 : i32
    %dma_start3A_22 = tpu.memref_slice %arg7[%dma_start3A_20, %dma_start3A_21] : memref<80x128xi32, #tpu.memory_space<vmem>> -> memref<1x128xi32, #tpu.memory_space<vmem>>
    %dma_start3A_23 = tpu.memref_squeeze %dma_start3A_22 : memref<1x128xi32, #tpu.memory_space<vmem>> -> memref<128xi32, #tpu.memory_space<vmem>>
    %dma_start3A_24 = arith.constant 0 : i32
    %dma_start3A_25 = arith.constant 0 : i32
    %dma_start3A_26 = tpu.memref_slice %arg2[%dma_start3A_24, %dma_start3A_25] : memref<10240x40xf32, #tpu.memory_space<hbm>> -> memref<10240x40xf32, #tpu.memory_space<hbm>>
    tpu.enqueue_indirect_dma source(%dma_start3A_26 : memref<10240x40xf32, #tpu.memory_space<hbm>>) target(%arg11 : memref<128x40xf32, #tpu.memory_space<vmem>>) offsets(%dma_start3A_23 : memref<128xi32, #tpu.memory_space<vmem>>) semaphore(%arg16 : memref<!tpu.dma_semaphore, #tpu.memory_space<semaphore_mem>>)
    %dma_start3A_27 = arith.constant 3 : i32
    %dma_start3A_28 = arith.constant 0 : i32
    %dma_start3A_29 = tpu.memref_slice %arg7[%dma_start3A_27, %dma_start3A_28] : memref<80x128xi32, #tpu.memory_space<vmem>> -> memref<1x128xi32, #tpu.memory_space<vmem>>
    %dma_start3A_30 = tpu.memref_squeeze %dma_start3A_29 : memref<1x128xi32, #tpu.memory_space<vmem>> -> memref<128xi32, #tpu.memory_space<vmem>>
    %dma_start3A_31 = arith.constant 0 : i32
    %dma_start3A_32 = arith.constant 0 : i32
    %dma_start3A_33 = tpu.memref_slice %arg2[%dma_start3A_31, %dma_start3A_32] : memref<10240x40xf32, #tpu.memory_space<hbm>> -> memref<10240x40xf32, #tpu.memory_space<hbm>>
    tpu.enqueue_indirect_dma source(%dma_start3A_33 : memref<10240x40xf32, #tpu.memory_space<hbm>>) target(%arg12 : memref<128x40xf32, #tpu.memory_space<vmem>>) offsets(%dma_start3A_30 : memref<128xi32, #tpu.memory_space<vmem>>) semaphore(%arg17 : memref<!tpu.dma_semaphore, #tpu.memory_space<semaphore_mem>>)
    %scan3A = arith.constant 0 : i32
    %scan3A_34 = arith.constant 0 : i32
    %scan3A_35 = arith.constant 20 : i32
    %scan3A_36 = arith.addi %scan3A_34, %scan3A_35 : i32
    %scan3A_37 = arith.constant 1 : i32
    scf.for %scan3A_71 = %scan3A_34 to %scan3A_36 step %scan3A_37  : i32 {
      %mul3A_72 = arith.constant 4 : i32
      %mul3A_73 = arith.muli %scan3A_71, %mul3A_72 : i32
      %add3A_74 = arith.constant 0 : i32
      %add3A_75 = arith.addi %mul3A_73, %add3A_74 : i32
      %dma_wait3A_76 = arith.constant 0 : i32
      %dma_wait3A_77 = tpu.memref_slice %arg7[%add3A_75, %dma_wait3A_76] : memref<80x128xi32, #tpu.memory_space<vmem>> -> memref<1x128xi32, #tpu.memory_space<vmem>>
      %dma_wait3A_78 = tpu.memref_squeeze %dma_wait3A_77 : memref<1x128xi32, #tpu.memory_space<vmem>> -> memref<128xi32, #tpu.memory_space<vmem>>
      %dma_wait3A_79 = arith.constant 0 : i32
      %dma_wait3A_80 = arith.constant 0 : i32
      %dma_wait3A_81 = tpu.memref_slice %arg2[%dma_wait3A_79, %dma_wait3A_80] : memref<10240x40xf32, #tpu.memory_space<hbm>> -> memref<10240x40xf32, #tpu.memory_space<hbm>>
      tpu.wait_indirect_dma semaphore(%arg14 : memref<!tpu.dma_semaphore, #tpu.memory_space<semaphore_mem>>) src(%dma_wait3A_81 : memref<10240x40xf32, #tpu.memory_space<hbm>>) dst(%arg9 : memref<128x40xf32, #tpu.memory_space<vmem>>)
      %dma_start3A_82 = arith.constant 0 : i32
      %dma_start3A_83 = tpu.memref_slice %arg8[%add3A_75, %dma_start3A_82] : memref<80x128xi32, #tpu.memory_space<vmem>> -> memref<1x128xi32, #tpu.memory_space<vmem>>
      %dma_start3A_84 = tpu.memref_squeeze %dma_start3A_83 : memref<1x128xi32, #tpu.memory_space<vmem>> -> memref<128xi32, #tpu.memory_space<vmem>>
      %dma_start3A_85 = arith.constant 0 : i32
      %dma_start3A_86 = arith.constant 0 : i32
      %dma_start3A_87 = tpu.memref_slice %arg13[%dma_start3A_85, %dma_start3A_86] : memref<10240x40xf32, #tpu.memory_space<vmem_shared>> -> memref<10240x40xf32, #tpu.memory_space<vmem_shared>>
      tpu.enqueue_indirect_dma source(%arg9 : memref<128x40xf32, #tpu.memory_space<vmem>>) target(%dma_start3A_87 : memref<10240x40xf32, #tpu.memory_space<vmem_shared>>) offsets(%dma_start3A_84 : memref<128xi32, #tpu.memory_space<vmem>>) semaphore(%arg18 : memref<!tpu.dma_semaphore, #tpu.memory_space<semaphore_mem>>) {add = true}
      %add3A_88 = arith.constant 4 : i32
      %add3A_89 = arith.addi %add3A_75, %add3A_88 : i32
      %min3A = arith.constant 79 : i32
      %min3A_90 = arith.minsi %add3A_89, %min3A : i32
      %add3A_91 = arith.constant 4 : i32
      %add3A_92 = arith.addi %add3A_75, %add3A_91 : i32
      %lt3A = arith.constant 80 : i32
      %lt3A_93 = arith.cmpi slt, %add3A_92, %lt3A : i32
      %convert_element_type3A = arith.extui %lt3A_93 : i1 to i32
      %cond3A = arith.constant 0 : i32
      %cond3A_94 = arith.cmpi ne, %convert_element_type3A, %cond3A : i32
      scf.if %cond3A_94 {
        %dma_wait3A_176 = arith.constant 0 : i32
        %dma_wait3A_177 = tpu.memref_slice %arg8[%add3A_75, %dma_wait3A_176] : memref<80x128xi32, #tpu.memory_space<vmem>> -> memref<1x128xi32, #tpu.memory_space<vmem>>
        %dma_wait3A_178 = tpu.memref_squeeze %dma_wait3A_177 : memref<1x128xi32, #tpu.memory_space<vmem>> -> memref<128xi32, #tpu.memory_space<vmem>>
        %dma_wait3A_179 = arith.constant 0 : i32
        %dma_wait3A_180 = arith.constant 0 : i32
        %dma_wait3A_181 = tpu.memref_slice %arg13[%dma_wait3A_179, %dma_wait3A_180] : memref<10240x40xf32, #tpu.memory_space<vmem_shared>> -> memref<10240x40xf32, #tpu.memory_space<vmem_shared>>
        tpu.wait_indirect_dma semaphore(%arg18 : memref<!tpu.dma_semaphore, #tpu.memory_space<semaphore_mem>>) src(%arg9 : memref<128x40xf32, #tpu.memory_space<vmem>>) dst(%dma_wait3A_181 : memref<10240x40xf32, #tpu.memory_space<vmem_shared>>)
        %dma_start3A_182 = arith.constant 0 : i32
        %dma_start3A_183 = tpu.memref_slice %arg7[%min3A_90, %dma_start3A_182] : memref<80x128xi32, #tpu.memory_space<vmem>> -> memref<1x128xi32, #tpu.memory_space<vmem>>
        %dma_start3A_184 = tpu.memref_squeeze %dma_start3A_183 : memref<1x128xi32, #tpu.memory_space<vmem>> -> memref<128xi32, #tpu.memory_space<vmem>>
        %dma_start3A_185 = arith.constant 0 : i32
        %dma_start3A_186 = arith.constant 0 : i32
        %dma_start3A_187 = tpu.memref_slice %arg2[%dma_start3A_185, %dma_start3A_186] : memref<10240x40xf32, #tpu.memory_space<hbm>> -> memref<10240x40xf32, #tpu.memory_space<hbm>>
        tpu.enqueue_indirect_dma source(%dma_start3A_187 : memref<10240x40xf32, #tpu.memory_space<hbm>>) target(%arg9 : memref<128x40xf32, #tpu.memory_space<vmem>>) offsets(%dma_start3A_184 : memref<128xi32, #tpu.memory_space<vmem>>) semaphore(%arg14 : memref<!tpu.dma_semaphore, #tpu.memory_space<semaphore_mem>>)
      } else {
      }
      %mul3A_95 = arith.constant 4 : i32
      %mul3A_96 = arith.muli %scan3A_71, %mul3A_95 : i32
      %add3A_97 = arith.constant 1 : i32
      %add3A_98 = arith.addi %mul3A_96, %add3A_97 : i32
      %dma_wait3A_99 = arith.constant 0 : i32
      %dma_wait3A_100 = tpu.memref_slice %arg7[%add3A_98, %dma_wait3A_99] : memref<80x128xi32, #tpu.memory_space<vmem>> -> memref<1x128xi32, #tpu.memory_space<vmem>>
      %dma_wait3A_101 = tpu.memref_squeeze %dma_wait3A_100 : memref<1x128xi32, #tpu.memory_space<vmem>> -> memref<128xi32, #tpu.memory_space<vmem>>
      %dma_wait3A_102 = arith.constant 0 : i32
      %dma_wait3A_103 = arith.constant 0 : i32
      %dma_wait3A_104 = tpu.memref_slice %arg2[%dma_wait3A_102, %dma_wait3A_103] : memref<10240x40xf32, #tpu.memory_space<hbm>> -> memref<10240x40xf32, #tpu.memory_space<hbm>>
      tpu.wait_indirect_dma semaphore(%arg15 : memref<!tpu.dma_semaphore, #tpu.memory_space<semaphore_mem>>) src(%dma_wait3A_104 : memref<10240x40xf32, #tpu.memory_space<hbm>>) dst(%arg10 : memref<128x40xf32, #tpu.memory_space<vmem>>)
      %dma_start3A_105 = arith.constant 0 : i32
      %dma_start3A_106 = tpu.memref_slice %arg8[%add3A_98, %dma_start3A_105] : memref<80x128xi32, #tpu.memory_space<vmem>> -> memref<1x128xi32, #tpu.memory_space<vmem>>
      %dma_start3A_107 = tpu.memref_squeeze %dma_start3A_106 : memref<1x128xi32, #tpu.memory_space<vmem>> -> memref<128xi32, #tpu.memory_space<vmem>>
      %dma_start3A_108 = arith.constant 0 : i32
      %dma_start3A_109 = arith.constant 0 : i32
      %dma_start3A_110 = tpu.memref_slice %arg13[%dma_start3A_108, %dma_start3A_109] : memref<10240x40xf32, #tpu.memory_space<vmem_shared>> -> memref<10240x40xf32, #tpu.memory_space<vmem_shared>>
      tpu.enqueue_indirect_dma source(%arg10 : memref<128x40xf32, #tpu.memory_space<vmem>>) target(%dma_start3A_110 : memref<10240x40xf32, #tpu.memory_space<vmem_shared>>) offsets(%dma_start3A_107 : memref<128xi32, #tpu.memory_space<vmem>>) semaphore(%arg19 : memref<!tpu.dma_semaphore, #tpu.memory_space<semaphore_mem>>) {add = true}
      %add3A_111 = arith.constant 4 : i32
      %add3A_112 = arith.addi %add3A_98, %add3A_111 : i32
      %min3A_113 = arith.constant 79 : i32
      %min3A_114 = arith.minsi %add3A_112, %min3A_113 : i32
      %add3A_115 = arith.constant 4 : i32
      %add3A_116 = arith.addi %add3A_98, %add3A_115 : i32
      %lt3A_117 = arith.constant 80 : i32
      %lt3A_118 = arith.cmpi slt, %add3A_116, %lt3A_117 : i32
      %convert_element_type3A_119 = arith.extui %lt3A_118 : i1 to i32
      %cond3A_120 = arith.constant 0 : i32
      %cond3A_121 = arith.cmpi ne, %convert_element_type3A_119, %cond3A_120 : i32
      scf.if %cond3A_121 {
        %dma_wait3A_176 = arith.constant 0 : i32
        %dma_wait3A_177 = tpu.memref_slice %arg8[%add3A_98, %dma_wait3A_176] : memref<80x128xi32, #tpu.memory_space<vmem>> -> memref<1x128xi32, #tpu.memory_space<vmem>>
        %dma_wait3A_178 = tpu.memref_squeeze %dma_wait3A_177 : memref<1x128xi32, #tpu.memory_space<vmem>> -> memref<128xi32, #tpu.memory_space<vmem>>
        %dma_wait3A_179 = arith.constant 0 : i32
        %dma_wait3A_180 = arith.constant 0 : i32
        %dma_wait3A_181 = tpu.memref_slice %arg13[%dma_wait3A_179, %dma_wait3A_180] : memref<10240x40xf32, #tpu.memory_space<vmem_shared>> -> memref<10240x40xf32, #tpu.memory_space<vmem_shared>>
        tpu.wait_indirect_dma semaphore(%arg19 : memref<!tpu.dma_semaphore, #tpu.memory_space<semaphore_mem>>) src(%arg10 : memref<128x40xf32, #tpu.memory_space<vmem>>) dst(%dma_wait3A_181 : memref<10240x40xf32, #tpu.memory_space<vmem_shared>>)
        %dma_start3A_182 = arith.constant 0 : i32
        %dma_start3A_183 = tpu.memref_slice %arg7[%min3A_114, %dma_start3A_182] : memref<80x128xi32, #tpu.memory_space<vmem>> -> memref<1x128xi32, #tpu.memory_space<vmem>>
        %dma_start3A_184 = tpu.memref_squeeze %dma_start3A_183 : memref<1x128xi32, #tpu.memory_space<vmem>> -> memref<128xi32, #tpu.memory_space<vmem>>
        %dma_start3A_185 = arith.constant 0 : i32
        %dma_start3A_186 = arith.constant 0 : i32
        %dma_start3A_187 = tpu.memref_slice %arg2[%dma_start3A_185, %dma_start3A_186] : memref<10240x40xf32, #tpu.memory_space<hbm>> -> memref<10240x40xf32, #tpu.memory_space<hbm>>
        tpu.enqueue_indirect_dma source(%dma_start3A_187 : memref<10240x40xf32, #tpu.memory_space<hbm>>) target(%arg10 : memref<128x40xf32, #tpu.memory_space<vmem>>) offsets(%dma_start3A_184 : memref<128xi32, #tpu.memory_space<vmem>>) semaphore(%arg15 : memref<!tpu.dma_semaphore, #tpu.memory_space<semaphore_mem>>)
      } else {
      }
      %mul3A_122 = arith.constant 4 : i32
      %mul3A_123 = arith.muli %scan3A_71, %mul3A_122 : i32
      %add3A_124 = arith.constant 2 : i32
      %add3A_125 = arith.addi %mul3A_123, %add3A_124 : i32
      %dma_wait3A_126 = arith.constant 0 : i32
      %dma_wait3A_127 = tpu.memref_slice %arg7[%add3A_125, %dma_wait3A_126] : memref<80x128xi32, #tpu.memory_space<vmem>> -> memref<1x128xi32, #tpu.memory_space<vmem>>
      %dma_wait3A_128 = tpu.memref_squeeze %dma_wait3A_127 : memref<1x128xi32, #tpu.memory_space<vmem>> -> memref<128xi32, #tpu.memory_space<vmem>>
      %dma_wait3A_129 = arith.constant 0 : i32
      %dma_wait3A_130 = arith.constant 0 : i32
      %dma_wait3A_131 = tpu.memref_slice %arg2[%dma_wait3A_129, %dma_wait3A_130] : memref<10240x40xf32, #tpu.memory_space<hbm>> -> memref<10240x40xf32, #tpu.memory_space<hbm>>
      tpu.wait_indirect_dma semaphore(%arg16 : memref<!tpu.dma_semaphore, #tpu.memory_space<semaphore_mem>>) src(%dma_wait3A_131 : memref<10240x40xf32, #tpu.memory_space<hbm>>) dst(%arg11 : memref<128x40xf32, #tpu.memory_space<vmem>>)
      %dma_start3A_132 = arith.constant 0 : i32
      %dma_start3A_133 = tpu.memref_slice %arg8[%add3A_125, %dma_start3A_132] : memref<80x128xi32, #tpu.memory_space<vmem>> -> memref<1x128xi32, #tpu.memory_space<vmem>>
      %dma_start3A_134 = tpu.memref_squeeze %dma_start3A_133 : memref<1x128xi32, #tpu.memory_space<vmem>> -> memref<128xi32, #tpu.memory_space<vmem>>
      %dma_start3A_135 = arith.constant 0 : i32
      %dma_start3A_136 = arith.constant 0 : i32
      %dma_start3A_137 = tpu.memref_slice %arg13[%dma_start3A_135, %dma_start3A_136] : memref<10240x40xf32, #tpu.memory_space<vmem_shared>> -> memref<10240x40xf32, #tpu.memory_space<vmem_shared>>
      tpu.enqueue_indirect_dma source(%arg11 : memref<128x40xf32, #tpu.memory_space<vmem>>) target(%dma_start3A_137 : memref<10240x40xf32, #tpu.memory_space<vmem_shared>>) offsets(%dma_start3A_134 : memref<128xi32, #tpu.memory_space<vmem>>) semaphore(%arg20 : memref<!tpu.dma_semaphore, #tpu.memory_space<semaphore_mem>>) {add = true}
      %add3A_138 = arith.constant 4 : i32
      %add3A_139 = arith.addi %add3A_125, %add3A_138 : i32
      %min3A_140 = arith.constant 79 : i32
      %min3A_141 = arith.minsi %add3A_139, %min3A_140 : i32
      %add3A_142 = arith.constant 4 : i32
      %add3A_143 = arith.addi %add3A_125, %add3A_142 : i32
      %lt3A_144 = arith.constant 80 : i32
      %lt3A_145 = arith.cmpi slt, %add3A_143, %lt3A_144 : i32
      %convert_element_type3A_146 = arith.extui %lt3A_145 : i1 to i32
      %cond3A_147 = arith.constant 0 : i32
      %cond3A_148 = arith.cmpi ne, %convert_element_type3A_146, %cond3A_147 : i32
      scf.if %cond3A_148 {
        %dma_wait3A_176 = arith.constant 0 : i32
        %dma_wait3A_177 = tpu.memref_slice %arg8[%add3A_125, %dma_wait3A_176] : memref<80x128xi32, #tpu.memory_space<vmem>> -> memref<1x128xi32, #tpu.memory_space<vmem>>
        %dma_wait3A_178 = tpu.memref_squeeze %dma_wait3A_177 : memref<1x128xi32, #tpu.memory_space<vmem>> -> memref<128xi32, #tpu.memory_space<vmem>>
        %dma_wait3A_179 = arith.constant 0 : i32
        %dma_wait3A_180 = arith.constant 0 : i32
        %dma_wait3A_181 = tpu.memref_slice %arg13[%dma_wait3A_179, %dma_wait3A_180] : memref<10240x40xf32, #tpu.memory_space<vmem_shared>> -> memref<10240x40xf32, #tpu.memory_space<vmem_shared>>
        tpu.wait_indirect_dma semaphore(%arg20 : memref<!tpu.dma_semaphore, #tpu.memory_space<semaphore_mem>>) src(%arg11 : memref<128x40xf32, #tpu.memory_space<vmem>>) dst(%dma_wait3A_181 : memref<10240x40xf32, #tpu.memory_space<vmem_shared>>)
        %dma_start3A_182 = arith.constant 0 : i32
        %dma_start3A_183 = tpu.memref_slice %arg7[%min3A_141, %dma_start3A_182] : memref<80x128xi32, #tpu.memory_space<vmem>> -> memref<1x128xi32, #tpu.memory_space<vmem>>
        %dma_start3A_184 = tpu.memref_squeeze %dma_start3A_183 : memref<1x128xi32, #tpu.memory_space<vmem>> -> memref<128xi32, #tpu.memory_space<vmem>>
        %dma_start3A_185 = arith.constant 0 : i32
        %dma_start3A_186 = arith.constant 0 : i32
        %dma_start3A_187 = tpu.memref_slice %arg2[%dma_start3A_185, %dma_start3A_186] : memref<10240x40xf32, #tpu.memory_space<hbm>> -> memref<10240x40xf32, #tpu.memory_space<hbm>>
        tpu.enqueue_indirect_dma source(%dma_start3A_187 : memref<10240x40xf32, #tpu.memory_space<hbm>>) target(%arg11 : memref<128x40xf32, #tpu.memory_space<vmem>>) offsets(%dma_start3A_184 : memref<128xi32, #tpu.memory_space<vmem>>) semaphore(%arg16 : memref<!tpu.dma_semaphore, #tpu.memory_space<semaphore_mem>>)
      } else {
      }
      %mul3A_149 = arith.constant 4 : i32
      %mul3A_150 = arith.muli %scan3A_71, %mul3A_149 : i32
      %add3A_151 = arith.constant 3 : i32
      %add3A_152 = arith.addi %mul3A_150, %add3A_151 : i32
      %dma_wait3A_153 = arith.constant 0 : i32
      %dma_wait3A_154 = tpu.memref_slice %arg7[%add3A_152, %dma_wait3A_153] : memref<80x128xi32, #tpu.memory_space<vmem>> -> memref<1x128xi32, #tpu.memory_space<vmem>>
      %dma_wait3A_155 = tpu.memref_squeeze %dma_wait3A_154 : memref<1x128xi32, #tpu.memory_space<vmem>> -> memref<128xi32, #tpu.memory_space<vmem>>
      %dma_wait3A_156 = arith.constant 0 : i32
      %dma_wait3A_157 = arith.constant 0 : i32
      %dma_wait3A_158 = tpu.memref_slice %arg2[%dma_wait3A_156, %dma_wait3A_157] : memref<10240x40xf32, #tpu.memory_space<hbm>> -> memref<10240x40xf32, #tpu.memory_space<hbm>>
      tpu.wait_indirect_dma semaphore(%arg17 : memref<!tpu.dma_semaphore, #tpu.memory_space<semaphore_mem>>) src(%dma_wait3A_158 : memref<10240x40xf32, #tpu.memory_space<hbm>>) dst(%arg12 : memref<128x40xf32, #tpu.memory_space<vmem>>)
      %dma_start3A_159 = arith.constant 0 : i32
      %dma_start3A_160 = tpu.memref_slice %arg8[%add3A_152, %dma_start3A_159] : memref<80x128xi32, #tpu.memory_space<vmem>> -> memref<1x128xi32, #tpu.memory_space<vmem>>
      %dma_start3A_161 = tpu.memref_squeeze %dma_start3A_160 : memref<1x128xi32, #tpu.memory_space<vmem>> -> memref<128xi32, #tpu.memory_space<vmem>>
      %dma_start3A_162 = arith.constant 0 : i32
      %dma_start3A_163 = arith.constant 0 : i32
      %dma_start3A_164 = tpu.memref_slice %arg13[%dma_start3A_162, %dma_start3A_163] : memref<10240x40xf32, #tpu.memory_space<vmem_shared>> -> memref<10240x40xf32, #tpu.memory_space<vmem_shared>>
      tpu.enqueue_indirect_dma source(%arg12 : memref<128x40xf32, #tpu.memory_space<vmem>>) target(%dma_start3A_164 : memref<10240x40xf32, #tpu.memory_space<vmem_shared>>) offsets(%dma_start3A_161 : memref<128xi32, #tpu.memory_space<vmem>>) semaphore(%arg21 : memref<!tpu.dma_semaphore, #tpu.memory_space<semaphore_mem>>) {add = true}
      %add3A_165 = arith.constant 4 : i32
      %add3A_166 = arith.addi %add3A_152, %add3A_165 : i32
      %min3A_167 = arith.constant 79 : i32
      %min3A_168 = arith.minsi %add3A_166, %min3A_167 : i32
      %add3A_169 = arith.constant 4 : i32
      %add3A_170 = arith.addi %add3A_152, %add3A_169 : i32
      %lt3A_171 = arith.constant 80 : i32
      %lt3A_172 = arith.cmpi slt, %add3A_170, %lt3A_171 : i32
      %convert_element_type3A_173 = arith.extui %lt3A_172 : i1 to i32
      %cond3A_174 = arith.constant 0 : i32
      %cond3A_175 = arith.cmpi ne, %convert_element_type3A_173, %cond3A_174 : i32
      scf.if %cond3A_175 {
        %dma_wait3A_176 = arith.constant 0 : i32
        %dma_wait3A_177 = tpu.memref_slice %arg8[%add3A_152, %dma_wait3A_176] : memref<80x128xi32, #tpu.memory_space<vmem>> -> memref<1x128xi32, #tpu.memory_space<vmem>>
        %dma_wait3A_178 = tpu.memref_squeeze %dma_wait3A_177 : memref<1x128xi32, #tpu.memory_space<vmem>> -> memref<128xi32, #tpu.memory_space<vmem>>
        %dma_wait3A_179 = arith.constant 0 : i32
        %dma_wait3A_180 = arith.constant 0 : i32
        %dma_wait3A_181 = tpu.memref_slice %arg13[%dma_wait3A_179, %dma_wait3A_180] : memref<10240x40xf32, #tpu.memory_space<vmem_shared>> -> memref<10240x40xf32, #tpu.memory_space<vmem_shared>>
        tpu.wait_indirect_dma semaphore(%arg21 : memref<!tpu.dma_semaphore, #tpu.memory_space<semaphore_mem>>) src(%arg12 : memref<128x40xf32, #tpu.memory_space<vmem>>) dst(%dma_wait3A_181 : memref<10240x40xf32, #tpu.memory_space<vmem_shared>>)
        %dma_start3A_182 = arith.constant 0 : i32
        %dma_start3A_183 = tpu.memref_slice %arg7[%min3A_168, %dma_start3A_182] : memref<80x128xi32, #tpu.memory_space<vmem>> -> memref<1x128xi32, #tpu.memory_space<vmem>>
        %dma_start3A_184 = tpu.memref_squeeze %dma_start3A_183 : memref<1x128xi32, #tpu.memory_space<vmem>> -> memref<128xi32, #tpu.memory_space<vmem>>
        %dma_start3A_185 = arith.constant 0 : i32
        %dma_start3A_186 = arith.constant 0 : i32
        %dma_start3A_187 = tpu.memref_slice %arg2[%dma_start3A_185, %dma_start3A_186] : memref<10240x40xf32, #tpu.memory_space<hbm>> -> memref<10240x40xf32, #tpu.memory_space<hbm>>
        tpu.enqueue_indirect_dma source(%dma_start3A_187 : memref<10240x40xf32, #tpu.memory_space<hbm>>) target(%arg12 : memref<128x40xf32, #tpu.memory_space<vmem>>) offsets(%dma_start3A_184 : memref<128xi32, #tpu.memory_space<vmem>>) semaphore(%arg17 : memref<!tpu.dma_semaphore, #tpu.memory_space<semaphore_mem>>)
      } else {
      }
    }
    %scan3A_38 = arith.constant 20 : i32
    %dma_wait3A = arith.constant 0 : i32
    %dma_wait3A_39 = arith.constant 0 : i32
    %dma_wait3A_40 = tpu.memref_slice %arg8[%dma_wait3A, %dma_wait3A_39] : memref<80x128xi32, #tpu.memory_space<vmem>> -> memref<1x128xi32, #tpu.memory_space<vmem>>
    %dma_wait3A_41 = tpu.memref_squeeze %dma_wait3A_40 : memref<1x128xi32, #tpu.memory_space<vmem>> -> memref<128xi32, #tpu.memory_space<vmem>>
    %dma_wait3A_42 = arith.constant 0 : i32
    %dma_wait3A_43 = arith.constant 0 : i32
    %dma_wait3A_44 = tpu.memref_slice %arg13[%dma_wait3A_42, %dma_wait3A_43] : memref<10240x40xf32, #tpu.memory_space<vmem_shared>> -> memref<10240x40xf32, #tpu.memory_space<vmem_shared>>
    tpu.wait_indirect_dma semaphore(%arg18 : memref<!tpu.dma_semaphore, #tpu.memory_space<semaphore_mem>>) src(%arg9 : memref<128x40xf32, #tpu.memory_space<vmem>>) dst(%dma_wait3A_44 : memref<10240x40xf32, #tpu.memory_space<vmem_shared>>)
    %dma_wait3A_45 = arith.constant 0 : i32
    %dma_wait3A_46 = arith.constant 0 : i32
    %dma_wait3A_47 = tpu.memref_slice %arg8[%dma_wait3A_45, %dma_wait3A_46] : memref<80x128xi32, #tpu.memory_space<vmem>> -> memref<1x128xi32, #tpu.memory_space<vmem>>
    %dma_wait3A_48 = tpu.memref_squeeze %dma_wait3A_47 : memref<1x128xi32, #tpu.memory_space<vmem>> -> memref<128xi32, #tpu.memory_space<vmem>>
    %dma_wait3A_49 = arith.constant 0 : i32
    %dma_wait3A_50 = arith.constant 0 : i32
    %dma_wait3A_51 = tpu.memref_slice %arg13[%dma_wait3A_49, %dma_wait3A_50] : memref<10240x40xf32, #tpu.memory_space<vmem_shared>> -> memref<10240x40xf32, #tpu.memory_space<vmem_shared>>
    tpu.wait_indirect_dma semaphore(%arg19 : memref<!tpu.dma_semaphore, #tpu.memory_space<semaphore_mem>>) src(%arg10 : memref<128x40xf32, #tpu.memory_space<vmem>>) dst(%dma_wait3A_51 : memref<10240x40xf32, #tpu.memory_space<vmem_shared>>)
    %dma_wait3A_52 = arith.constant 0 : i32
    %dma_wait3A_53 = arith.constant 0 : i32
    %dma_wait3A_54 = tpu.memref_slice %arg8[%dma_wait3A_52, %dma_wait3A_53] : memref<80x128xi32, #tpu.memory_space<vmem>> -> memref<1x128xi32, #tpu.memory_space<vmem>>
    %dma_wait3A_55 = tpu.memref_squeeze %dma_wait3A_54 : memref<1x128xi32, #tpu.memory_space<vmem>> -> memref<128xi32, #tpu.memory_space<vmem>>
    %dma_wait3A_56 = arith.constant 0 : i32
    %dma_wait3A_57 = arith.constant 0 : i32
    %dma_wait3A_58 = tpu.memref_slice %arg13[%dma_wait3A_56, %dma_wait3A_57] : memref<10240x40xf32, #tpu.memory_space<vmem_shared>> -> memref<10240x40xf32, #tpu.memory_space<vmem_shared>>
    tpu.wait_indirect_dma semaphore(%arg20 : memref<!tpu.dma_semaphore, #tpu.memory_space<semaphore_mem>>) src(%arg11 : memref<128x40xf32, #tpu.memory_space<vmem>>) dst(%dma_wait3A_58 : memref<10240x40xf32, #tpu.memory_space<vmem_shared>>)
    %dma_wait3A_59 = arith.constant 0 : i32
    %dma_wait3A_60 = arith.constant 0 : i32
    %dma_wait3A_61 = tpu.memref_slice %arg8[%dma_wait3A_59, %dma_wait3A_60] : memref<80x128xi32, #tpu.memory_space<vmem>> -> memref<1x128xi32, #tpu.memory_space<vmem>>
    %dma_wait3A_62 = tpu.memref_squeeze %dma_wait3A_61 : memref<1x128xi32, #tpu.memory_space<vmem>> -> memref<128xi32, #tpu.memory_space<vmem>>
    %dma_wait3A_63 = arith.constant 0 : i32
    %dma_wait3A_64 = arith.constant 0 : i32
    %dma_wait3A_65 = tpu.memref_slice %arg13[%dma_wait3A_63, %dma_wait3A_64] : memref<10240x40xf32, #tpu.memory_space<vmem_shared>> -> memref<10240x40xf32, #tpu.memory_space<vmem_shared>>
    tpu.wait_indirect_dma semaphore(%arg21 : memref<!tpu.dma_semaphore, #tpu.memory_space<semaphore_mem>>) src(%arg12 : memref<128x40xf32, #tpu.memory_space<vmem>>) dst(%dma_wait3A_65 : memref<10240x40xf32, #tpu.memory_space<vmem_shared>>)
    %barrier3A_66 = arith.constant 0 : index
    tpu.barrier barrier_id(%barrier3A_66)
    %mul3A_67 = arith.constant 640 : i32
    %mul3A_68 = arith.muli %arg1, %mul3A_67 : i32
    %mul3A_69 = arith.constant 640 : i32
    %mul3A_70 = arith.muli %arg1, %mul3A_69 : i32
    "tpu.region"() ({
      %run_scoped3A = tpu.sem_alloc : memref<!tpu.dma_semaphore, #tpu.memory_space<semaphore_mem>>
      %dma_start3A_71 = arith.constant 0 : i32
      %dma_start3A_72 = arith.constant 0 : i32
      %dma_start3A_73 = tpu.memref_slice %arg6[%arg0, %dma_start3A_71, %dma_start3A_72] : memref<2x10240x40xf32, #tpu.memory_space<hbm>> -> memref<1x10240x40xf32, #tpu.memory_space<hbm>>
      %dma_start3A_74 = tpu.memref_squeeze %dma_start3A_73 : memref<1x10240x40xf32, #tpu.memory_space<hbm>> -> memref<10240x40xf32, #tpu.memory_space<hbm>>
      %dma_start3A_75 = arith.constant 0 : i32
      %dma_start3A_76 = tpu.memref_slice %dma_start3A_74[%mul3A_70, %dma_start3A_75] : memref<10240x40xf32, #tpu.memory_space<hbm>> -> memref<640x40xf32, #tpu.memory_space<hbm>>
      %dma_start3A_77 = arith.constant 0 : i32
      %dma_start3A_78 = tpu.memref_slice %arg13[%mul3A_68, %dma_start3A_77] : memref<10240x40xf32, #tpu.memory_space<vmem_shared>> -> memref<640x40xf32, #tpu.memory_space<vmem_shared>>
      tpu.enqueue_dma source(%dma_start3A_78 : memref<640x40xf32, #tpu.memory_space<vmem_shared>>) target(%dma_start3A_76 : memref<640x40xf32, #tpu.memory_space<hbm>>) target_semaphore(%run_scoped3A : memref<!tpu.dma_semaphore, #tpu.memory_space<semaphore_mem>>)
      %dma_wait3A_79 = arith.constant 0 : i32
      %dma_wait3A_80 = arith.constant 0 : i32
      %dma_wait3A_81 = tpu.memref_slice %arg6[%arg0, %dma_wait3A_79, %dma_wait3A_80] : memref<2x10240x40xf32, #tpu.memory_space<hbm>> -> memref<1x10240x40xf32, #tpu.memory_space<hbm>>
      %dma_wait3A_82 = tpu.memref_squeeze %dma_wait3A_81 : memref<1x10240x40xf32, #tpu.memory_space<hbm>> -> memref<10240x40xf32, #tpu.memory_space<hbm>>
      %dma_wait3A_83 = arith.constant 0 : i32
      %dma_wait3A_84 = tpu.memref_slice %dma_wait3A_82[%mul3A_70, %dma_wait3A_83] : memref<10240x40xf32, #tpu.memory_space<hbm>> -> memref<640x40xf32, #tpu.memory_space<hbm>>
      %dma_wait3A_85 = arith.constant 0 : i32
      %dma_wait3A_86 = tpu.memref_slice %arg13[%mul3A_68, %dma_wait3A_85] : memref<10240x40xf32, #tpu.memory_space<vmem_shared>> -> memref<640x40xf32, #tpu.memory_space<vmem_shared>>
      tpu.wait_dma2 semaphore(%run_scoped3A : memref<!tpu.dma_semaphore, #tpu.memory_space<semaphore_mem>>) src(%dma_wait3A_86 : memref<640x40xf32, #tpu.memory_space<vmem_shared>>) dst(%dma_wait3A_84 : memref<640x40xf32, #tpu.memory_space<hbm>>)
      tpu.yield
    }) : () -> ()
    return
  }
}

#map = affine_map<(d0, d1) -> (0, 0)>
#map1 = affine_map<(d0, d1) -> (0, 0, 0, 0)>
module attributes {stable_mosaic.version = 14 : i64} {
  func.func @_deg_sc(%arg0: i32, %arg1: i32, %arg2: memref<2560x128xi32, #tpu.memory_space<hbm>>, %arg3: memref<2560x128xi32, #tpu.memory_space<hbm>>, %arg4: memref<128x8xf32, #tpu.memory_space<hbm>>, %arg5: memref<640x8xf32, #tpu.memory_space<hbm>>, %arg6: memref<2x2x10240x8xf32, #tpu.memory_space<hbm>>, %arg7: memref<80x128xi32, #tpu.memory_space<vmem>>, %arg8: memref<80x128xi32, #tpu.memory_space<vmem>>, %arg9: memref<128x8xf32, #tpu.memory_space<vmem>>, %arg10: memref<2x10240x8xf32, #tpu.memory_space<vmem_shared>>, %arg11: memref<!tpu.dma_semaphore, #tpu.memory_space<semaphore_mem>>) attributes {dimension_semantics = [#tpu.dimension_semantics<core_parallel>, #tpu.dimension_semantics<subcore_parallel>], iteration_bounds = array<i64: 2, 16>, scalar_prefetch = 0 : i64, scratch_operands = 5 : i64, tpu.core_type = #tpu.core_type<sc_vector_subcore>, window_params = [{transform_indices = #map}, {transform_indices = #map}, {transform_indices = #map}, {transform_indices = #map}, {transform_indices = #map1}]} {
    %mul3A = arith.constant 16 : i32
    %mul3A_0 = arith.muli %arg0, %mul3A : i32
    %add3A = arith.addi %mul3A_0, %arg1 : i32
    "tpu.region"() ({
      %run_scoped3A_34 = tpu.sem_alloc : memref<!tpu.dma_semaphore, #tpu.memory_space<semaphore_mem>>
      tpu.enqueue_dma source(%arg4 : memref<128x8xf32, #tpu.memory_space<hbm>>) target(%arg9 : memref<128x8xf32, #tpu.memory_space<vmem>>) target_semaphore(%run_scoped3A_34 : memref<!tpu.dma_semaphore, #tpu.memory_space<semaphore_mem>>)
      tpu.wait_dma2 semaphore(%run_scoped3A_34 : memref<!tpu.dma_semaphore, #tpu.memory_space<semaphore_mem>>) src(%arg4 : memref<128x8xf32, #tpu.memory_space<hbm>>) dst(%arg9 : memref<128x8xf32, #tpu.memory_space<vmem>>)
      tpu.yield
    }) : () -> ()
    %mul3A_1 = arith.constant 80 : i32
    %mul3A_2 = arith.muli %add3A, %mul3A_1 : i32
    "tpu.region"() ({
      %run_scoped3A_34 = tpu.sem_alloc : memref<!tpu.dma_semaphore, #tpu.memory_space<semaphore_mem>>
      %dma_start3A = arith.constant 0 : i32
      %dma_start3A_35 = tpu.memref_slice %arg2[%mul3A_2, %dma_start3A] : memref<2560x128xi32, #tpu.memory_space<hbm>> -> memref<80x128xi32, #tpu.memory_space<hbm>>
      %dma_start3A_36 = arith.constant 0 : i32
      %dma_start3A_37 = tpu.memref_slice %arg2[%mul3A_2, %dma_start3A_36] : memref<2560x128xi32, #tpu.memory_space<hbm>> -> memref<80x128xi32, #tpu.memory_space<hbm>>
      tpu.enqueue_dma source(%dma_start3A_37 : memref<80x128xi32, #tpu.memory_space<hbm>>) target(%arg7 : memref<80x128xi32, #tpu.memory_space<vmem>>) target_semaphore(%run_scoped3A_34 : memref<!tpu.dma_semaphore, #tpu.memory_space<semaphore_mem>>)
      %dma_wait3A = arith.constant 0 : i32
      %dma_wait3A_38 = tpu.memref_slice %arg2[%mul3A_2, %dma_wait3A] : memref<2560x128xi32, #tpu.memory_space<hbm>> -> memref<80x128xi32, #tpu.memory_space<hbm>>
      %dma_wait3A_39 = arith.constant 0 : i32
      %dma_wait3A_40 = tpu.memref_slice %arg2[%mul3A_2, %dma_wait3A_39] : memref<2560x128xi32, #tpu.memory_space<hbm>> -> memref<80x128xi32, #tpu.memory_space<hbm>>
      tpu.wait_dma2 semaphore(%run_scoped3A_34 : memref<!tpu.dma_semaphore, #tpu.memory_space<semaphore_mem>>) src(%dma_wait3A_40 : memref<80x128xi32, #tpu.memory_space<hbm>>) dst(%arg7 : memref<80x128xi32, #tpu.memory_space<vmem>>)
      tpu.yield
    }) : () -> ()
    %mul3A_3 = arith.constant 80 : i32
    %mul3A_4 = arith.muli %add3A, %mul3A_3 : i32
    "tpu.region"() ({
      %run_scoped3A_34 = tpu.sem_alloc : memref<!tpu.dma_semaphore, #tpu.memory_space<semaphore_mem>>
      %dma_start3A = arith.constant 0 : i32
      %dma_start3A_35 = tpu.memref_slice %arg3[%mul3A_4, %dma_start3A] : memref<2560x128xi32, #tpu.memory_space<hbm>> -> memref<80x128xi32, #tpu.memory_space<hbm>>
      %dma_start3A_36 = arith.constant 0 : i32
      %dma_start3A_37 = tpu.memref_slice %arg3[%mul3A_4, %dma_start3A_36] : memref<2560x128xi32, #tpu.memory_space<hbm>> -> memref<80x128xi32, #tpu.memory_space<hbm>>
      tpu.enqueue_dma source(%dma_start3A_37 : memref<80x128xi32, #tpu.memory_space<hbm>>) target(%arg8 : memref<80x128xi32, #tpu.memory_space<vmem>>) target_semaphore(%run_scoped3A_34 : memref<!tpu.dma_semaphore, #tpu.memory_space<semaphore_mem>>)
      %dma_wait3A = arith.constant 0 : i32
      %dma_wait3A_38 = tpu.memref_slice %arg3[%mul3A_4, %dma_wait3A] : memref<2560x128xi32, #tpu.memory_space<hbm>> -> memref<80x128xi32, #tpu.memory_space<hbm>>
      %dma_wait3A_39 = arith.constant 0 : i32
      %dma_wait3A_40 = tpu.memref_slice %arg3[%mul3A_4, %dma_wait3A_39] : memref<2560x128xi32, #tpu.memory_space<hbm>> -> memref<80x128xi32, #tpu.memory_space<hbm>>
      tpu.wait_dma2 semaphore(%run_scoped3A_34 : memref<!tpu.dma_semaphore, #tpu.memory_space<semaphore_mem>>) src(%dma_wait3A_40 : memref<80x128xi32, #tpu.memory_space<hbm>>) dst(%arg8 : memref<80x128xi32, #tpu.memory_space<vmem>>)
      tpu.yield
    }) : () -> ()
    %mul3A_5 = arith.constant 640 : i32
    %mul3A_6 = arith.muli %arg1, %mul3A_5 : i32
    %run_scoped3A = arith.constant 0 : i32
    "tpu.region"() ({
      %run_scoped3A_34 = tpu.sem_alloc : memref<!tpu.dma_semaphore, #tpu.memory_space<semaphore_mem>>
      %dma_start3A = arith.constant 0 : i32
      %dma_start3A_35 = arith.constant 0 : i32
      %dma_start3A_36 = tpu.memref_slice %arg10[%run_scoped3A, %dma_start3A, %dma_start3A_35] : memref<2x10240x8xf32, #tpu.memory_space<vmem_shared>> -> memref<1x10240x8xf32, #tpu.memory_space<vmem_shared>>
      %dma_start3A_37 = tpu.memref_squeeze %dma_start3A_36 : memref<1x10240x8xf32, #tpu.memory_space<vmem_shared>> -> memref<10240x8xf32, #tpu.memory_space<vmem_shared>>
      %dma_start3A_38 = arith.constant 0 : i32
      %dma_start3A_39 = tpu.memref_slice %dma_start3A_37[%mul3A_6, %dma_start3A_38] : memref<10240x8xf32, #tpu.memory_space<vmem_shared>> -> memref<640x8xf32, #tpu.memory_space<vmem_shared>>
      tpu.enqueue_dma source(%arg5 : memref<640x8xf32, #tpu.memory_space<hbm>>) target(%dma_start3A_39 : memref<640x8xf32, #tpu.memory_space<vmem_shared>>) target_semaphore(%run_scoped3A_34 : memref<!tpu.dma_semaphore, #tpu.memory_space<semaphore_mem>>)
      %dma_wait3A = arith.constant 0 : i32
      %dma_wait3A_40 = arith.constant 0 : i32
      %dma_wait3A_41 = tpu.memref_slice %arg10[%run_scoped3A, %dma_wait3A, %dma_wait3A_40] : memref<2x10240x8xf32, #tpu.memory_space<vmem_shared>> -> memref<1x10240x8xf32, #tpu.memory_space<vmem_shared>>
      %dma_wait3A_42 = tpu.memref_squeeze %dma_wait3A_41 : memref<1x10240x8xf32, #tpu.memory_space<vmem_shared>> -> memref<10240x8xf32, #tpu.memory_space<vmem_shared>>
      %dma_wait3A_43 = arith.constant 0 : i32
      %dma_wait3A_44 = tpu.memref_slice %dma_wait3A_42[%mul3A_6, %dma_wait3A_43] : memref<10240x8xf32, #tpu.memory_space<vmem_shared>> -> memref<640x8xf32, #tpu.memory_space<vmem_shared>>
      tpu.wait_dma2 semaphore(%run_scoped3A_34 : memref<!tpu.dma_semaphore, #tpu.memory_space<semaphore_mem>>) src(%arg5 : memref<640x8xf32, #tpu.memory_space<hbm>>) dst(%dma_wait3A_44 : memref<640x8xf32, #tpu.memory_space<vmem_shared>>)
      tpu.yield
    }) : () -> ()
    %mul3A_7 = arith.constant 640 : i32
    %mul3A_8 = arith.muli %arg1, %mul3A_7 : i32
    %run_scoped3A_9 = arith.constant 1 : i32
    "tpu.region"() ({
      %run_scoped3A_34 = tpu.sem_alloc : memref<!tpu.dma_semaphore, #tpu.memory_space<semaphore_mem>>
      %dma_start3A = arith.constant 0 : i32
      %dma_start3A_35 = arith.constant 0 : i32
      %dma_start3A_36 = tpu.memref_slice %arg10[%run_scoped3A_9, %dma_start3A, %dma_start3A_35] : memref<2x10240x8xf32, #tpu.memory_space<vmem_shared>> -> memref<1x10240x8xf32, #tpu.memory_space<vmem_shared>>
      %dma_start3A_37 = tpu.memref_squeeze %dma_start3A_36 : memref<1x10240x8xf32, #tpu.memory_space<vmem_shared>> -> memref<10240x8xf32, #tpu.memory_space<vmem_shared>>
      %dma_start3A_38 = arith.constant 0 : i32
      %dma_start3A_39 = tpu.memref_slice %dma_start3A_37[%mul3A_8, %dma_start3A_38] : memref<10240x8xf32, #tpu.memory_space<vmem_shared>> -> memref<640x8xf32, #tpu.memory_space<vmem_shared>>
      tpu.enqueue_dma source(%arg5 : memref<640x8xf32, #tpu.memory_space<hbm>>) target(%dma_start3A_39 : memref<640x8xf32, #tpu.memory_space<vmem_shared>>) target_semaphore(%run_scoped3A_34 : memref<!tpu.dma_semaphore, #tpu.memory_space<semaphore_mem>>)
      %dma_wait3A = arith.constant 0 : i32
      %dma_wait3A_40 = arith.constant 0 : i32
      %dma_wait3A_41 = tpu.memref_slice %arg10[%run_scoped3A_9, %dma_wait3A, %dma_wait3A_40] : memref<2x10240x8xf32, #tpu.memory_space<vmem_shared>> -> memref<1x10240x8xf32, #tpu.memory_space<vmem_shared>>
      %dma_wait3A_42 = tpu.memref_squeeze %dma_wait3A_41 : memref<1x10240x8xf32, #tpu.memory_space<vmem_shared>> -> memref<10240x8xf32, #tpu.memory_space<vmem_shared>>
      %dma_wait3A_43 = arith.constant 0 : i32
      %dma_wait3A_44 = tpu.memref_slice %dma_wait3A_42[%mul3A_8, %dma_wait3A_43] : memref<10240x8xf32, #tpu.memory_space<vmem_shared>> -> memref<640x8xf32, #tpu.memory_space<vmem_shared>>
      tpu.wait_dma2 semaphore(%run_scoped3A_34 : memref<!tpu.dma_semaphore, #tpu.memory_space<semaphore_mem>>) src(%arg5 : memref<640x8xf32, #tpu.memory_space<hbm>>) dst(%dma_wait3A_44 : memref<640x8xf32, #tpu.memory_space<vmem_shared>>)
      tpu.yield
    }) : () -> ()
    %barrier3A = arith.constant 0 : index
    tpu.barrier barrier_id(%barrier3A)
    %scan3A = arith.constant 0 : i32
    %scan3A_10 = arith.constant 0 : i32
    %scan3A_11 = arith.constant 80 : i32
    %scan3A_12 = arith.addi %scan3A_10, %scan3A_11 : i32
    %scan3A_13 = arith.constant 1 : i32
    scf.for %scan3A_34 = %scan3A_10 to %scan3A_12 step %scan3A_13  : i32 {
      %dma_start3A = arith.constant 0 : i32
      %dma_start3A_35 = arith.constant 0 : i32
      %dma_start3A_36 = tpu.memref_slice %arg7[%scan3A_34, %dma_start3A_35] : memref<80x128xi32, #tpu.memory_space<vmem>> -> memref<1x128xi32, #tpu.memory_space<vmem>>
      %dma_start3A_37 = tpu.memref_squeeze %dma_start3A_36 : memref<1x128xi32, #tpu.memory_space<vmem>> -> memref<128xi32, #tpu.memory_space<vmem>>
      %dma_start3A_38 = arith.constant 0 : i32
      %dma_start3A_39 = arith.constant 0 : i32
      %dma_start3A_40 = tpu.memref_slice %arg10[%dma_start3A, %dma_start3A_38, %dma_start3A_39] : memref<2x10240x8xf32, #tpu.memory_space<vmem_shared>> -> memref<1x10240x8xf32, #tpu.memory_space<vmem_shared>>
      %dma_start3A_41 = tpu.memref_squeeze %dma_start3A_40 : memref<1x10240x8xf32, #tpu.memory_space<vmem_shared>> -> memref<10240x8xf32, #tpu.memory_space<vmem_shared>>
      %dma_start3A_42 = arith.constant 0 : i32
      %dma_start3A_43 = arith.constant 0 : i32
      %dma_start3A_44 = tpu.memref_slice %dma_start3A_41[%dma_start3A_42, %dma_start3A_43] : memref<10240x8xf32, #tpu.memory_space<vmem_shared>> -> memref<10240x8xf32, #tpu.memory_space<vmem_shared>>
      tpu.enqueue_indirect_dma source(%arg9 : memref<128x8xf32, #tpu.memory_space<vmem>>) target(%dma_start3A_44 : memref<10240x8xf32, #tpu.memory_space<vmem_shared>>) offsets(%dma_start3A_37 : memref<128xi32, #tpu.memory_space<vmem>>) semaphore(%arg11 : memref<!tpu.dma_semaphore, #tpu.memory_space<semaphore_mem>>) {add = true}
      %dma_start3A_45 = arith.constant 1 : i32
      %dma_start3A_46 = arith.constant 0 : i32
      %dma_start3A_47 = tpu.memref_slice %arg8[%scan3A_34, %dma_start3A_46] : memref<80x128xi32, #tpu.memory_space<vmem>> -> memref<1x128xi32, #tpu.memory_space<vmem>>
      %dma_start3A_48 = tpu.memref_squeeze %dma_start3A_47 : memref<1x128xi32, #tpu.memory_space<vmem>> -> memref<128xi32, #tpu.memory_space<vmem>>
      %dma_start3A_49 = arith.constant 0 : i32
      %dma_start3A_50 = arith.constant 0 : i32
      %dma_start3A_51 = tpu.memref_slice %arg10[%dma_start3A_45, %dma_start3A_49, %dma_start3A_50] : memref<2x10240x8xf32, #tpu.memory_space<vmem_shared>> -> memref<1x10240x8xf32, #tpu.memory_space<vmem_shared>>
      %dma_start3A_52 = tpu.memref_squeeze %dma_start3A_51 : memref<1x10240x8xf32, #tpu.memory_space<vmem_shared>> -> memref<10240x8xf32, #tpu.memory_space<vmem_shared>>
      %dma_start3A_53 = arith.constant 0 : i32
      %dma_start3A_54 = arith.constant 0 : i32
      %dma_start3A_55 = tpu.memref_slice %dma_start3A_52[%dma_start3A_53, %dma_start3A_54] : memref<10240x8xf32, #tpu.memory_space<vmem_shared>> -> memref<10240x8xf32, #tpu.memory_space<vmem_shared>>
      tpu.enqueue_indirect_dma source(%arg9 : memref<128x8xf32, #tpu.memory_space<vmem>>) target(%dma_start3A_55 : memref<10240x8xf32, #tpu.memory_space<vmem_shared>>) offsets(%dma_start3A_48 : memref<128xi32, #tpu.memory_space<vmem>>) semaphore(%arg11 : memref<!tpu.dma_semaphore, #tpu.memory_space<semaphore_mem>>) {add = true}
    }
    %scan3A_14 = arith.constant 80 : i32
    %scan3A_15 = arith.constant 0 : i32
    %scan3A_16 = arith.constant 0 : i32
    %scan3A_17 = arith.constant 80 : i32
    %scan3A_18 = arith.addi %scan3A_16, %scan3A_17 : i32
    %scan3A_19 = arith.constant 1 : i32
    scf.for %scan3A_34 = %scan3A_16 to %scan3A_18 step %scan3A_19  : i32 {
      %dma_wait3A = arith.constant 0 : i32
      %dma_wait3A_35 = arith.constant 0 : i32
      %dma_wait3A_36 = arith.constant 0 : i32
      %dma_wait3A_37 = tpu.memref_slice %arg7[%dma_wait3A_35, %dma_wait3A_36] : memref<80x128xi32, #tpu.memory_space<vmem>> -> memref<1x128xi32, #tpu.memory_space<vmem>>
      %dma_wait3A_38 = tpu.memref_squeeze %dma_wait3A_37 : memref<1x128xi32, #tpu.memory_space<vmem>> -> memref<128xi32, #tpu.memory_space<vmem>>
      %dma_wait3A_39 = arith.constant 0 : i32
      %dma_wait3A_40 = arith.constant 0 : i32
      %dma_wait3A_41 = tpu.memref_slice %arg10[%dma_wait3A, %dma_wait3A_39, %dma_wait3A_40] : memref<2x10240x8xf32, #tpu.memory_space<vmem_shared>> -> memref<1x10240x8xf32, #tpu.memory_space<vmem_shared>>
      %dma_wait3A_42 = tpu.memref_squeeze %dma_wait3A_41 : memref<1x10240x8xf32, #tpu.memory_space<vmem_shared>> -> memref<10240x8xf32, #tpu.memory_space<vmem_shared>>
      %dma_wait3A_43 = arith.constant 0 : i32
      %dma_wait3A_44 = arith.constant 0 : i32
      %dma_wait3A_45 = tpu.memref_slice %dma_wait3A_42[%dma_wait3A_43, %dma_wait3A_44] : memref<10240x8xf32, #tpu.memory_space<vmem_shared>> -> memref<10240x8xf32, #tpu.memory_space<vmem_shared>>
      tpu.wait_indirect_dma semaphore(%arg11 : memref<!tpu.dma_semaphore, #tpu.memory_space<semaphore_mem>>) src(%arg9 : memref<128x8xf32, #tpu.memory_space<vmem>>) dst(%dma_wait3A_45 : memref<10240x8xf32, #tpu.memory_space<vmem_shared>>)
      %dma_wait3A_46 = arith.constant 1 : i32
      %dma_wait3A_47 = arith.constant 0 : i32
      %dma_wait3A_48 = arith.constant 0 : i32
      %dma_wait3A_49 = tpu.memref_slice %arg8[%dma_wait3A_47, %dma_wait3A_48] : memref<80x128xi32, #tpu.memory_space<vmem>> -> memref<1x128xi32, #tpu.memory_space<vmem>>
      %dma_wait3A_50 = tpu.memref_squeeze %dma_wait3A_49 : memref<1x128xi32, #tpu.memory_space<vmem>> -> memref<128xi32, #tpu.memory_space<vmem>>
      %dma_wait3A_51 = arith.constant 0 : i32
      %dma_wait3A_52 = arith.constant 0 : i32
      %dma_wait3A_53 = tpu.memref_slice %arg10[%dma_wait3A_46, %dma_wait3A_51, %dma_wait3A_52] : memref<2x10240x8xf32, #tpu.memory_space<vmem_shared>> -> memref<1x10240x8xf32, #tpu.memory_space<vmem_shared>>
      %dma_wait3A_54 = tpu.memref_squeeze %dma_wait3A_53 : memref<1x10240x8xf32, #tpu.memory_space<vmem_shared>> -> memref<10240x8xf32, #tpu.memory_space<vmem_shared>>
      %dma_wait3A_55 = arith.constant 0 : i32
      %dma_wait3A_56 = arith.constant 0 : i32
      %dma_wait3A_57 = tpu.memref_slice %dma_wait3A_54[%dma_wait3A_55, %dma_wait3A_56] : memref<10240x8xf32, #tpu.memory_space<vmem_shared>> -> memref<10240x8xf32, #tpu.memory_space<vmem_shared>>
      tpu.wait_indirect_dma semaphore(%arg11 : memref<!tpu.dma_semaphore, #tpu.memory_space<semaphore_mem>>) src(%arg9 : memref<128x8xf32, #tpu.memory_space<vmem>>) dst(%dma_wait3A_57 : memref<10240x8xf32, #tpu.memory_space<vmem_shared>>)
    }
    %scan3A_20 = arith.constant 80 : i32
    %barrier3A_21 = arith.constant 0 : index
    tpu.barrier barrier_id(%barrier3A_21)
    %mul3A_22 = arith.constant 640 : i32
    %mul3A_23 = arith.muli %arg1, %mul3A_22 : i32
    %mul3A_24 = arith.constant 640 : i32
    %mul3A_25 = arith.muli %arg1, %mul3A_24 : i32
    %run_scoped3A_26 = arith.constant 0 : i32
    %run_scoped3A_27 = arith.constant 0 : i32
    "tpu.region"() ({
      %run_scoped3A_34 = tpu.sem_alloc : memref<!tpu.dma_semaphore, #tpu.memory_space<semaphore_mem>>
      %dma_start3A = arith.constant 0 : i32
      %dma_start3A_35 = arith.constant 0 : i32
      %dma_start3A_36 = arith.constant 0 : i32
      %dma_start3A_37 = tpu.memref_slice %arg6[%arg0, %dma_start3A, %dma_start3A_35, %dma_start3A_36] : memref<2x2x10240x8xf32, #tpu.memory_space<hbm>> -> memref<1x2x10240x8xf32, #tpu.memory_space<hbm>>
      %dma_start3A_38 = tpu.memref_squeeze %dma_start3A_37 : memref<1x2x10240x8xf32, #tpu.memory_space<hbm>> -> memref<2x10240x8xf32, #tpu.memory_space<hbm>>
      %dma_start3A_39 = arith.constant 0 : i32
      %dma_start3A_40 = arith.constant 0 : i32
      %dma_start3A_41 = tpu.memref_slice %dma_start3A_38[%run_scoped3A_27, %dma_start3A_39, %dma_start3A_40] : memref<2x10240x8xf32, #tpu.memory_space<hbm>> -> memref<1x10240x8xf32, #tpu.memory_space<hbm>>
      %dma_start3A_42 = tpu.memref_squeeze %dma_start3A_41 : memref<1x10240x8xf32, #tpu.memory_space<hbm>> -> memref<10240x8xf32, #tpu.memory_space<hbm>>
      %dma_start3A_43 = arith.constant 0 : i32
      %dma_start3A_44 = tpu.memref_slice %dma_start3A_42[%mul3A_25, %dma_start3A_43] : memref<10240x8xf32, #tpu.memory_space<hbm>> -> memref<640x8xf32, #tpu.memory_space<hbm>>
      %dma_start3A_45 = arith.constant 0 : i32
      %dma_start3A_46 = arith.constant 0 : i32
      %dma_start3A_47 = tpu.memref_slice %arg10[%run_scoped3A_26, %dma_start3A_45, %dma_start3A_46] : memref<2x10240x8xf32, #tpu.memory_space<vmem_shared>> -> memref<1x10240x8xf32, #tpu.memory_space<vmem_shared>>
      %dma_start3A_48 = tpu.memref_squeeze %dma_start3A_47 : memref<1x10240x8xf32, #tpu.memory_space<vmem_shared>> -> memref<10240x8xf32, #tpu.memory_space<vmem_shared>>
      %dma_start3A_49 = arith.constant 0 : i32
      %dma_start3A_50 = tpu.memref_slice %dma_start3A_48[%mul3A_23, %dma_start3A_49] : memref<10240x8xf32, #tpu.memory_space<vmem_shared>> -> memref<640x8xf32, #tpu.memory_space<vmem_shared>>
      tpu.enqueue_dma source(%dma_start3A_50 : memref<640x8xf32, #tpu.memory_space<vmem_shared>>) target(%dma_start3A_44 : memref<640x8xf32, #tpu.memory_space<hbm>>) target_semaphore(%run_scoped3A_34 : memref<!tpu.dma_semaphore, #tpu.memory_space<semaphore_mem>>)
      %dma_wait3A = arith.constant 0 : i32
      %dma_wait3A_51 = arith.constant 0 : i32
      %dma_wait3A_52 = arith.constant 0 : i32
      %dma_wait3A_53 = tpu.memref_slice %arg6[%arg0, %dma_wait3A, %dma_wait3A_51, %dma_wait3A_52] : memref<2x2x10240x8xf32, #tpu.memory_space<hbm>> -> memref<1x2x10240x8xf32, #tpu.memory_space<hbm>>
      %dma_wait3A_54 = tpu.memref_squeeze %dma_wait3A_53 : memref<1x2x10240x8xf32, #tpu.memory_space<hbm>> -> memref<2x10240x8xf32, #tpu.memory_space<hbm>>
      %dma_wait3A_55 = arith.constant 0 : i32
      %dma_wait3A_56 = arith.constant 0 : i32
      %dma_wait3A_57 = tpu.memref_slice %dma_wait3A_54[%run_scoped3A_27, %dma_wait3A_55, %dma_wait3A_56] : memref<2x10240x8xf32, #tpu.memory_space<hbm>> -> memref<1x10240x8xf32, #tpu.memory_space<hbm>>
      %dma_wait3A_58 = tpu.memref_squeeze %dma_wait3A_57 : memref<1x10240x8xf32, #tpu.memory_space<hbm>> -> memref<10240x8xf32, #tpu.memory_space<hbm>>
      %dma_wait3A_59 = arith.constant 0 : i32
      %dma_wait3A_60 = tpu.memref_slice %dma_wait3A_58[%mul3A_25, %dma_wait3A_59] : memref<10240x8xf32, #tpu.memory_space<hbm>> -> memref<640x8xf32, #tpu.memory_space<hbm>>
      %dma_wait3A_61 = arith.constant 0 : i32
      %dma_wait3A_62 = arith.constant 0 : i32
      %dma_wait3A_63 = tpu.memref_slice %arg10[%run_scoped3A_26, %dma_wait3A_61, %dma_wait3A_62] : memref<2x10240x8xf32, #tpu.memory_space<vmem_shared>> -> memref<1x10240x8xf32, #tpu.memory_space<vmem_shared>>
      %dma_wait3A_64 = tpu.memref_squeeze %dma_wait3A_63 : memref<1x10240x8xf32, #tpu.memory_space<vmem_shared>> -> memref<10240x8xf32, #tpu.memory_space<vmem_shared>>
      %dma_wait3A_65 = arith.constant 0 : i32
      %dma_wait3A_66 = tpu.memref_slice %dma_wait3A_64[%mul3A_23, %dma_wait3A_65] : memref<10240x8xf32, #tpu.memory_space<vmem_shared>> -> memref<640x8xf32, #tpu.memory_space<vmem_shared>>
      tpu.wait_dma2 semaphore(%run_scoped3A_34 : memref<!tpu.dma_semaphore, #tpu.memory_space<semaphore_mem>>) src(%dma_wait3A_66 : memref<640x8xf32, #tpu.memory_space<vmem_shared>>) dst(%dma_wait3A_60 : memref<640x8xf32, #tpu.memory_space<hbm>>)
      tpu.yield
    }) : () -> ()
    %mul3A_28 = arith.constant 640 : i32
    %mul3A_29 = arith.muli %arg1, %mul3A_28 : i32
    %mul3A_30 = arith.constant 640 : i32
    %mul3A_31 = arith.muli %arg1, %mul3A_30 : i32
    %run_scoped3A_32 = arith.constant 1 : i32
    %run_scoped3A_33 = arith.constant 1 : i32
    "tpu.region"() ({
      %run_scoped3A_34 = tpu.sem_alloc : memref<!tpu.dma_semaphore, #tpu.memory_space<semaphore_mem>>
      %dma_start3A = arith.constant 0 : i32
      %dma_start3A_35 = arith.constant 0 : i32
      %dma_start3A_36 = arith.constant 0 : i32
      %dma_start3A_37 = tpu.memref_slice %arg6[%arg0, %dma_start3A, %dma_start3A_35, %dma_start3A_36] : memref<2x2x10240x8xf32, #tpu.memory_space<hbm>> -> memref<1x2x10240x8xf32, #tpu.memory_space<hbm>>
      %dma_start3A_38 = tpu.memref_squeeze %dma_start3A_37 : memref<1x2x10240x8xf32, #tpu.memory_space<hbm>> -> memref<2x10240x8xf32, #tpu.memory_space<hbm>>
      %dma_start3A_39 = arith.constant 0 : i32
      %dma_start3A_40 = arith.constant 0 : i32
      %dma_start3A_41 = tpu.memref_slice %dma_start3A_38[%run_scoped3A_33, %dma_start3A_39, %dma_start3A_40] : memref<2x10240x8xf32, #tpu.memory_space<hbm>> -> memref<1x10240x8xf32, #tpu.memory_space<hbm>>
      %dma_start3A_42 = tpu.memref_squeeze %dma_start3A_41 : memref<1x10240x8xf32, #tpu.memory_space<hbm>> -> memref<10240x8xf32, #tpu.memory_space<hbm>>
      %dma_start3A_43 = arith.constant 0 : i32
      %dma_start3A_44 = tpu.memref_slice %dma_start3A_42[%mul3A_31, %dma_start3A_43] : memref<10240x8xf32, #tpu.memory_space<hbm>> -> memref<640x8xf32, #tpu.memory_space<hbm>>
      %dma_start3A_45 = arith.constant 0 : i32
      %dma_start3A_46 = arith.constant 0 : i32
      %dma_start3A_47 = tpu.memref_slice %arg10[%run_scoped3A_32, %dma_start3A_45, %dma_start3A_46] : memref<2x10240x8xf32, #tpu.memory_space<vmem_shared>> -> memref<1x10240x8xf32, #tpu.memory_space<vmem_shared>>
      %dma_start3A_48 = tpu.memref_squeeze %dma_start3A_47 : memref<1x10240x8xf32, #tpu.memory_space<vmem_shared>> -> memref<10240x8xf32, #tpu.memory_space<vmem_shared>>
      %dma_start3A_49 = arith.constant 0 : i32
      %dma_start3A_50 = tpu.memref_slice %dma_start3A_48[%mul3A_29, %dma_start3A_49] : memref<10240x8xf32, #tpu.memory_space<vmem_shared>> -> memref<640x8xf32, #tpu.memory_space<vmem_shared>>
      tpu.enqueue_dma source(%dma_start3A_50 : memref<640x8xf32, #tpu.memory_space<vmem_shared>>) target(%dma_start3A_44 : memref<640x8xf32, #tpu.memory_space<hbm>>) target_semaphore(%run_scoped3A_34 : memref<!tpu.dma_semaphore, #tpu.memory_space<semaphore_mem>>)
      %dma_wait3A = arith.constant 0 : i32
      %dma_wait3A_51 = arith.constant 0 : i32
      %dma_wait3A_52 = arith.constant 0 : i32
      %dma_wait3A_53 = tpu.memref_slice %arg6[%arg0, %dma_wait3A, %dma_wait3A_51, %dma_wait3A_52] : memref<2x2x10240x8xf32, #tpu.memory_space<hbm>> -> memref<1x2x10240x8xf32, #tpu.memory_space<hbm>>
      %dma_wait3A_54 = tpu.memref_squeeze %dma_wait3A_53 : memref<1x2x10240x8xf32, #tpu.memory_space<hbm>> -> memref<2x10240x8xf32, #tpu.memory_space<hbm>>
      %dma_wait3A_55 = arith.constant 0 : i32
      %dma_wait3A_56 = arith.constant 0 : i32
      %dma_wait3A_57 = tpu.memref_slice %dma_wait3A_54[%run_scoped3A_33, %dma_wait3A_55, %dma_wait3A_56] : memref<2x10240x8xf32, #tpu.memory_space<hbm>> -> memref<1x10240x8xf32, #tpu.memory_space<hbm>>
      %dma_wait3A_58 = tpu.memref_squeeze %dma_wait3A_57 : memref<1x10240x8xf32, #tpu.memory_space<hbm>> -> memref<10240x8xf32, #tpu.memory_space<hbm>>
      %dma_wait3A_59 = arith.constant 0 : i32
      %dma_wait3A_60 = tpu.memref_slice %dma_wait3A_58[%mul3A_31, %dma_wait3A_59] : memref<10240x8xf32, #tpu.memory_space<hbm>> -> memref<640x8xf32, #tpu.memory_space<hbm>>
      %dma_wait3A_61 = arith.constant 0 : i32
      %dma_wait3A_62 = arith.constant 0 : i32
      %dma_wait3A_63 = tpu.memref_slice %arg10[%run_scoped3A_32, %dma_wait3A_61, %dma_wait3A_62] : memref<2x10240x8xf32, #tpu.memory_space<vmem_shared>> -> memref<1x10240x8xf32, #tpu.memory_space<vmem_shared>>
      %dma_wait3A_64 = tpu.memref_squeeze %dma_wait3A_63 : memref<1x10240x8xf32, #tpu.memory_space<vmem_shared>> -> memref<10240x8xf32, #tpu.memory_space<vmem_shared>>
      %dma_wait3A_65 = arith.constant 0 : i32
      %dma_wait3A_66 = tpu.memref_slice %dma_wait3A_64[%mul3A_29, %dma_wait3A_65] : memref<10240x8xf32, #tpu.memory_space<vmem_shared>> -> memref<640x8xf32, #tpu.memory_space<vmem_shared>>
      tpu.wait_dma2 semaphore(%run_scoped3A_34 : memref<!tpu.dma_semaphore, #tpu.memory_space<semaphore_mem>>) src(%dma_wait3A_66 : memref<640x8xf32, #tpu.memory_space<vmem_shared>>) dst(%dma_wait3A_60 : memref<640x8xf32, #tpu.memory_space<hbm>>)
      tpu.yield
    }) : () -> ()
    return
  }
}

#map = affine_map<(d0, d1) -> (0, 0)>
#map1 = affine_map<(d0, d1) -> (0, 0, 0)>
module attributes {stable_mosaic.version = 14 : i64} {
  func.func @_agg_col_sc(%arg0: i32, %arg1: i32, %arg2: memref<20480x64xf32, #tpu.memory_space<hbm>>, %arg3: memref<2x2560x128xi32, #tpu.memory_space<hbm>>, %arg4: memref<2560x128xi32, #tpu.memory_space<hbm>>, %arg5: memref<640x64xf32, #tpu.memory_space<hbm>>, %arg6: memref<2x10240x64xf32, #tpu.memory_space<hbm>>, %arg7: memref<160x128xi32, #tpu.memory_space<vmem>>, %arg8: memref<160x128xi32, #tpu.memory_space<vmem>>, %arg9: memref<128x64xf32, #tpu.memory_space<vmem>>, %arg10: memref<128x64xf32, #tpu.memory_space<vmem>>, %arg11: memref<128x64xf32, #tpu.memory_space<vmem>>, %arg12: memref<128x64xf32, #tpu.memory_space<vmem>>, %arg13: memref<10240x64xf32, #tpu.memory_space<vmem_shared>>, %arg14: memref<!tpu.dma_semaphore, #tpu.memory_space<semaphore_mem>>, %arg15: memref<!tpu.dma_semaphore, #tpu.memory_space<semaphore_mem>>, %arg16: memref<!tpu.dma_semaphore, #tpu.memory_space<semaphore_mem>>, %arg17: memref<!tpu.dma_semaphore, #tpu.memory_space<semaphore_mem>>, %arg18: memref<!tpu.dma_semaphore, #tpu.memory_space<semaphore_mem>>, %arg19: memref<!tpu.dma_semaphore, #tpu.memory_space<semaphore_mem>>, %arg20: memref<!tpu.dma_semaphore, #tpu.memory_space<semaphore_mem>>, %arg21: memref<!tpu.dma_semaphore, #tpu.memory_space<semaphore_mem>>) attributes {dimension_semantics = [#tpu.dimension_semantics<core_parallel>, #tpu.dimension_semantics<subcore_parallel>], iteration_bounds = array<i64: 2, 16>, scalar_prefetch = 0 : i64, scratch_operands = 15 : i64, tpu.core_type = #tpu.core_type<sc_vector_subcore>, window_params = [{transform_indices = #map}, {transform_indices = #map1}, {transform_indices = #map}, {transform_indices = #map}, {transform_indices = #map1}]} {
    %mul3A = arith.constant 640 : i32
    %mul3A_0 = arith.muli %arg1, %mul3A : i32
    "tpu.region"() ({
      %run_scoped3A = tpu.sem_alloc : memref<!tpu.dma_semaphore, #tpu.memory_space<semaphore_mem>>
      %dma_start3A_69 = arith.constant 0 : i32
      %dma_start3A_70 = tpu.memref_slice %arg13[%mul3A_0, %dma_start3A_69] : memref<10240x64xf32, #tpu.memory_space<vmem_shared>> -> memref<640x64xf32, #tpu.memory_space<vmem_shared>>
      tpu.enqueue_dma source(%arg5 : memref<640x64xf32, #tpu.memory_space<hbm>>) target(%dma_start3A_70 : memref<640x64xf32, #tpu.memory_space<vmem_shared>>) target_semaphore(%run_scoped3A : memref<!tpu.dma_semaphore, #tpu.memory_space<semaphore_mem>>)
      %dma_wait3A_71 = arith.constant 0 : i32
      %dma_wait3A_72 = tpu.memref_slice %arg13[%mul3A_0, %dma_wait3A_71] : memref<10240x64xf32, #tpu.memory_space<vmem_shared>> -> memref<640x64xf32, #tpu.memory_space<vmem_shared>>
      tpu.wait_dma2 semaphore(%run_scoped3A : memref<!tpu.dma_semaphore, #tpu.memory_space<semaphore_mem>>) src(%arg5 : memref<640x64xf32, #tpu.memory_space<hbm>>) dst(%dma_wait3A_72 : memref<640x64xf32, #tpu.memory_space<vmem_shared>>)
      tpu.yield
    }) : () -> ()
    %mul3A_1 = arith.constant 160 : i32
    %mul3A_2 = arith.muli %arg1, %mul3A_1 : i32
    "tpu.region"() ({
      %run_scoped3A = tpu.sem_alloc : memref<!tpu.dma_semaphore, #tpu.memory_space<semaphore_mem>>
      %dma_start3A_69 = arith.constant 0 : i32
      %dma_start3A_70 = arith.constant 0 : i32
      %dma_start3A_71 = tpu.memref_slice %arg3[%arg0, %dma_start3A_69, %dma_start3A_70] : memref<2x2560x128xi32, #tpu.memory_space<hbm>> -> memref<1x2560x128xi32, #tpu.memory_space<hbm>>
      %dma_start3A_72 = tpu.memref_squeeze %dma_start3A_71 : memref<1x2560x128xi32, #tpu.memory_space<hbm>> -> memref<2560x128xi32, #tpu.memory_space<hbm>>
      %dma_start3A_73 = arith.constant 0 : i32
      %dma_start3A_74 = tpu.memref_slice %dma_start3A_72[%mul3A_2, %dma_start3A_73] : memref<2560x128xi32, #tpu.memory_space<hbm>> -> memref<160x128xi32, #tpu.memory_space<hbm>>
      %dma_start3A_75 = arith.constant 0 : i32
      %dma_start3A_76 = arith.constant 0 : i32
      %dma_start3A_77 = tpu.memref_slice %arg3[%arg0, %dma_start3A_75, %dma_start3A_76] : memref<2x2560x128xi32, #tpu.memory_space<hbm>> -> memref<1x2560x128xi32, #tpu.memory_space<hbm>>
      %dma_start3A_78 = tpu.memref_squeeze %dma_start3A_77 : memref<1x2560x128xi32, #tpu.memory_space<hbm>> -> memref<2560x128xi32, #tpu.memory_space<hbm>>
      %dma_start3A_79 = arith.constant 0 : i32
      %dma_start3A_80 = tpu.memref_slice %dma_start3A_78[%mul3A_2, %dma_start3A_79] : memref<2560x128xi32, #tpu.memory_space<hbm>> -> memref<160x128xi32, #tpu.memory_space<hbm>>
      tpu.enqueue_dma source(%dma_start3A_80 : memref<160x128xi32, #tpu.memory_space<hbm>>) target(%arg7 : memref<160x128xi32, #tpu.memory_space<vmem>>) target_semaphore(%run_scoped3A : memref<!tpu.dma_semaphore, #tpu.memory_space<semaphore_mem>>)
      %dma_wait3A_81 = arith.constant 0 : i32
      %dma_wait3A_82 = arith.constant 0 : i32
      %dma_wait3A_83 = tpu.memref_slice %arg3[%arg0, %dma_wait3A_81, %dma_wait3A_82] : memref<2x2560x128xi32, #tpu.memory_space<hbm>> -> memref<1x2560x128xi32, #tpu.memory_space<hbm>>
      %dma_wait3A_84 = tpu.memref_squeeze %dma_wait3A_83 : memref<1x2560x128xi32, #tpu.memory_space<hbm>> -> memref<2560x128xi32, #tpu.memory_space<hbm>>
      %dma_wait3A_85 = arith.constant 0 : i32
      %dma_wait3A_86 = tpu.memref_slice %dma_wait3A_84[%mul3A_2, %dma_wait3A_85] : memref<2560x128xi32, #tpu.memory_space<hbm>> -> memref<160x128xi32, #tpu.memory_space<hbm>>
      %dma_wait3A_87 = arith.constant 0 : i32
      %dma_wait3A_88 = arith.constant 0 : i32
      %dma_wait3A_89 = tpu.memref_slice %arg3[%arg0, %dma_wait3A_87, %dma_wait3A_88] : memref<2x2560x128xi32, #tpu.memory_space<hbm>> -> memref<1x2560x128xi32, #tpu.memory_space<hbm>>
      %dma_wait3A_90 = tpu.memref_squeeze %dma_wait3A_89 : memref<1x2560x128xi32, #tpu.memory_space<hbm>> -> memref<2560x128xi32, #tpu.memory_space<hbm>>
      %dma_wait3A_91 = arith.constant 0 : i32
      %dma_wait3A_92 = tpu.memref_slice %dma_wait3A_90[%mul3A_2, %dma_wait3A_91] : memref<2560x128xi32, #tpu.memory_space<hbm>> -> memref<160x128xi32, #tpu.memory_space<hbm>>
      tpu.wait_dma2 semaphore(%run_scoped3A : memref<!tpu.dma_semaphore, #tpu.memory_space<semaphore_mem>>) src(%dma_wait3A_92 : memref<160x128xi32, #tpu.memory_space<hbm>>) dst(%arg7 : memref<160x128xi32, #tpu.memory_space<vmem>>)
      tpu.yield
    }) : () -> ()
    %mul3A_3 = arith.constant 160 : i32
    %mul3A_4 = arith.muli %arg1, %mul3A_3 : i32
    "tpu.region"() ({
      %run_scoped3A = tpu.sem_alloc : memref<!tpu.dma_semaphore, #tpu.memory_space<semaphore_mem>>
      %dma_start3A_69 = arith.constant 0 : i32
      %dma_start3A_70 = tpu.memref_slice %arg4[%mul3A_4, %dma_start3A_69] : memref<2560x128xi32, #tpu.memory_space<hbm>> -> memref<160x128xi32, #tpu.memory_space<hbm>>
      %dma_start3A_71 = arith.constant 0 : i32
      %dma_start3A_72 = tpu.memref_slice %arg4[%mul3A_4, %dma_start3A_71] : memref<2560x128xi32, #tpu.memory_space<hbm>> -> memref<160x128xi32, #tpu.memory_space<hbm>>
      tpu.enqueue_dma source(%dma_start3A_72 : memref<160x128xi32, #tpu.memory_space<hbm>>) target(%arg8 : memref<160x128xi32, #tpu.memory_space<vmem>>) target_semaphore(%run_scoped3A : memref<!tpu.dma_semaphore, #tpu.memory_space<semaphore_mem>>)
      %dma_wait3A_73 = arith.constant 0 : i32
      %dma_wait3A_74 = tpu.memref_slice %arg4[%mul3A_4, %dma_wait3A_73] : memref<2560x128xi32, #tpu.memory_space<hbm>> -> memref<160x128xi32, #tpu.memory_space<hbm>>
      %dma_wait3A_75 = arith.constant 0 : i32
      %dma_wait3A_76 = tpu.memref_slice %arg4[%mul3A_4, %dma_wait3A_75] : memref<2560x128xi32, #tpu.memory_space<hbm>> -> memref<160x128xi32, #tpu.memory_space<hbm>>
      tpu.wait_dma2 semaphore(%run_scoped3A : memref<!tpu.dma_semaphore, #tpu.memory_space<semaphore_mem>>) src(%dma_wait3A_76 : memref<160x128xi32, #tpu.memory_space<hbm>>) dst(%arg8 : memref<160x128xi32, #tpu.memory_space<vmem>>)
      tpu.yield
    }) : () -> ()
    %barrier3A = arith.constant 0 : index
    tpu.barrier barrier_id(%barrier3A)
    %dma_start3A = arith.constant 0 : i32
    %dma_start3A_5 = arith.constant 0 : i32
    %dma_start3A_6 = tpu.memref_slice %arg7[%dma_start3A, %dma_start3A_5] : memref<160x128xi32, #tpu.memory_space<vmem>> -> memref<1x128xi32, #tpu.memory_space<vmem>>
    %dma_start3A_7 = tpu.memref_squeeze %dma_start3A_6 : memref<1x128xi32, #tpu.memory_space<vmem>> -> memref<128xi32, #tpu.memory_space<vmem>>
    %dma_start3A_8 = arith.constant 0 : i32
    %dma_start3A_9 = arith.constant 0 : i32
    %dma_start3A_10 = tpu.memref_slice %arg2[%dma_start3A_8, %dma_start3A_9] : memref<20480x64xf32, #tpu.memory_space<hbm>> -> memref<20480x64xf32, #tpu.memory_space<hbm>>
    tpu.enqueue_indirect_dma source(%dma_start3A_10 : memref<20480x64xf32, #tpu.memory_space<hbm>>) target(%arg9 : memref<128x64xf32, #tpu.memory_space<vmem>>) offsets(%dma_start3A_7 : memref<128xi32, #tpu.memory_space<vmem>>) semaphore(%arg14 : memref<!tpu.dma_semaphore, #tpu.memory_space<semaphore_mem>>)
    %dma_start3A_11 = arith.constant 1 : i32
    %dma_start3A_12 = arith.constant 0 : i32
    %dma_start3A_13 = tpu.memref_slice %arg7[%dma_start3A_11, %dma_start3A_12] : memref<160x128xi32, #tpu.memory_space<vmem>> -> memref<1x128xi32, #tpu.memory_space<vmem>>
    %dma_start3A_14 = tpu.memref_squeeze %dma_start3A_13 : memref<1x128xi32, #tpu.memory_space<vmem>> -> memref<128xi32, #tpu.memory_space<vmem>>
    %dma_start3A_15 = arith.constant 0 : i32
    %dma_start3A_16 = arith.constant 0 : i32
    %dma_start3A_17 = tpu.memref_slice %arg2[%dma_start3A_15, %dma_start3A_16] : memref<20480x64xf32, #tpu.memory_space<hbm>> -> memref<20480x64xf32, #tpu.memory_space<hbm>>
    tpu.enqueue_indirect_dma source(%dma_start3A_17 : memref<20480x64xf32, #tpu.memory_space<hbm>>) target(%arg10 : memref<128x64xf32, #tpu.memory_space<vmem>>) offsets(%dma_start3A_14 : memref<128xi32, #tpu.memory_space<vmem>>) semaphore(%arg15 : memref<!tpu.dma_semaphore, #tpu.memory_space<semaphore_mem>>)
    %dma_start3A_18 = arith.constant 2 : i32
    %dma_start3A_19 = arith.constant 0 : i32
    %dma_start3A_20 = tpu.memref_slice %arg7[%dma_start3A_18, %dma_start3A_19] : memref<160x128xi32, #tpu.memory_space<vmem>> -> memref<1x128xi32, #tpu.memory_space<vmem>>
    %dma_start3A_21 = tpu.memref_squeeze %dma_start3A_20 : memref<1x128xi32, #tpu.memory_space<vmem>> -> memref<128xi32, #tpu.memory_space<vmem>>
    %dma_start3A_22 = arith.constant 0 : i32
    %dma_start3A_23 = arith.constant 0 : i32
    %dma_start3A_24 = tpu.memref_slice %arg2[%dma_start3A_22, %dma_start3A_23] : memref<20480x64xf32, #tpu.memory_space<hbm>> -> memref<20480x64xf32, #tpu.memory_space<hbm>>
    tpu.enqueue_indirect_dma source(%dma_start3A_24 : memref<20480x64xf32, #tpu.memory_space<hbm>>) target(%arg11 : memref<128x64xf32, #tpu.memory_space<vmem>>) offsets(%dma_start3A_21 : memref<128xi32, #tpu.memory_space<vmem>>) semaphore(%arg16 : memref<!tpu.dma_semaphore, #tpu.memory_space<semaphore_mem>>)
    %dma_start3A_25 = arith.constant 3 : i32
    %dma_start3A_26 = arith.constant 0 : i32
    %dma_start3A_27 = tpu.memref_slice %arg7[%dma_start3A_25, %dma_start3A_26] : memref<160x128xi32, #tpu.memory_space<vmem>> -> memref<1x128xi32, #tpu.memory_space<vmem>>
    %dma_start3A_28 = tpu.memref_squeeze %dma_start3A_27 : memref<1x128xi32, #tpu.memory_space<vmem>> -> memref<128xi32, #tpu.memory_space<vmem>>
    %dma_start3A_29 = arith.constant 0 : i32
    %dma_start3A_30 = arith.constant 0 : i32
    %dma_start3A_31 = tpu.memref_slice %arg2[%dma_start3A_29, %dma_start3A_30] : memref<20480x64xf32, #tpu.memory_space<hbm>> -> memref<20480x64xf32, #tpu.memory_space<hbm>>
    tpu.enqueue_indirect_dma source(%dma_start3A_31 : memref<20480x64xf32, #tpu.memory_space<hbm>>) target(%arg12 : memref<128x64xf32, #tpu.memory_space<vmem>>) offsets(%dma_start3A_28 : memref<128xi32, #tpu.memory_space<vmem>>) semaphore(%arg17 : memref<!tpu.dma_semaphore, #tpu.memory_space<semaphore_mem>>)
    %scan3A = arith.constant 0 : i32
    %scan3A_32 = arith.constant 0 : i32
    %scan3A_33 = arith.constant 40 : i32
    %scan3A_34 = arith.addi %scan3A_32, %scan3A_33 : i32
    %scan3A_35 = arith.constant 1 : i32
    scf.for %scan3A_69 = %scan3A_32 to %scan3A_34 step %scan3A_35  : i32 {
      %mul3A_70 = arith.constant 4 : i32
      %mul3A_71 = arith.muli %scan3A_69, %mul3A_70 : i32
      %add3A = arith.constant 0 : i32
      %add3A_72 = arith.addi %mul3A_71, %add3A : i32
      %dma_wait3A_73 = arith.constant 0 : i32
      %dma_wait3A_74 = tpu.memref_slice %arg7[%add3A_72, %dma_wait3A_73] : memref<160x128xi32, #tpu.memory_space<vmem>> -> memref<1x128xi32, #tpu.memory_space<vmem>>
      %dma_wait3A_75 = tpu.memref_squeeze %dma_wait3A_74 : memref<1x128xi32, #tpu.memory_space<vmem>> -> memref<128xi32, #tpu.memory_space<vmem>>
      %dma_wait3A_76 = arith.constant 0 : i32
      %dma_wait3A_77 = arith.constant 0 : i32
      %dma_wait3A_78 = tpu.memref_slice %arg2[%dma_wait3A_76, %dma_wait3A_77] : memref<20480x64xf32, #tpu.memory_space<hbm>> -> memref<20480x64xf32, #tpu.memory_space<hbm>>
      tpu.wait_indirect_dma semaphore(%arg14 : memref<!tpu.dma_semaphore, #tpu.memory_space<semaphore_mem>>) src(%dma_wait3A_78 : memref<20480x64xf32, #tpu.memory_space<hbm>>) dst(%arg9 : memref<128x64xf32, #tpu.memory_space<vmem>>)
      %dma_start3A_79 = arith.constant 0 : i32
      %dma_start3A_80 = tpu.memref_slice %arg8[%add3A_72, %dma_start3A_79] : memref<160x128xi32, #tpu.memory_space<vmem>> -> memref<1x128xi32, #tpu.memory_space<vmem>>
      %dma_start3A_81 = tpu.memref_squeeze %dma_start3A_80 : memref<1x128xi32, #tpu.memory_space<vmem>> -> memref<128xi32, #tpu.memory_space<vmem>>
      %dma_start3A_82 = arith.constant 0 : i32
      %dma_start3A_83 = arith.constant 0 : i32
      %dma_start3A_84 = tpu.memref_slice %arg13[%dma_start3A_82, %dma_start3A_83] : memref<10240x64xf32, #tpu.memory_space<vmem_shared>> -> memref<10240x64xf32, #tpu.memory_space<vmem_shared>>
      tpu.enqueue_indirect_dma source(%arg9 : memref<128x64xf32, #tpu.memory_space<vmem>>) target(%dma_start3A_84 : memref<10240x64xf32, #tpu.memory_space<vmem_shared>>) offsets(%dma_start3A_81 : memref<128xi32, #tpu.memory_space<vmem>>) semaphore(%arg18 : memref<!tpu.dma_semaphore, #tpu.memory_space<semaphore_mem>>) {add = true}
      %add3A_85 = arith.constant 4 : i32
      %add3A_86 = arith.addi %add3A_72, %add3A_85 : i32
      %min3A = arith.constant 159 : i32
      %min3A_87 = arith.minsi %add3A_86, %min3A : i32
      %add3A_88 = arith.constant 4 : i32
      %add3A_89 = arith.addi %add3A_72, %add3A_88 : i32
      %lt3A = arith.constant 160 : i32
      %lt3A_90 = arith.cmpi slt, %add3A_89, %lt3A : i32
      %convert_element_type3A = arith.extui %lt3A_90 : i1 to i32
      %cond3A = arith.constant 0 : i32
      %cond3A_91 = arith.cmpi ne, %convert_element_type3A, %cond3A : i32
      scf.if %cond3A_91 {
        %dma_wait3A_173 = arith.constant 0 : i32
        %dma_wait3A_174 = tpu.memref_slice %arg8[%add3A_72, %dma_wait3A_173] : memref<160x128xi32, #tpu.memory_space<vmem>> -> memref<1x128xi32, #tpu.memory_space<vmem>>
        %dma_wait3A_175 = tpu.memref_squeeze %dma_wait3A_174 : memref<1x128xi32, #tpu.memory_space<vmem>> -> memref<128xi32, #tpu.memory_space<vmem>>
        %dma_wait3A_176 = arith.constant 0 : i32
        %dma_wait3A_177 = arith.constant 0 : i32
        %dma_wait3A_178 = tpu.memref_slice %arg13[%dma_wait3A_176, %dma_wait3A_177] : memref<10240x64xf32, #tpu.memory_space<vmem_shared>> -> memref<10240x64xf32, #tpu.memory_space<vmem_shared>>
        tpu.wait_indirect_dma semaphore(%arg18 : memref<!tpu.dma_semaphore, #tpu.memory_space<semaphore_mem>>) src(%arg9 : memref<128x64xf32, #tpu.memory_space<vmem>>) dst(%dma_wait3A_178 : memref<10240x64xf32, #tpu.memory_space<vmem_shared>>)
        %dma_start3A_179 = arith.constant 0 : i32
        %dma_start3A_180 = tpu.memref_slice %arg7[%min3A_87, %dma_start3A_179] : memref<160x128xi32, #tpu.memory_space<vmem>> -> memref<1x128xi32, #tpu.memory_space<vmem>>
        %dma_start3A_181 = tpu.memref_squeeze %dma_start3A_180 : memref<1x128xi32, #tpu.memory_space<vmem>> -> memref<128xi32, #tpu.memory_space<vmem>>
        %dma_start3A_182 = arith.constant 0 : i32
        %dma_start3A_183 = arith.constant 0 : i32
        %dma_start3A_184 = tpu.memref_slice %arg2[%dma_start3A_182, %dma_start3A_183] : memref<20480x64xf32, #tpu.memory_space<hbm>> -> memref<20480x64xf32, #tpu.memory_space<hbm>>
        tpu.enqueue_indirect_dma source(%dma_start3A_184 : memref<20480x64xf32, #tpu.memory_space<hbm>>) target(%arg9 : memref<128x64xf32, #tpu.memory_space<vmem>>) offsets(%dma_start3A_181 : memref<128xi32, #tpu.memory_space<vmem>>) semaphore(%arg14 : memref<!tpu.dma_semaphore, #tpu.memory_space<semaphore_mem>>)
      } else {
      }
      %mul3A_92 = arith.constant 4 : i32
      %mul3A_93 = arith.muli %scan3A_69, %mul3A_92 : i32
      %add3A_94 = arith.constant 1 : i32
      %add3A_95 = arith.addi %mul3A_93, %add3A_94 : i32
      %dma_wait3A_96 = arith.constant 0 : i32
      %dma_wait3A_97 = tpu.memref_slice %arg7[%add3A_95, %dma_wait3A_96] : memref<160x128xi32, #tpu.memory_space<vmem>> -> memref<1x128xi32, #tpu.memory_space<vmem>>
      %dma_wait3A_98 = tpu.memref_squeeze %dma_wait3A_97 : memref<1x128xi32, #tpu.memory_space<vmem>> -> memref<128xi32, #tpu.memory_space<vmem>>
      %dma_wait3A_99 = arith.constant 0 : i32
      %dma_wait3A_100 = arith.constant 0 : i32
      %dma_wait3A_101 = tpu.memref_slice %arg2[%dma_wait3A_99, %dma_wait3A_100] : memref<20480x64xf32, #tpu.memory_space<hbm>> -> memref<20480x64xf32, #tpu.memory_space<hbm>>
      tpu.wait_indirect_dma semaphore(%arg15 : memref<!tpu.dma_semaphore, #tpu.memory_space<semaphore_mem>>) src(%dma_wait3A_101 : memref<20480x64xf32, #tpu.memory_space<hbm>>) dst(%arg10 : memref<128x64xf32, #tpu.memory_space<vmem>>)
      %dma_start3A_102 = arith.constant 0 : i32
      %dma_start3A_103 = tpu.memref_slice %arg8[%add3A_95, %dma_start3A_102] : memref<160x128xi32, #tpu.memory_space<vmem>> -> memref<1x128xi32, #tpu.memory_space<vmem>>
      %dma_start3A_104 = tpu.memref_squeeze %dma_start3A_103 : memref<1x128xi32, #tpu.memory_space<vmem>> -> memref<128xi32, #tpu.memory_space<vmem>>
      %dma_start3A_105 = arith.constant 0 : i32
      %dma_start3A_106 = arith.constant 0 : i32
      %dma_start3A_107 = tpu.memref_slice %arg13[%dma_start3A_105, %dma_start3A_106] : memref<10240x64xf32, #tpu.memory_space<vmem_shared>> -> memref<10240x64xf32, #tpu.memory_space<vmem_shared>>
      tpu.enqueue_indirect_dma source(%arg10 : memref<128x64xf32, #tpu.memory_space<vmem>>) target(%dma_start3A_107 : memref<10240x64xf32, #tpu.memory_space<vmem_shared>>) offsets(%dma_start3A_104 : memref<128xi32, #tpu.memory_space<vmem>>) semaphore(%arg19 : memref<!tpu.dma_semaphore, #tpu.memory_space<semaphore_mem>>) {add = true}
      %add3A_108 = arith.constant 4 : i32
      %add3A_109 = arith.addi %add3A_95, %add3A_108 : i32
      %min3A_110 = arith.constant 159 : i32
      %min3A_111 = arith.minsi %add3A_109, %min3A_110 : i32
      %add3A_112 = arith.constant 4 : i32
      %add3A_113 = arith.addi %add3A_95, %add3A_112 : i32
      %lt3A_114 = arith.constant 160 : i32
      %lt3A_115 = arith.cmpi slt, %add3A_113, %lt3A_114 : i32
      %convert_element_type3A_116 = arith.extui %lt3A_115 : i1 to i32
      %cond3A_117 = arith.constant 0 : i32
      %cond3A_118 = arith.cmpi ne, %convert_element_type3A_116, %cond3A_117 : i32
      scf.if %cond3A_118 {
        %dma_wait3A_173 = arith.constant 0 : i32
        %dma_wait3A_174 = tpu.memref_slice %arg8[%add3A_95, %dma_wait3A_173] : memref<160x128xi32, #tpu.memory_space<vmem>> -> memref<1x128xi32, #tpu.memory_space<vmem>>
        %dma_wait3A_175 = tpu.memref_squeeze %dma_wait3A_174 : memref<1x128xi32, #tpu.memory_space<vmem>> -> memref<128xi32, #tpu.memory_space<vmem>>
        %dma_wait3A_176 = arith.constant 0 : i32
        %dma_wait3A_177 = arith.constant 0 : i32
        %dma_wait3A_178 = tpu.memref_slice %arg13[%dma_wait3A_176, %dma_wait3A_177] : memref<10240x64xf32, #tpu.memory_space<vmem_shared>> -> memref<10240x64xf32, #tpu.memory_space<vmem_shared>>
        tpu.wait_indirect_dma semaphore(%arg19 : memref<!tpu.dma_semaphore, #tpu.memory_space<semaphore_mem>>) src(%arg10 : memref<128x64xf32, #tpu.memory_space<vmem>>) dst(%dma_wait3A_178 : memref<10240x64xf32, #tpu.memory_space<vmem_shared>>)
        %dma_start3A_179 = arith.constant 0 : i32
        %dma_start3A_180 = tpu.memref_slice %arg7[%min3A_111, %dma_start3A_179] : memref<160x128xi32, #tpu.memory_space<vmem>> -> memref<1x128xi32, #tpu.memory_space<vmem>>
        %dma_start3A_181 = tpu.memref_squeeze %dma_start3A_180 : memref<1x128xi32, #tpu.memory_space<vmem>> -> memref<128xi32, #tpu.memory_space<vmem>>
        %dma_start3A_182 = arith.constant 0 : i32
        %dma_start3A_183 = arith.constant 0 : i32
        %dma_start3A_184 = tpu.memref_slice %arg2[%dma_start3A_182, %dma_start3A_183] : memref<20480x64xf32, #tpu.memory_space<hbm>> -> memref<20480x64xf32, #tpu.memory_space<hbm>>
        tpu.enqueue_indirect_dma source(%dma_start3A_184 : memref<20480x64xf32, #tpu.memory_space<hbm>>) target(%arg10 : memref<128x64xf32, #tpu.memory_space<vmem>>) offsets(%dma_start3A_181 : memref<128xi32, #tpu.memory_space<vmem>>) semaphore(%arg15 : memref<!tpu.dma_semaphore, #tpu.memory_space<semaphore_mem>>)
      } else {
      }
      %mul3A_119 = arith.constant 4 : i32
      %mul3A_120 = arith.muli %scan3A_69, %mul3A_119 : i32
      %add3A_121 = arith.constant 2 : i32
      %add3A_122 = arith.addi %mul3A_120, %add3A_121 : i32
      %dma_wait3A_123 = arith.constant 0 : i32
      %dma_wait3A_124 = tpu.memref_slice %arg7[%add3A_122, %dma_wait3A_123] : memref<160x128xi32, #tpu.memory_space<vmem>> -> memref<1x128xi32, #tpu.memory_space<vmem>>
      %dma_wait3A_125 = tpu.memref_squeeze %dma_wait3A_124 : memref<1x128xi32, #tpu.memory_space<vmem>> -> memref<128xi32, #tpu.memory_space<vmem>>
      %dma_wait3A_126 = arith.constant 0 : i32
      %dma_wait3A_127 = arith.constant 0 : i32
      %dma_wait3A_128 = tpu.memref_slice %arg2[%dma_wait3A_126, %dma_wait3A_127] : memref<20480x64xf32, #tpu.memory_space<hbm>> -> memref<20480x64xf32, #tpu.memory_space<hbm>>
      tpu.wait_indirect_dma semaphore(%arg16 : memref<!tpu.dma_semaphore, #tpu.memory_space<semaphore_mem>>) src(%dma_wait3A_128 : memref<20480x64xf32, #tpu.memory_space<hbm>>) dst(%arg11 : memref<128x64xf32, #tpu.memory_space<vmem>>)
      %dma_start3A_129 = arith.constant 0 : i32
      %dma_start3A_130 = tpu.memref_slice %arg8[%add3A_122, %dma_start3A_129] : memref<160x128xi32, #tpu.memory_space<vmem>> -> memref<1x128xi32, #tpu.memory_space<vmem>>
      %dma_start3A_131 = tpu.memref_squeeze %dma_start3A_130 : memref<1x128xi32, #tpu.memory_space<vmem>> -> memref<128xi32, #tpu.memory_space<vmem>>
      %dma_start3A_132 = arith.constant 0 : i32
      %dma_start3A_133 = arith.constant 0 : i32
      %dma_start3A_134 = tpu.memref_slice %arg13[%dma_start3A_132, %dma_start3A_133] : memref<10240x64xf32, #tpu.memory_space<vmem_shared>> -> memref<10240x64xf32, #tpu.memory_space<vmem_shared>>
      tpu.enqueue_indirect_dma source(%arg11 : memref<128x64xf32, #tpu.memory_space<vmem>>) target(%dma_start3A_134 : memref<10240x64xf32, #tpu.memory_space<vmem_shared>>) offsets(%dma_start3A_131 : memref<128xi32, #tpu.memory_space<vmem>>) semaphore(%arg20 : memref<!tpu.dma_semaphore, #tpu.memory_space<semaphore_mem>>) {add = true}
      %add3A_135 = arith.constant 4 : i32
      %add3A_136 = arith.addi %add3A_122, %add3A_135 : i32
      %min3A_137 = arith.constant 159 : i32
      %min3A_138 = arith.minsi %add3A_136, %min3A_137 : i32
      %add3A_139 = arith.constant 4 : i32
      %add3A_140 = arith.addi %add3A_122, %add3A_139 : i32
      %lt3A_141 = arith.constant 160 : i32
      %lt3A_142 = arith.cmpi slt, %add3A_140, %lt3A_141 : i32
      %convert_element_type3A_143 = arith.extui %lt3A_142 : i1 to i32
      %cond3A_144 = arith.constant 0 : i32
      %cond3A_145 = arith.cmpi ne, %convert_element_type3A_143, %cond3A_144 : i32
      scf.if %cond3A_145 {
        %dma_wait3A_173 = arith.constant 0 : i32
        %dma_wait3A_174 = tpu.memref_slice %arg8[%add3A_122, %dma_wait3A_173] : memref<160x128xi32, #tpu.memory_space<vmem>> -> memref<1x128xi32, #tpu.memory_space<vmem>>
        %dma_wait3A_175 = tpu.memref_squeeze %dma_wait3A_174 : memref<1x128xi32, #tpu.memory_space<vmem>> -> memref<128xi32, #tpu.memory_space<vmem>>
        %dma_wait3A_176 = arith.constant 0 : i32
        %dma_wait3A_177 = arith.constant 0 : i32
        %dma_wait3A_178 = tpu.memref_slice %arg13[%dma_wait3A_176, %dma_wait3A_177] : memref<10240x64xf32, #tpu.memory_space<vmem_shared>> -> memref<10240x64xf32, #tpu.memory_space<vmem_shared>>
        tpu.wait_indirect_dma semaphore(%arg20 : memref<!tpu.dma_semaphore, #tpu.memory_space<semaphore_mem>>) src(%arg11 : memref<128x64xf32, #tpu.memory_space<vmem>>) dst(%dma_wait3A_178 : memref<10240x64xf32, #tpu.memory_space<vmem_shared>>)
        %dma_start3A_179 = arith.constant 0 : i32
        %dma_start3A_180 = tpu.memref_slice %arg7[%min3A_138, %dma_start3A_179] : memref<160x128xi32, #tpu.memory_space<vmem>> -> memref<1x128xi32, #tpu.memory_space<vmem>>
        %dma_start3A_181 = tpu.memref_squeeze %dma_start3A_180 : memref<1x128xi32, #tpu.memory_space<vmem>> -> memref<128xi32, #tpu.memory_space<vmem>>
        %dma_start3A_182 = arith.constant 0 : i32
        %dma_start3A_183 = arith.constant 0 : i32
        %dma_start3A_184 = tpu.memref_slice %arg2[%dma_start3A_182, %dma_start3A_183] : memref<20480x64xf32, #tpu.memory_space<hbm>> -> memref<20480x64xf32, #tpu.memory_space<hbm>>
        tpu.enqueue_indirect_dma source(%dma_start3A_184 : memref<20480x64xf32, #tpu.memory_space<hbm>>) target(%arg11 : memref<128x64xf32, #tpu.memory_space<vmem>>) offsets(%dma_start3A_181 : memref<128xi32, #tpu.memory_space<vmem>>) semaphore(%arg16 : memref<!tpu.dma_semaphore, #tpu.memory_space<semaphore_mem>>)
      } else {
      }
      %mul3A_146 = arith.constant 4 : i32
      %mul3A_147 = arith.muli %scan3A_69, %mul3A_146 : i32
      %add3A_148 = arith.constant 3 : i32
      %add3A_149 = arith.addi %mul3A_147, %add3A_148 : i32
      %dma_wait3A_150 = arith.constant 0 : i32
      %dma_wait3A_151 = tpu.memref_slice %arg7[%add3A_149, %dma_wait3A_150] : memref<160x128xi32, #tpu.memory_space<vmem>> -> memref<1x128xi32, #tpu.memory_space<vmem>>
      %dma_wait3A_152 = tpu.memref_squeeze %dma_wait3A_151 : memref<1x128xi32, #tpu.memory_space<vmem>> -> memref<128xi32, #tpu.memory_space<vmem>>
      %dma_wait3A_153 = arith.constant 0 : i32
      %dma_wait3A_154 = arith.constant 0 : i32
      %dma_wait3A_155 = tpu.memref_slice %arg2[%dma_wait3A_153, %dma_wait3A_154] : memref<20480x64xf32, #tpu.memory_space<hbm>> -> memref<20480x64xf32, #tpu.memory_space<hbm>>
      tpu.wait_indirect_dma semaphore(%arg17 : memref<!tpu.dma_semaphore, #tpu.memory_space<semaphore_mem>>) src(%dma_wait3A_155 : memref<20480x64xf32, #tpu.memory_space<hbm>>) dst(%arg12 : memref<128x64xf32, #tpu.memory_space<vmem>>)
      %dma_start3A_156 = arith.constant 0 : i32
      %dma_start3A_157 = tpu.memref_slice %arg8[%add3A_149, %dma_start3A_156] : memref<160x128xi32, #tpu.memory_space<vmem>> -> memref<1x128xi32, #tpu.memory_space<vmem>>
      %dma_start3A_158 = tpu.memref_squeeze %dma_start3A_157 : memref<1x128xi32, #tpu.memory_space<vmem>> -> memref<128xi32, #tpu.memory_space<vmem>>
      %dma_start3A_159 = arith.constant 0 : i32
      %dma_start3A_160 = arith.constant 0 : i32
      %dma_start3A_161 = tpu.memref_slice %arg13[%dma_start3A_159, %dma_start3A_160] : memref<10240x64xf32, #tpu.memory_space<vmem_shared>> -> memref<10240x64xf32, #tpu.memory_space<vmem_shared>>
      tpu.enqueue_indirect_dma source(%arg12 : memref<128x64xf32, #tpu.memory_space<vmem>>) target(%dma_start3A_161 : memref<10240x64xf32, #tpu.memory_space<vmem_shared>>) offsets(%dma_start3A_158 : memref<128xi32, #tpu.memory_space<vmem>>) semaphore(%arg21 : memref<!tpu.dma_semaphore, #tpu.memory_space<semaphore_mem>>) {add = true}
      %add3A_162 = arith.constant 4 : i32
      %add3A_163 = arith.addi %add3A_149, %add3A_162 : i32
      %min3A_164 = arith.constant 159 : i32
      %min3A_165 = arith.minsi %add3A_163, %min3A_164 : i32
      %add3A_166 = arith.constant 4 : i32
      %add3A_167 = arith.addi %add3A_149, %add3A_166 : i32
      %lt3A_168 = arith.constant 160 : i32
      %lt3A_169 = arith.cmpi slt, %add3A_167, %lt3A_168 : i32
      %convert_element_type3A_170 = arith.extui %lt3A_169 : i1 to i32
      %cond3A_171 = arith.constant 0 : i32
      %cond3A_172 = arith.cmpi ne, %convert_element_type3A_170, %cond3A_171 : i32
      scf.if %cond3A_172 {
        %dma_wait3A_173 = arith.constant 0 : i32
        %dma_wait3A_174 = tpu.memref_slice %arg8[%add3A_149, %dma_wait3A_173] : memref<160x128xi32, #tpu.memory_space<vmem>> -> memref<1x128xi32, #tpu.memory_space<vmem>>
        %dma_wait3A_175 = tpu.memref_squeeze %dma_wait3A_174 : memref<1x128xi32, #tpu.memory_space<vmem>> -> memref<128xi32, #tpu.memory_space<vmem>>
        %dma_wait3A_176 = arith.constant 0 : i32
        %dma_wait3A_177 = arith.constant 0 : i32
        %dma_wait3A_178 = tpu.memref_slice %arg13[%dma_wait3A_176, %dma_wait3A_177] : memref<10240x64xf32, #tpu.memory_space<vmem_shared>> -> memref<10240x64xf32, #tpu.memory_space<vmem_shared>>
        tpu.wait_indirect_dma semaphore(%arg21 : memref<!tpu.dma_semaphore, #tpu.memory_space<semaphore_mem>>) src(%arg12 : memref<128x64xf32, #tpu.memory_space<vmem>>) dst(%dma_wait3A_178 : memref<10240x64xf32, #tpu.memory_space<vmem_shared>>)
        %dma_start3A_179 = arith.constant 0 : i32
        %dma_start3A_180 = tpu.memref_slice %arg7[%min3A_165, %dma_start3A_179] : memref<160x128xi32, #tpu.memory_space<vmem>> -> memref<1x128xi32, #tpu.memory_space<vmem>>
        %dma_start3A_181 = tpu.memref_squeeze %dma_start3A_180 : memref<1x128xi32, #tpu.memory_space<vmem>> -> memref<128xi32, #tpu.memory_space<vmem>>
        %dma_start3A_182 = arith.constant 0 : i32
        %dma_start3A_183 = arith.constant 0 : i32
        %dma_start3A_184 = tpu.memref_slice %arg2[%dma_start3A_182, %dma_start3A_183] : memref<20480x64xf32, #tpu.memory_space<hbm>> -> memref<20480x64xf32, #tpu.memory_space<hbm>>
        tpu.enqueue_indirect_dma source(%dma_start3A_184 : memref<20480x64xf32, #tpu.memory_space<hbm>>) target(%arg12 : memref<128x64xf32, #tpu.memory_space<vmem>>) offsets(%dma_start3A_181 : memref<128xi32, #tpu.memory_space<vmem>>) semaphore(%arg17 : memref<!tpu.dma_semaphore, #tpu.memory_space<semaphore_mem>>)
      } else {
      }
    }
    %scan3A_36 = arith.constant 40 : i32
    %dma_wait3A = arith.constant 0 : i32
    %dma_wait3A_37 = arith.constant 0 : i32
    %dma_wait3A_38 = tpu.memref_slice %arg8[%dma_wait3A, %dma_wait3A_37] : memref<160x128xi32, #tpu.memory_space<vmem>> -> memref<1x128xi32, #tpu.memory_space<vmem>>
    %dma_wait3A_39 = tpu.memref_squeeze %dma_wait3A_38 : memref<1x128xi32, #tpu.memory_space<vmem>> -> memref<128xi32, #tpu.memory_space<vmem>>
    %dma_wait3A_40 = arith.constant 0 : i32
    %dma_wait3A_41 = arith.constant 0 : i32
    %dma_wait3A_42 = tpu.memref_slice %arg13[%dma_wait3A_40, %dma_wait3A_41] : memref<10240x64xf32, #tpu.memory_space<vmem_shared>> -> memref<10240x64xf32, #tpu.memory_space<vmem_shared>>
    tpu.wait_indirect_dma semaphore(%arg18 : memref<!tpu.dma_semaphore, #tpu.memory_space<semaphore_mem>>) src(%arg9 : memref<128x64xf32, #tpu.memory_space<vmem>>) dst(%dma_wait3A_42 : memref<10240x64xf32, #tpu.memory_space<vmem_shared>>)
    %dma_wait3A_43 = arith.constant 0 : i32
    %dma_wait3A_44 = arith.constant 0 : i32
    %dma_wait3A_45 = tpu.memref_slice %arg8[%dma_wait3A_43, %dma_wait3A_44] : memref<160x128xi32, #tpu.memory_space<vmem>> -> memref<1x128xi32, #tpu.memory_space<vmem>>
    %dma_wait3A_46 = tpu.memref_squeeze %dma_wait3A_45 : memref<1x128xi32, #tpu.memory_space<vmem>> -> memref<128xi32, #tpu.memory_space<vmem>>
    %dma_wait3A_47 = arith.constant 0 : i32
    %dma_wait3A_48 = arith.constant 0 : i32
    %dma_wait3A_49 = tpu.memref_slice %arg13[%dma_wait3A_47, %dma_wait3A_48] : memref<10240x64xf32, #tpu.memory_space<vmem_shared>> -> memref<10240x64xf32, #tpu.memory_space<vmem_shared>>
    tpu.wait_indirect_dma semaphore(%arg19 : memref<!tpu.dma_semaphore, #tpu.memory_space<semaphore_mem>>) src(%arg10 : memref<128x64xf32, #tpu.memory_space<vmem>>) dst(%dma_wait3A_49 : memref<10240x64xf32, #tpu.memory_space<vmem_shared>>)
    %dma_wait3A_50 = arith.constant 0 : i32
    %dma_wait3A_51 = arith.constant 0 : i32
    %dma_wait3A_52 = tpu.memref_slice %arg8[%dma_wait3A_50, %dma_wait3A_51] : memref<160x128xi32, #tpu.memory_space<vmem>> -> memref<1x128xi32, #tpu.memory_space<vmem>>
    %dma_wait3A_53 = tpu.memref_squeeze %dma_wait3A_52 : memref<1x128xi32, #tpu.memory_space<vmem>> -> memref<128xi32, #tpu.memory_space<vmem>>
    %dma_wait3A_54 = arith.constant 0 : i32
    %dma_wait3A_55 = arith.constant 0 : i32
    %dma_wait3A_56 = tpu.memref_slice %arg13[%dma_wait3A_54, %dma_wait3A_55] : memref<10240x64xf32, #tpu.memory_space<vmem_shared>> -> memref<10240x64xf32, #tpu.memory_space<vmem_shared>>
    tpu.wait_indirect_dma semaphore(%arg20 : memref<!tpu.dma_semaphore, #tpu.memory_space<semaphore_mem>>) src(%arg11 : memref<128x64xf32, #tpu.memory_space<vmem>>) dst(%dma_wait3A_56 : memref<10240x64xf32, #tpu.memory_space<vmem_shared>>)
    %dma_wait3A_57 = arith.constant 0 : i32
    %dma_wait3A_58 = arith.constant 0 : i32
    %dma_wait3A_59 = tpu.memref_slice %arg8[%dma_wait3A_57, %dma_wait3A_58] : memref<160x128xi32, #tpu.memory_space<vmem>> -> memref<1x128xi32, #tpu.memory_space<vmem>>
    %dma_wait3A_60 = tpu.memref_squeeze %dma_wait3A_59 : memref<1x128xi32, #tpu.memory_space<vmem>> -> memref<128xi32, #tpu.memory_space<vmem>>
    %dma_wait3A_61 = arith.constant 0 : i32
    %dma_wait3A_62 = arith.constant 0 : i32
    %dma_wait3A_63 = tpu.memref_slice %arg13[%dma_wait3A_61, %dma_wait3A_62] : memref<10240x64xf32, #tpu.memory_space<vmem_shared>> -> memref<10240x64xf32, #tpu.memory_space<vmem_shared>>
    tpu.wait_indirect_dma semaphore(%arg21 : memref<!tpu.dma_semaphore, #tpu.memory_space<semaphore_mem>>) src(%arg12 : memref<128x64xf32, #tpu.memory_space<vmem>>) dst(%dma_wait3A_63 : memref<10240x64xf32, #tpu.memory_space<vmem_shared>>)
    %barrier3A_64 = arith.constant 0 : index
    tpu.barrier barrier_id(%barrier3A_64)
    %mul3A_65 = arith.constant 640 : i32
    %mul3A_66 = arith.muli %arg1, %mul3A_65 : i32
    %mul3A_67 = arith.constant 640 : i32
    %mul3A_68 = arith.muli %arg1, %mul3A_67 : i32
    "tpu.region"() ({
      %run_scoped3A = tpu.sem_alloc : memref<!tpu.dma_semaphore, #tpu.memory_space<semaphore_mem>>
      %dma_start3A_69 = arith.constant 0 : i32
      %dma_start3A_70 = arith.constant 0 : i32
      %dma_start3A_71 = tpu.memref_slice %arg6[%arg0, %dma_start3A_69, %dma_start3A_70] : memref<2x10240x64xf32, #tpu.memory_space<hbm>> -> memref<1x10240x64xf32, #tpu.memory_space<hbm>>
      %dma_start3A_72 = tpu.memref_squeeze %dma_start3A_71 : memref<1x10240x64xf32, #tpu.memory_space<hbm>> -> memref<10240x64xf32, #tpu.memory_space<hbm>>
      %dma_start3A_73 = arith.constant 0 : i32
      %dma_start3A_74 = tpu.memref_slice %dma_start3A_72[%mul3A_68, %dma_start3A_73] : memref<10240x64xf32, #tpu.memory_space<hbm>> -> memref<640x64xf32, #tpu.memory_space<hbm>>
      %dma_start3A_75 = arith.constant 0 : i32
      %dma_start3A_76 = tpu.memref_slice %arg13[%mul3A_66, %dma_start3A_75] : memref<10240x64xf32, #tpu.memory_space<vmem_shared>> -> memref<640x64xf32, #tpu.memory_space<vmem_shared>>
      tpu.enqueue_dma source(%dma_start3A_76 : memref<640x64xf32, #tpu.memory_space<vmem_shared>>) target(%dma_start3A_74 : memref<640x64xf32, #tpu.memory_space<hbm>>) target_semaphore(%run_scoped3A : memref<!tpu.dma_semaphore, #tpu.memory_space<semaphore_mem>>)
      %dma_wait3A_77 = arith.constant 0 : i32
      %dma_wait3A_78 = arith.constant 0 : i32
      %dma_wait3A_79 = tpu.memref_slice %arg6[%arg0, %dma_wait3A_77, %dma_wait3A_78] : memref<2x10240x64xf32, #tpu.memory_space<hbm>> -> memref<1x10240x64xf32, #tpu.memory_space<hbm>>
      %dma_wait3A_80 = tpu.memref_squeeze %dma_wait3A_79 : memref<1x10240x64xf32, #tpu.memory_space<hbm>> -> memref<10240x64xf32, #tpu.memory_space<hbm>>
      %dma_wait3A_81 = arith.constant 0 : i32
      %dma_wait3A_82 = tpu.memref_slice %dma_wait3A_80[%mul3A_68, %dma_wait3A_81] : memref<10240x64xf32, #tpu.memory_space<hbm>> -> memref<640x64xf32, #tpu.memory_space<hbm>>
      %dma_wait3A_83 = arith.constant 0 : i32
      %dma_wait3A_84 = tpu.memref_slice %arg13[%mul3A_66, %dma_wait3A_83] : memref<10240x64xf32, #tpu.memory_space<vmem_shared>> -> memref<640x64xf32, #tpu.memory_space<vmem_shared>>
      tpu.wait_dma2 semaphore(%run_scoped3A : memref<!tpu.dma_semaphore, #tpu.memory_space<semaphore_mem>>) src(%dma_wait3A_84 : memref<640x64xf32, #tpu.memory_space<vmem_shared>>) dst(%dma_wait3A_82 : memref<640x64xf32, #tpu.memory_space<hbm>>)
      tpu.yield
    }) : () -> ()
    return
  }
}

#map = affine_map<(d0, d1) -> (0, 0)>
#map1 = affine_map<(d0, d1) -> (0, 0, 0)>
module attributes {stable_mosaic.version = 14 : i64} {
  func.func @_agg_col_sc(%arg0: i32, %arg1: i32, %arg2: memref<20480x64xf32, #tpu.memory_space<hbm>>, %arg3: memref<2x2560x128xi32, #tpu.memory_space<hbm>>, %arg4: memref<2560x128xi32, #tpu.memory_space<hbm>>, %arg5: memref<640x64xf32, #tpu.memory_space<hbm>>, %arg6: memref<2x10240x64xf32, #tpu.memory_space<hbm>>, %arg7: memref<160x128xi32, #tpu.memory_space<vmem>>, %arg8: memref<160x128xi32, #tpu.memory_space<vmem>>, %arg9: memref<128x64xf32, #tpu.memory_space<vmem>>, %arg10: memref<128x64xf32, #tpu.memory_space<vmem>>, %arg11: memref<128x64xf32, #tpu.memory_space<vmem>>, %arg12: memref<128x64xf32, #tpu.memory_space<vmem>>, %arg13: memref<10240x64xf32, #tpu.memory_space<vmem_shared>>, %arg14: memref<!tpu.dma_semaphore, #tpu.memory_space<semaphore_mem>>, %arg15: memref<!tpu.dma_semaphore, #tpu.memory_space<semaphore_mem>>, %arg16: memref<!tpu.dma_semaphore, #tpu.memory_space<semaphore_mem>>, %arg17: memref<!tpu.dma_semaphore, #tpu.memory_space<semaphore_mem>>, %arg18: memref<!tpu.dma_semaphore, #tpu.memory_space<semaphore_mem>>, %arg19: memref<!tpu.dma_semaphore, #tpu.memory_space<semaphore_mem>>, %arg20: memref<!tpu.dma_semaphore, #tpu.memory_space<semaphore_mem>>, %arg21: memref<!tpu.dma_semaphore, #tpu.memory_space<semaphore_mem>>) attributes {dimension_semantics = [#tpu.dimension_semantics<core_parallel>, #tpu.dimension_semantics<subcore_parallel>], iteration_bounds = array<i64: 2, 16>, scalar_prefetch = 0 : i64, scratch_operands = 15 : i64, tpu.core_type = #tpu.core_type<sc_vector_subcore>, window_params = [{transform_indices = #map}, {transform_indices = #map1}, {transform_indices = #map}, {transform_indices = #map}, {transform_indices = #map1}]} {
    %mul3A = arith.constant 640 : i32
    %mul3A_0 = arith.muli %arg1, %mul3A : i32
    "tpu.region"() ({
      %run_scoped3A = tpu.sem_alloc : memref<!tpu.dma_semaphore, #tpu.memory_space<semaphore_mem>>
      %dma_start3A_69 = arith.constant 0 : i32
      %dma_start3A_70 = tpu.memref_slice %arg13[%mul3A_0, %dma_start3A_69] : memref<10240x64xf32, #tpu.memory_space<vmem_shared>> -> memref<640x64xf32, #tpu.memory_space<vmem_shared>>
      tpu.enqueue_dma source(%arg5 : memref<640x64xf32, #tpu.memory_space<hbm>>) target(%dma_start3A_70 : memref<640x64xf32, #tpu.memory_space<vmem_shared>>) target_semaphore(%run_scoped3A : memref<!tpu.dma_semaphore, #tpu.memory_space<semaphore_mem>>)
      %dma_wait3A_71 = arith.constant 0 : i32
      %dma_wait3A_72 = tpu.memref_slice %arg13[%mul3A_0, %dma_wait3A_71] : memref<10240x64xf32, #tpu.memory_space<vmem_shared>> -> memref<640x64xf32, #tpu.memory_space<vmem_shared>>
      tpu.wait_dma2 semaphore(%run_scoped3A : memref<!tpu.dma_semaphore, #tpu.memory_space<semaphore_mem>>) src(%arg5 : memref<640x64xf32, #tpu.memory_space<hbm>>) dst(%dma_wait3A_72 : memref<640x64xf32, #tpu.memory_space<vmem_shared>>)
      tpu.yield
    }) : () -> ()
    %mul3A_1 = arith.constant 160 : i32
    %mul3A_2 = arith.muli %arg1, %mul3A_1 : i32
    "tpu.region"() ({
      %run_scoped3A = tpu.sem_alloc : memref<!tpu.dma_semaphore, #tpu.memory_space<semaphore_mem>>
      %dma_start3A_69 = arith.constant 0 : i32
      %dma_start3A_70 = arith.constant 0 : i32
      %dma_start3A_71 = tpu.memref_slice %arg3[%arg0, %dma_start3A_69, %dma_start3A_70] : memref<2x2560x128xi32, #tpu.memory_space<hbm>> -> memref<1x2560x128xi32, #tpu.memory_space<hbm>>
      %dma_start3A_72 = tpu.memref_squeeze %dma_start3A_71 : memref<1x2560x128xi32, #tpu.memory_space<hbm>> -> memref<2560x128xi32, #tpu.memory_space<hbm>>
      %dma_start3A_73 = arith.constant 0 : i32
      %dma_start3A_74 = tpu.memref_slice %dma_start3A_72[%mul3A_2, %dma_start3A_73] : memref<2560x128xi32, #tpu.memory_space<hbm>> -> memref<160x128xi32, #tpu.memory_space<hbm>>
      %dma_start3A_75 = arith.constant 0 : i32
      %dma_start3A_76 = arith.constant 0 : i32
      %dma_start3A_77 = tpu.memref_slice %arg3[%arg0, %dma_start3A_75, %dma_start3A_76] : memref<2x2560x128xi32, #tpu.memory_space<hbm>> -> memref<1x2560x128xi32, #tpu.memory_space<hbm>>
      %dma_start3A_78 = tpu.memref_squeeze %dma_start3A_77 : memref<1x2560x128xi32, #tpu.memory_space<hbm>> -> memref<2560x128xi32, #tpu.memory_space<hbm>>
      %dma_start3A_79 = arith.constant 0 : i32
      %dma_start3A_80 = tpu.memref_slice %dma_start3A_78[%mul3A_2, %dma_start3A_79] : memref<2560x128xi32, #tpu.memory_space<hbm>> -> memref<160x128xi32, #tpu.memory_space<hbm>>
      tpu.enqueue_dma source(%dma_start3A_80 : memref<160x128xi32, #tpu.memory_space<hbm>>) target(%arg7 : memref<160x128xi32, #tpu.memory_space<vmem>>) target_semaphore(%run_scoped3A : memref<!tpu.dma_semaphore, #tpu.memory_space<semaphore_mem>>)
      %dma_wait3A_81 = arith.constant 0 : i32
      %dma_wait3A_82 = arith.constant 0 : i32
      %dma_wait3A_83 = tpu.memref_slice %arg3[%arg0, %dma_wait3A_81, %dma_wait3A_82] : memref<2x2560x128xi32, #tpu.memory_space<hbm>> -> memref<1x2560x128xi32, #tpu.memory_space<hbm>>
      %dma_wait3A_84 = tpu.memref_squeeze %dma_wait3A_83 : memref<1x2560x128xi32, #tpu.memory_space<hbm>> -> memref<2560x128xi32, #tpu.memory_space<hbm>>
      %dma_wait3A_85 = arith.constant 0 : i32
      %dma_wait3A_86 = tpu.memref_slice %dma_wait3A_84[%mul3A_2, %dma_wait3A_85] : memref<2560x128xi32, #tpu.memory_space<hbm>> -> memref<160x128xi32, #tpu.memory_space<hbm>>
      %dma_wait3A_87 = arith.constant 0 : i32
      %dma_wait3A_88 = arith.constant 0 : i32
      %dma_wait3A_89 = tpu.memref_slice %arg3[%arg0, %dma_wait3A_87, %dma_wait3A_88] : memref<2x2560x128xi32, #tpu.memory_space<hbm>> -> memref<1x2560x128xi32, #tpu.memory_space<hbm>>
      %dma_wait3A_90 = tpu.memref_squeeze %dma_wait3A_89 : memref<1x2560x128xi32, #tpu.memory_space<hbm>> -> memref<2560x128xi32, #tpu.memory_space<hbm>>
      %dma_wait3A_91 = arith.constant 0 : i32
      %dma_wait3A_92 = tpu.memref_slice %dma_wait3A_90[%mul3A_2, %dma_wait3A_91] : memref<2560x128xi32, #tpu.memory_space<hbm>> -> memref<160x128xi32, #tpu.memory_space<hbm>>
      tpu.wait_dma2 semaphore(%run_scoped3A : memref<!tpu.dma_semaphore, #tpu.memory_space<semaphore_mem>>) src(%dma_wait3A_92 : memref<160x128xi32, #tpu.memory_space<hbm>>) dst(%arg7 : memref<160x128xi32, #tpu.memory_space<vmem>>)
      tpu.yield
    }) : () -> ()
    %mul3A_3 = arith.constant 160 : i32
    %mul3A_4 = arith.muli %arg1, %mul3A_3 : i32
    "tpu.region"() ({
      %run_scoped3A = tpu.sem_alloc : memref<!tpu.dma_semaphore, #tpu.memory_space<semaphore_mem>>
      %dma_start3A_69 = arith.constant 0 : i32
      %dma_start3A_70 = tpu.memref_slice %arg4[%mul3A_4, %dma_start3A_69] : memref<2560x128xi32, #tpu.memory_space<hbm>> -> memref<160x128xi32, #tpu.memory_space<hbm>>
      %dma_start3A_71 = arith.constant 0 : i32
      %dma_start3A_72 = tpu.memref_slice %arg4[%mul3A_4, %dma_start3A_71] : memref<2560x128xi32, #tpu.memory_space<hbm>> -> memref<160x128xi32, #tpu.memory_space<hbm>>
      tpu.enqueue_dma source(%dma_start3A_72 : memref<160x128xi32, #tpu.memory_space<hbm>>) target(%arg8 : memref<160x128xi32, #tpu.memory_space<vmem>>) target_semaphore(%run_scoped3A : memref<!tpu.dma_semaphore, #tpu.memory_space<semaphore_mem>>)
      %dma_wait3A_73 = arith.constant 0 : i32
      %dma_wait3A_74 = tpu.memref_slice %arg4[%mul3A_4, %dma_wait3A_73] : memref<2560x128xi32, #tpu.memory_space<hbm>> -> memref<160x128xi32, #tpu.memory_space<hbm>>
      %dma_wait3A_75 = arith.constant 0 : i32
      %dma_wait3A_76 = tpu.memref_slice %arg4[%mul3A_4, %dma_wait3A_75] : memref<2560x128xi32, #tpu.memory_space<hbm>> -> memref<160x128xi32, #tpu.memory_space<hbm>>
      tpu.wait_dma2 semaphore(%run_scoped3A : memref<!tpu.dma_semaphore, #tpu.memory_space<semaphore_mem>>) src(%dma_wait3A_76 : memref<160x128xi32, #tpu.memory_space<hbm>>) dst(%arg8 : memref<160x128xi32, #tpu.memory_space<vmem>>)
      tpu.yield
    }) : () -> ()
    %barrier3A = arith.constant 0 : index
    tpu.barrier barrier_id(%barrier3A)
    %dma_start3A = arith.constant 0 : i32
    %dma_start3A_5 = arith.constant 0 : i32
    %dma_start3A_6 = tpu.memref_slice %arg7[%dma_start3A, %dma_start3A_5] : memref<160x128xi32, #tpu.memory_space<vmem>> -> memref<1x128xi32, #tpu.memory_space<vmem>>
    %dma_start3A_7 = tpu.memref_squeeze %dma_start3A_6 : memref<1x128xi32, #tpu.memory_space<vmem>> -> memref<128xi32, #tpu.memory_space<vmem>>
    %dma_start3A_8 = arith.constant 0 : i32
    %dma_start3A_9 = arith.constant 0 : i32
    %dma_start3A_10 = tpu.memref_slice %arg2[%dma_start3A_8, %dma_start3A_9] : memref<20480x64xf32, #tpu.memory_space<hbm>> -> memref<20480x64xf32, #tpu.memory_space<hbm>>
    tpu.enqueue_indirect_dma source(%dma_start3A_10 : memref<20480x64xf32, #tpu.memory_space<hbm>>) target(%arg9 : memref<128x64xf32, #tpu.memory_space<vmem>>) offsets(%dma_start3A_7 : memref<128xi32, #tpu.memory_space<vmem>>) semaphore(%arg14 : memref<!tpu.dma_semaphore, #tpu.memory_space<semaphore_mem>>)
    %dma_start3A_11 = arith.constant 1 : i32
    %dma_start3A_12 = arith.constant 0 : i32
    %dma_start3A_13 = tpu.memref_slice %arg7[%dma_start3A_11, %dma_start3A_12] : memref<160x128xi32, #tpu.memory_space<vmem>> -> memref<1x128xi32, #tpu.memory_space<vmem>>
    %dma_start3A_14 = tpu.memref_squeeze %dma_start3A_13 : memref<1x128xi32, #tpu.memory_space<vmem>> -> memref<128xi32, #tpu.memory_space<vmem>>
    %dma_start3A_15 = arith.constant 0 : i32
    %dma_start3A_16 = arith.constant 0 : i32
    %dma_start3A_17 = tpu.memref_slice %arg2[%dma_start3A_15, %dma_start3A_16] : memref<20480x64xf32, #tpu.memory_space<hbm>> -> memref<20480x64xf32, #tpu.memory_space<hbm>>
    tpu.enqueue_indirect_dma source(%dma_start3A_17 : memref<20480x64xf32, #tpu.memory_space<hbm>>) target(%arg10 : memref<128x64xf32, #tpu.memory_space<vmem>>) offsets(%dma_start3A_14 : memref<128xi32, #tpu.memory_space<vmem>>) semaphore(%arg15 : memref<!tpu.dma_semaphore, #tpu.memory_space<semaphore_mem>>)
    %dma_start3A_18 = arith.constant 2 : i32
    %dma_start3A_19 = arith.constant 0 : i32
    %dma_start3A_20 = tpu.memref_slice %arg7[%dma_start3A_18, %dma_start3A_19] : memref<160x128xi32, #tpu.memory_space<vmem>> -> memref<1x128xi32, #tpu.memory_space<vmem>>
    %dma_start3A_21 = tpu.memref_squeeze %dma_start3A_20 : memref<1x128xi32, #tpu.memory_space<vmem>> -> memref<128xi32, #tpu.memory_space<vmem>>
    %dma_start3A_22 = arith.constant 0 : i32
    %dma_start3A_23 = arith.constant 0 : i32
    %dma_start3A_24 = tpu.memref_slice %arg2[%dma_start3A_22, %dma_start3A_23] : memref<20480x64xf32, #tpu.memory_space<hbm>> -> memref<20480x64xf32, #tpu.memory_space<hbm>>
    tpu.enqueue_indirect_dma source(%dma_start3A_24 : memref<20480x64xf32, #tpu.memory_space<hbm>>) target(%arg11 : memref<128x64xf32, #tpu.memory_space<vmem>>) offsets(%dma_start3A_21 : memref<128xi32, #tpu.memory_space<vmem>>) semaphore(%arg16 : memref<!tpu.dma_semaphore, #tpu.memory_space<semaphore_mem>>)
    %dma_start3A_25 = arith.constant 3 : i32
    %dma_start3A_26 = arith.constant 0 : i32
    %dma_start3A_27 = tpu.memref_slice %arg7[%dma_start3A_25, %dma_start3A_26] : memref<160x128xi32, #tpu.memory_space<vmem>> -> memref<1x128xi32, #tpu.memory_space<vmem>>
    %dma_start3A_28 = tpu.memref_squeeze %dma_start3A_27 : memref<1x128xi32, #tpu.memory_space<vmem>> -> memref<128xi32, #tpu.memory_space<vmem>>
    %dma_start3A_29 = arith.constant 0 : i32
    %dma_start3A_30 = arith.constant 0 : i32
    %dma_start3A_31 = tpu.memref_slice %arg2[%dma_start3A_29, %dma_start3A_30] : memref<20480x64xf32, #tpu.memory_space<hbm>> -> memref<20480x64xf32, #tpu.memory_space<hbm>>
    tpu.enqueue_indirect_dma source(%dma_start3A_31 : memref<20480x64xf32, #tpu.memory_space<hbm>>) target(%arg12 : memref<128x64xf32, #tpu.memory_space<vmem>>) offsets(%dma_start3A_28 : memref<128xi32, #tpu.memory_space<vmem>>) semaphore(%arg17 : memref<!tpu.dma_semaphore, #tpu.memory_space<semaphore_mem>>)
    %scan3A = arith.constant 0 : i32
    %scan3A_32 = arith.constant 0 : i32
    %scan3A_33 = arith.constant 40 : i32
    %scan3A_34 = arith.addi %scan3A_32, %scan3A_33 : i32
    %scan3A_35 = arith.constant 1 : i32
    scf.for %scan3A_69 = %scan3A_32 to %scan3A_34 step %scan3A_35  : i32 {
      %mul3A_70 = arith.constant 4 : i32
      %mul3A_71 = arith.muli %scan3A_69, %mul3A_70 : i32
      %add3A = arith.constant 0 : i32
      %add3A_72 = arith.addi %mul3A_71, %add3A : i32
      %dma_wait3A_73 = arith.constant 0 : i32
      %dma_wait3A_74 = tpu.memref_slice %arg7[%add3A_72, %dma_wait3A_73] : memref<160x128xi32, #tpu.memory_space<vmem>> -> memref<1x128xi32, #tpu.memory_space<vmem>>
      %dma_wait3A_75 = tpu.memref_squeeze %dma_wait3A_74 : memref<1x128xi32, #tpu.memory_space<vmem>> -> memref<128xi32, #tpu.memory_space<vmem>>
      %dma_wait3A_76 = arith.constant 0 : i32
      %dma_wait3A_77 = arith.constant 0 : i32
      %dma_wait3A_78 = tpu.memref_slice %arg2[%dma_wait3A_76, %dma_wait3A_77] : memref<20480x64xf32, #tpu.memory_space<hbm>> -> memref<20480x64xf32, #tpu.memory_space<hbm>>
      tpu.wait_indirect_dma semaphore(%arg14 : memref<!tpu.dma_semaphore, #tpu.memory_space<semaphore_mem>>) src(%dma_wait3A_78 : memref<20480x64xf32, #tpu.memory_space<hbm>>) dst(%arg9 : memref<128x64xf32, #tpu.memory_space<vmem>>)
      %dma_start3A_79 = arith.constant 0 : i32
      %dma_start3A_80 = tpu.memref_slice %arg8[%add3A_72, %dma_start3A_79] : memref<160x128xi32, #tpu.memory_space<vmem>> -> memref<1x128xi32, #tpu.memory_space<vmem>>
      %dma_start3A_81 = tpu.memref_squeeze %dma_start3A_80 : memref<1x128xi32, #tpu.memory_space<vmem>> -> memref<128xi32, #tpu.memory_space<vmem>>
      %dma_start3A_82 = arith.constant 0 : i32
      %dma_start3A_83 = arith.constant 0 : i32
      %dma_start3A_84 = tpu.memref_slice %arg13[%dma_start3A_82, %dma_start3A_83] : memref<10240x64xf32, #tpu.memory_space<vmem_shared>> -> memref<10240x64xf32, #tpu.memory_space<vmem_shared>>
      tpu.enqueue_indirect_dma source(%arg9 : memref<128x64xf32, #tpu.memory_space<vmem>>) target(%dma_start3A_84 : memref<10240x64xf32, #tpu.memory_space<vmem_shared>>) offsets(%dma_start3A_81 : memref<128xi32, #tpu.memory_space<vmem>>) semaphore(%arg18 : memref<!tpu.dma_semaphore, #tpu.memory_space<semaphore_mem>>) {add = true}
      %add3A_85 = arith.constant 4 : i32
      %add3A_86 = arith.addi %add3A_72, %add3A_85 : i32
      %min3A = arith.constant 159 : i32
      %min3A_87 = arith.minsi %add3A_86, %min3A : i32
      %add3A_88 = arith.constant 4 : i32
      %add3A_89 = arith.addi %add3A_72, %add3A_88 : i32
      %lt3A = arith.constant 160 : i32
      %lt3A_90 = arith.cmpi slt, %add3A_89, %lt3A : i32
      %convert_element_type3A = arith.extui %lt3A_90 : i1 to i32
      %cond3A = arith.constant 0 : i32
      %cond3A_91 = arith.cmpi ne, %convert_element_type3A, %cond3A : i32
      scf.if %cond3A_91 {
        %dma_wait3A_173 = arith.constant 0 : i32
        %dma_wait3A_174 = tpu.memref_slice %arg8[%add3A_72, %dma_wait3A_173] : memref<160x128xi32, #tpu.memory_space<vmem>> -> memref<1x128xi32, #tpu.memory_space<vmem>>
        %dma_wait3A_175 = tpu.memref_squeeze %dma_wait3A_174 : memref<1x128xi32, #tpu.memory_space<vmem>> -> memref<128xi32, #tpu.memory_space<vmem>>
        %dma_wait3A_176 = arith.constant 0 : i32
        %dma_wait3A_177 = arith.constant 0 : i32
        %dma_wait3A_178 = tpu.memref_slice %arg13[%dma_wait3A_176, %dma_wait3A_177] : memref<10240x64xf32, #tpu.memory_space<vmem_shared>> -> memref<10240x64xf32, #tpu.memory_space<vmem_shared>>
        tpu.wait_indirect_dma semaphore(%arg18 : memref<!tpu.dma_semaphore, #tpu.memory_space<semaphore_mem>>) src(%arg9 : memref<128x64xf32, #tpu.memory_space<vmem>>) dst(%dma_wait3A_178 : memref<10240x64xf32, #tpu.memory_space<vmem_shared>>)
        %dma_start3A_179 = arith.constant 0 : i32
        %dma_start3A_180 = tpu.memref_slice %arg7[%min3A_87, %dma_start3A_179] : memref<160x128xi32, #tpu.memory_space<vmem>> -> memref<1x128xi32, #tpu.memory_space<vmem>>
        %dma_start3A_181 = tpu.memref_squeeze %dma_start3A_180 : memref<1x128xi32, #tpu.memory_space<vmem>> -> memref<128xi32, #tpu.memory_space<vmem>>
        %dma_start3A_182 = arith.constant 0 : i32
        %dma_start3A_183 = arith.constant 0 : i32
        %dma_start3A_184 = tpu.memref_slice %arg2[%dma_start3A_182, %dma_start3A_183] : memref<20480x64xf32, #tpu.memory_space<hbm>> -> memref<20480x64xf32, #tpu.memory_space<hbm>>
        tpu.enqueue_indirect_dma source(%dma_start3A_184 : memref<20480x64xf32, #tpu.memory_space<hbm>>) target(%arg9 : memref<128x64xf32, #tpu.memory_space<vmem>>) offsets(%dma_start3A_181 : memref<128xi32, #tpu.memory_space<vmem>>) semaphore(%arg14 : memref<!tpu.dma_semaphore, #tpu.memory_space<semaphore_mem>>)
      } else {
      }
      %mul3A_92 = arith.constant 4 : i32
      %mul3A_93 = arith.muli %scan3A_69, %mul3A_92 : i32
      %add3A_94 = arith.constant 1 : i32
      %add3A_95 = arith.addi %mul3A_93, %add3A_94 : i32
      %dma_wait3A_96 = arith.constant 0 : i32
      %dma_wait3A_97 = tpu.memref_slice %arg7[%add3A_95, %dma_wait3A_96] : memref<160x128xi32, #tpu.memory_space<vmem>> -> memref<1x128xi32, #tpu.memory_space<vmem>>
      %dma_wait3A_98 = tpu.memref_squeeze %dma_wait3A_97 : memref<1x128xi32, #tpu.memory_space<vmem>> -> memref<128xi32, #tpu.memory_space<vmem>>
      %dma_wait3A_99 = arith.constant 0 : i32
      %dma_wait3A_100 = arith.constant 0 : i32
      %dma_wait3A_101 = tpu.memref_slice %arg2[%dma_wait3A_99, %dma_wait3A_100] : memref<20480x64xf32, #tpu.memory_space<hbm>> -> memref<20480x64xf32, #tpu.memory_space<hbm>>
      tpu.wait_indirect_dma semaphore(%arg15 : memref<!tpu.dma_semaphore, #tpu.memory_space<semaphore_mem>>) src(%dma_wait3A_101 : memref<20480x64xf32, #tpu.memory_space<hbm>>) dst(%arg10 : memref<128x64xf32, #tpu.memory_space<vmem>>)
      %dma_start3A_102 = arith.constant 0 : i32
      %dma_start3A_103 = tpu.memref_slice %arg8[%add3A_95, %dma_start3A_102] : memref<160x128xi32, #tpu.memory_space<vmem>> -> memref<1x128xi32, #tpu.memory_space<vmem>>
      %dma_start3A_104 = tpu.memref_squeeze %dma_start3A_103 : memref<1x128xi32, #tpu.memory_space<vmem>> -> memref<128xi32, #tpu.memory_space<vmem>>
      %dma_start3A_105 = arith.constant 0 : i32
      %dma_start3A_106 = arith.constant 0 : i32
      %dma_start3A_107 = tpu.memref_slice %arg13[%dma_start3A_105, %dma_start3A_106] : memref<10240x64xf32, #tpu.memory_space<vmem_shared>> -> memref<10240x64xf32, #tpu.memory_space<vmem_shared>>
      tpu.enqueue_indirect_dma source(%arg10 : memref<128x64xf32, #tpu.memory_space<vmem>>) target(%dma_start3A_107 : memref<10240x64xf32, #tpu.memory_space<vmem_shared>>) offsets(%dma_start3A_104 : memref<128xi32, #tpu.memory_space<vmem>>) semaphore(%arg19 : memref<!tpu.dma_semaphore, #tpu.memory_space<semaphore_mem>>) {add = true}
      %add3A_108 = arith.constant 4 : i32
      %add3A_109 = arith.addi %add3A_95, %add3A_108 : i32
      %min3A_110 = arith.constant 159 : i32
      %min3A_111 = arith.minsi %add3A_109, %min3A_110 : i32
      %add3A_112 = arith.constant 4 : i32
      %add3A_113 = arith.addi %add3A_95, %add3A_112 : i32
      %lt3A_114 = arith.constant 160 : i32
      %lt3A_115 = arith.cmpi slt, %add3A_113, %lt3A_114 : i32
      %convert_element_type3A_116 = arith.extui %lt3A_115 : i1 to i32
      %cond3A_117 = arith.constant 0 : i32
      %cond3A_118 = arith.cmpi ne, %convert_element_type3A_116, %cond3A_117 : i32
      scf.if %cond3A_118 {
        %dma_wait3A_173 = arith.constant 0 : i32
        %dma_wait3A_174 = tpu.memref_slice %arg8[%add3A_95, %dma_wait3A_173] : memref<160x128xi32, #tpu.memory_space<vmem>> -> memref<1x128xi32, #tpu.memory_space<vmem>>
        %dma_wait3A_175 = tpu.memref_squeeze %dma_wait3A_174 : memref<1x128xi32, #tpu.memory_space<vmem>> -> memref<128xi32, #tpu.memory_space<vmem>>
        %dma_wait3A_176 = arith.constant 0 : i32
        %dma_wait3A_177 = arith.constant 0 : i32
        %dma_wait3A_178 = tpu.memref_slice %arg13[%dma_wait3A_176, %dma_wait3A_177] : memref<10240x64xf32, #tpu.memory_space<vmem_shared>> -> memref<10240x64xf32, #tpu.memory_space<vmem_shared>>
        tpu.wait_indirect_dma semaphore(%arg19 : memref<!tpu.dma_semaphore, #tpu.memory_space<semaphore_mem>>) src(%arg10 : memref<128x64xf32, #tpu.memory_space<vmem>>) dst(%dma_wait3A_178 : memref<10240x64xf32, #tpu.memory_space<vmem_shared>>)
        %dma_start3A_179 = arith.constant 0 : i32
        %dma_start3A_180 = tpu.memref_slice %arg7[%min3A_111, %dma_start3A_179] : memref<160x128xi32, #tpu.memory_space<vmem>> -> memref<1x128xi32, #tpu.memory_space<vmem>>
        %dma_start3A_181 = tpu.memref_squeeze %dma_start3A_180 : memref<1x128xi32, #tpu.memory_space<vmem>> -> memref<128xi32, #tpu.memory_space<vmem>>
        %dma_start3A_182 = arith.constant 0 : i32
        %dma_start3A_183 = arith.constant 0 : i32
        %dma_start3A_184 = tpu.memref_slice %arg2[%dma_start3A_182, %dma_start3A_183] : memref<20480x64xf32, #tpu.memory_space<hbm>> -> memref<20480x64xf32, #tpu.memory_space<hbm>>
        tpu.enqueue_indirect_dma source(%dma_start3A_184 : memref<20480x64xf32, #tpu.memory_space<hbm>>) target(%arg10 : memref<128x64xf32, #tpu.memory_space<vmem>>) offsets(%dma_start3A_181 : memref<128xi32, #tpu.memory_space<vmem>>) semaphore(%arg15 : memref<!tpu.dma_semaphore, #tpu.memory_space<semaphore_mem>>)
      } else {
      }
      %mul3A_119 = arith.constant 4 : i32
      %mul3A_120 = arith.muli %scan3A_69, %mul3A_119 : i32
      %add3A_121 = arith.constant 2 : i32
      %add3A_122 = arith.addi %mul3A_120, %add3A_121 : i32
      %dma_wait3A_123 = arith.constant 0 : i32
      %dma_wait3A_124 = tpu.memref_slice %arg7[%add3A_122, %dma_wait3A_123] : memref<160x128xi32, #tpu.memory_space<vmem>> -> memref<1x128xi32, #tpu.memory_space<vmem>>
      %dma_wait3A_125 = tpu.memref_squeeze %dma_wait3A_124 : memref<1x128xi32, #tpu.memory_space<vmem>> -> memref<128xi32, #tpu.memory_space<vmem>>
      %dma_wait3A_126 = arith.constant 0 : i32
      %dma_wait3A_127 = arith.constant 0 : i32
      %dma_wait3A_128 = tpu.memref_slice %arg2[%dma_wait3A_126, %dma_wait3A_127] : memref<20480x64xf32, #tpu.memory_space<hbm>> -> memref<20480x64xf32, #tpu.memory_space<hbm>>
      tpu.wait_indirect_dma semaphore(%arg16 : memref<!tpu.dma_semaphore, #tpu.memory_space<semaphore_mem>>) src(%dma_wait3A_128 : memref<20480x64xf32, #tpu.memory_space<hbm>>) dst(%arg11 : memref<128x64xf32, #tpu.memory_space<vmem>>)
      %dma_start3A_129 = arith.constant 0 : i32
      %dma_start3A_130 = tpu.memref_slice %arg8[%add3A_122, %dma_start3A_129] : memref<160x128xi32, #tpu.memory_space<vmem>> -> memref<1x128xi32, #tpu.memory_space<vmem>>
      %dma_start3A_131 = tpu.memref_squeeze %dma_start3A_130 : memref<1x128xi32, #tpu.memory_space<vmem>> -> memref<128xi32, #tpu.memory_space<vmem>>
      %dma_start3A_132 = arith.constant 0 : i32
      %dma_start3A_133 = arith.constant 0 : i32
      %dma_start3A_134 = tpu.memref_slice %arg13[%dma_start3A_132, %dma_start3A_133] : memref<10240x64xf32, #tpu.memory_space<vmem_shared>> -> memref<10240x64xf32, #tpu.memory_space<vmem_shared>>
      tpu.enqueue_indirect_dma source(%arg11 : memref<128x64xf32, #tpu.memory_space<vmem>>) target(%dma_start3A_134 : memref<10240x64xf32, #tpu.memory_space<vmem_shared>>) offsets(%dma_start3A_131 : memref<128xi32, #tpu.memory_space<vmem>>) semaphore(%arg20 : memref<!tpu.dma_semaphore, #tpu.memory_space<semaphore_mem>>) {add = true}
      %add3A_135 = arith.constant 4 : i32
      %add3A_136 = arith.addi %add3A_122, %add3A_135 : i32
      %min3A_137 = arith.constant 159 : i32
      %min3A_138 = arith.minsi %add3A_136, %min3A_137 : i32
      %add3A_139 = arith.constant 4 : i32
      %add3A_140 = arith.addi %add3A_122, %add3A_139 : i32
      %lt3A_141 = arith.constant 160 : i32
      %lt3A_142 = arith.cmpi slt, %add3A_140, %lt3A_141 : i32
      %convert_element_type3A_143 = arith.extui %lt3A_142 : i1 to i32
      %cond3A_144 = arith.constant 0 : i32
      %cond3A_145 = arith.cmpi ne, %convert_element_type3A_143, %cond3A_144 : i32
      scf.if %cond3A_145 {
        %dma_wait3A_173 = arith.constant 0 : i32
        %dma_wait3A_174 = tpu.memref_slice %arg8[%add3A_122, %dma_wait3A_173] : memref<160x128xi32, #tpu.memory_space<vmem>> -> memref<1x128xi32, #tpu.memory_space<vmem>>
        %dma_wait3A_175 = tpu.memref_squeeze %dma_wait3A_174 : memref<1x128xi32, #tpu.memory_space<vmem>> -> memref<128xi32, #tpu.memory_space<vmem>>
        %dma_wait3A_176 = arith.constant 0 : i32
        %dma_wait3A_177 = arith.constant 0 : i32
        %dma_wait3A_178 = tpu.memref_slice %arg13[%dma_wait3A_176, %dma_wait3A_177] : memref<10240x64xf32, #tpu.memory_space<vmem_shared>> -> memref<10240x64xf32, #tpu.memory_space<vmem_shared>>
        tpu.wait_indirect_dma semaphore(%arg20 : memref<!tpu.dma_semaphore, #tpu.memory_space<semaphore_mem>>) src(%arg11 : memref<128x64xf32, #tpu.memory_space<vmem>>) dst(%dma_wait3A_178 : memref<10240x64xf32, #tpu.memory_space<vmem_shared>>)
        %dma_start3A_179 = arith.constant 0 : i32
        %dma_start3A_180 = tpu.memref_slice %arg7[%min3A_138, %dma_start3A_179] : memref<160x128xi32, #tpu.memory_space<vmem>> -> memref<1x128xi32, #tpu.memory_space<vmem>>
        %dma_start3A_181 = tpu.memref_squeeze %dma_start3A_180 : memref<1x128xi32, #tpu.memory_space<vmem>> -> memref<128xi32, #tpu.memory_space<vmem>>
        %dma_start3A_182 = arith.constant 0 : i32
        %dma_start3A_183 = arith.constant 0 : i32
        %dma_start3A_184 = tpu.memref_slice %arg2[%dma_start3A_182, %dma_start3A_183] : memref<20480x64xf32, #tpu.memory_space<hbm>> -> memref<20480x64xf32, #tpu.memory_space<hbm>>
        tpu.enqueue_indirect_dma source(%dma_start3A_184 : memref<20480x64xf32, #tpu.memory_space<hbm>>) target(%arg11 : memref<128x64xf32, #tpu.memory_space<vmem>>) offsets(%dma_start3A_181 : memref<128xi32, #tpu.memory_space<vmem>>) semaphore(%arg16 : memref<!tpu.dma_semaphore, #tpu.memory_space<semaphore_mem>>)
      } else {
      }
      %mul3A_146 = arith.constant 4 : i32
      %mul3A_147 = arith.muli %scan3A_69, %mul3A_146 : i32
      %add3A_148 = arith.constant 3 : i32
      %add3A_149 = arith.addi %mul3A_147, %add3A_148 : i32
      %dma_wait3A_150 = arith.constant 0 : i32
      %dma_wait3A_151 = tpu.memref_slice %arg7[%add3A_149, %dma_wait3A_150] : memref<160x128xi32, #tpu.memory_space<vmem>> -> memref<1x128xi32, #tpu.memory_space<vmem>>
      %dma_wait3A_152 = tpu.memref_squeeze %dma_wait3A_151 : memref<1x128xi32, #tpu.memory_space<vmem>> -> memref<128xi32, #tpu.memory_space<vmem>>
      %dma_wait3A_153 = arith.constant 0 : i32
      %dma_wait3A_154 = arith.constant 0 : i32
      %dma_wait3A_155 = tpu.memref_slice %arg2[%dma_wait3A_153, %dma_wait3A_154] : memref<20480x64xf32, #tpu.memory_space<hbm>> -> memref<20480x64xf32, #tpu.memory_space<hbm>>
      tpu.wait_indirect_dma semaphore(%arg17 : memref<!tpu.dma_semaphore, #tpu.memory_space<semaphore_mem>>) src(%dma_wait3A_155 : memref<20480x64xf32, #tpu.memory_space<hbm>>) dst(%arg12 : memref<128x64xf32, #tpu.memory_space<vmem>>)
      %dma_start3A_156 = arith.constant 0 : i32
      %dma_start3A_157 = tpu.memref_slice %arg8[%add3A_149, %dma_start3A_156] : memref<160x128xi32, #tpu.memory_space<vmem>> -> memref<1x128xi32, #tpu.memory_space<vmem>>
      %dma_start3A_158 = tpu.memref_squeeze %dma_start3A_157 : memref<1x128xi32, #tpu.memory_space<vmem>> -> memref<128xi32, #tpu.memory_space<vmem>>
      %dma_start3A_159 = arith.constant 0 : i32
      %dma_start3A_160 = arith.constant 0 : i32
      %dma_start3A_161 = tpu.memref_slice %arg13[%dma_start3A_159, %dma_start3A_160] : memref<10240x64xf32, #tpu.memory_space<vmem_shared>> -> memref<10240x64xf32, #tpu.memory_space<vmem_shared>>
      tpu.enqueue_indirect_dma source(%arg12 : memref<128x64xf32, #tpu.memory_space<vmem>>) target(%dma_start3A_161 : memref<10240x64xf32, #tpu.memory_space<vmem_shared>>) offsets(%dma_start3A_158 : memref<128xi32, #tpu.memory_space<vmem>>) semaphore(%arg21 : memref<!tpu.dma_semaphore, #tpu.memory_space<semaphore_mem>>) {add = true}
      %add3A_162 = arith.constant 4 : i32
      %add3A_163 = arith.addi %add3A_149, %add3A_162 : i32
      %min3A_164 = arith.constant 159 : i32
      %min3A_165 = arith.minsi %add3A_163, %min3A_164 : i32
      %add3A_166 = arith.constant 4 : i32
      %add3A_167 = arith.addi %add3A_149, %add3A_166 : i32
      %lt3A_168 = arith.constant 160 : i32
      %lt3A_169 = arith.cmpi slt, %add3A_167, %lt3A_168 : i32
      %convert_element_type3A_170 = arith.extui %lt3A_169 : i1 to i32
      %cond3A_171 = arith.constant 0 : i32
      %cond3A_172 = arith.cmpi ne, %convert_element_type3A_170, %cond3A_171 : i32
      scf.if %cond3A_172 {
        %dma_wait3A_173 = arith.constant 0 : i32
        %dma_wait3A_174 = tpu.memref_slice %arg8[%add3A_149, %dma_wait3A_173] : memref<160x128xi32, #tpu.memory_space<vmem>> -> memref<1x128xi32, #tpu.memory_space<vmem>>
        %dma_wait3A_175 = tpu.memref_squeeze %dma_wait3A_174 : memref<1x128xi32, #tpu.memory_space<vmem>> -> memref<128xi32, #tpu.memory_space<vmem>>
        %dma_wait3A_176 = arith.constant 0 : i32
        %dma_wait3A_177 = arith.constant 0 : i32
        %dma_wait3A_178 = tpu.memref_slice %arg13[%dma_wait3A_176, %dma_wait3A_177] : memref<10240x64xf32, #tpu.memory_space<vmem_shared>> -> memref<10240x64xf32, #tpu.memory_space<vmem_shared>>
        tpu.wait_indirect_dma semaphore(%arg21 : memref<!tpu.dma_semaphore, #tpu.memory_space<semaphore_mem>>) src(%arg12 : memref<128x64xf32, #tpu.memory_space<vmem>>) dst(%dma_wait3A_178 : memref<10240x64xf32, #tpu.memory_space<vmem_shared>>)
        %dma_start3A_179 = arith.constant 0 : i32
        %dma_start3A_180 = tpu.memref_slice %arg7[%min3A_165, %dma_start3A_179] : memref<160x128xi32, #tpu.memory_space<vmem>> -> memref<1x128xi32, #tpu.memory_space<vmem>>
        %dma_start3A_181 = tpu.memref_squeeze %dma_start3A_180 : memref<1x128xi32, #tpu.memory_space<vmem>> -> memref<128xi32, #tpu.memory_space<vmem>>
        %dma_start3A_182 = arith.constant 0 : i32
        %dma_start3A_183 = arith.constant 0 : i32
        %dma_start3A_184 = tpu.memref_slice %arg2[%dma_start3A_182, %dma_start3A_183] : memref<20480x64xf32, #tpu.memory_space<hbm>> -> memref<20480x64xf32, #tpu.memory_space<hbm>>
        tpu.enqueue_indirect_dma source(%dma_start3A_184 : memref<20480x64xf32, #tpu.memory_space<hbm>>) target(%arg12 : memref<128x64xf32, #tpu.memory_space<vmem>>) offsets(%dma_start3A_181 : memref<128xi32, #tpu.memory_space<vmem>>) semaphore(%arg17 : memref<!tpu.dma_semaphore, #tpu.memory_space<semaphore_mem>>)
      } else {
      }
    }
    %scan3A_36 = arith.constant 40 : i32
    %dma_wait3A = arith.constant 0 : i32
    %dma_wait3A_37 = arith.constant 0 : i32
    %dma_wait3A_38 = tpu.memref_slice %arg8[%dma_wait3A, %dma_wait3A_37] : memref<160x128xi32, #tpu.memory_space<vmem>> -> memref<1x128xi32, #tpu.memory_space<vmem>>
    %dma_wait3A_39 = tpu.memref_squeeze %dma_wait3A_38 : memref<1x128xi32, #tpu.memory_space<vmem>> -> memref<128xi32, #tpu.memory_space<vmem>>
    %dma_wait3A_40 = arith.constant 0 : i32
    %dma_wait3A_41 = arith.constant 0 : i32
    %dma_wait3A_42 = tpu.memref_slice %arg13[%dma_wait3A_40, %dma_wait3A_41] : memref<10240x64xf32, #tpu.memory_space<vmem_shared>> -> memref<10240x64xf32, #tpu.memory_space<vmem_shared>>
    tpu.wait_indirect_dma semaphore(%arg18 : memref<!tpu.dma_semaphore, #tpu.memory_space<semaphore_mem>>) src(%arg9 : memref<128x64xf32, #tpu.memory_space<vmem>>) dst(%dma_wait3A_42 : memref<10240x64xf32, #tpu.memory_space<vmem_shared>>)
    %dma_wait3A_43 = arith.constant 0 : i32
    %dma_wait3A_44 = arith.constant 0 : i32
    %dma_wait3A_45 = tpu.memref_slice %arg8[%dma_wait3A_43, %dma_wait3A_44] : memref<160x128xi32, #tpu.memory_space<vmem>> -> memref<1x128xi32, #tpu.memory_space<vmem>>
    %dma_wait3A_46 = tpu.memref_squeeze %dma_wait3A_45 : memref<1x128xi32, #tpu.memory_space<vmem>> -> memref<128xi32, #tpu.memory_space<vmem>>
    %dma_wait3A_47 = arith.constant 0 : i32
    %dma_wait3A_48 = arith.constant 0 : i32
    %dma_wait3A_49 = tpu.memref_slice %arg13[%dma_wait3A_47, %dma_wait3A_48] : memref<10240x64xf32, #tpu.memory_space<vmem_shared>> -> memref<10240x64xf32, #tpu.memory_space<vmem_shared>>
    tpu.wait_indirect_dma semaphore(%arg19 : memref<!tpu.dma_semaphore, #tpu.memory_space<semaphore_mem>>) src(%arg10 : memref<128x64xf32, #tpu.memory_space<vmem>>) dst(%dma_wait3A_49 : memref<10240x64xf32, #tpu.memory_space<vmem_shared>>)
    %dma_wait3A_50 = arith.constant 0 : i32
    %dma_wait3A_51 = arith.constant 0 : i32
    %dma_wait3A_52 = tpu.memref_slice %arg8[%dma_wait3A_50, %dma_wait3A_51] : memref<160x128xi32, #tpu.memory_space<vmem>> -> memref<1x128xi32, #tpu.memory_space<vmem>>
    %dma_wait3A_53 = tpu.memref_squeeze %dma_wait3A_52 : memref<1x128xi32, #tpu.memory_space<vmem>> -> memref<128xi32, #tpu.memory_space<vmem>>
    %dma_wait3A_54 = arith.constant 0 : i32
    %dma_wait3A_55 = arith.constant 0 : i32
    %dma_wait3A_56 = tpu.memref_slice %arg13[%dma_wait3A_54, %dma_wait3A_55] : memref<10240x64xf32, #tpu.memory_space<vmem_shared>> -> memref<10240x64xf32, #tpu.memory_space<vmem_shared>>
    tpu.wait_indirect_dma semaphore(%arg20 : memref<!tpu.dma_semaphore, #tpu.memory_space<semaphore_mem>>) src(%arg11 : memref<128x64xf32, #tpu.memory_space<vmem>>) dst(%dma_wait3A_56 : memref<10240x64xf32, #tpu.memory_space<vmem_shared>>)
    %dma_wait3A_57 = arith.constant 0 : i32
    %dma_wait3A_58 = arith.constant 0 : i32
    %dma_wait3A_59 = tpu.memref_slice %arg8[%dma_wait3A_57, %dma_wait3A_58] : memref<160x128xi32, #tpu.memory_space<vmem>> -> memref<1x128xi32, #tpu.memory_space<vmem>>
    %dma_wait3A_60 = tpu.memref_squeeze %dma_wait3A_59 : memref<1x128xi32, #tpu.memory_space<vmem>> -> memref<128xi32, #tpu.memory_space<vmem>>
    %dma_wait3A_61 = arith.constant 0 : i32
    %dma_wait3A_62 = arith.constant 0 : i32
    %dma_wait3A_63 = tpu.memref_slice %arg13[%dma_wait3A_61, %dma_wait3A_62] : memref<10240x64xf32, #tpu.memory_space<vmem_shared>> -> memref<10240x64xf32, #tpu.memory_space<vmem_shared>>
    tpu.wait_indirect_dma semaphore(%arg21 : memref<!tpu.dma_semaphore, #tpu.memory_space<semaphore_mem>>) src(%arg12 : memref<128x64xf32, #tpu.memory_space<vmem>>) dst(%dma_wait3A_63 : memref<10240x64xf32, #tpu.memory_space<vmem_shared>>)
    %barrier3A_64 = arith.constant 0 : index
    tpu.barrier barrier_id(%barrier3A_64)
    %mul3A_65 = arith.constant 640 : i32
    %mul3A_66 = arith.muli %arg1, %mul3A_65 : i32
    %mul3A_67 = arith.constant 640 : i32
    %mul3A_68 = arith.muli %arg1, %mul3A_67 : i32
    "tpu.region"() ({
      %run_scoped3A = tpu.sem_alloc : memref<!tpu.dma_semaphore, #tpu.memory_space<semaphore_mem>>
      %dma_start3A_69 = arith.constant 0 : i32
      %dma_start3A_70 = arith.constant 0 : i32
      %dma_start3A_71 = tpu.memref_slice %arg6[%arg0, %dma_start3A_69, %dma_start3A_70] : memref<2x10240x64xf32, #tpu.memory_space<hbm>> -> memref<1x10240x64xf32, #tpu.memory_space<hbm>>
      %dma_start3A_72 = tpu.memref_squeeze %dma_start3A_71 : memref<1x10240x64xf32, #tpu.memory_space<hbm>> -> memref<10240x64xf32, #tpu.memory_space<hbm>>
      %dma_start3A_73 = arith.constant 0 : i32
      %dma_start3A_74 = tpu.memref_slice %dma_start3A_72[%mul3A_68, %dma_start3A_73] : memref<10240x64xf32, #tpu.memory_space<hbm>> -> memref<640x64xf32, #tpu.memory_space<hbm>>
      %dma_start3A_75 = arith.constant 0 : i32
      %dma_start3A_76 = tpu.memref_slice %arg13[%mul3A_66, %dma_start3A_75] : memref<10240x64xf32, #tpu.memory_space<vmem_shared>> -> memref<640x64xf32, #tpu.memory_space<vmem_shared>>
      tpu.enqueue_dma source(%dma_start3A_76 : memref<640x64xf32, #tpu.memory_space<vmem_shared>>) target(%dma_start3A_74 : memref<640x64xf32, #tpu.memory_space<hbm>>) target_semaphore(%run_scoped3A : memref<!tpu.dma_semaphore, #tpu.memory_space<semaphore_mem>>)
      %dma_wait3A_77 = arith.constant 0 : i32
      %dma_wait3A_78 = arith.constant 0 : i32
      %dma_wait3A_79 = tpu.memref_slice %arg6[%arg0, %dma_wait3A_77, %dma_wait3A_78] : memref<2x10240x64xf32, #tpu.memory_space<hbm>> -> memref<1x10240x64xf32, #tpu.memory_space<hbm>>
      %dma_wait3A_80 = tpu.memref_squeeze %dma_wait3A_79 : memref<1x10240x64xf32, #tpu.memory_space<hbm>> -> memref<10240x64xf32, #tpu.memory_space<hbm>>
      %dma_wait3A_81 = arith.constant 0 : i32
      %dma_wait3A_82 = tpu.memref_slice %dma_wait3A_80[%mul3A_68, %dma_wait3A_81] : memref<10240x64xf32, #tpu.memory_space<hbm>> -> memref<640x64xf32, #tpu.memory_space<hbm>>
      %dma_wait3A_83 = arith.constant 0 : i32
      %dma_wait3A_84 = tpu.memref_slice %arg13[%mul3A_66, %dma_wait3A_83] : memref<10240x64xf32, #tpu.memory_space<vmem_shared>> -> memref<640x64xf32, #tpu.memory_space<vmem_shared>>
      tpu.wait_dma2 semaphore(%run_scoped3A : memref<!tpu.dma_semaphore, #tpu.memory_space<semaphore_mem>>) src(%dma_wait3A_84 : memref<640x64xf32, #tpu.memory_space<vmem_shared>>) dst(%dma_wait3A_82 : memref<640x64xf32, #tpu.memory_space<hbm>>)
      tpu.yield
    }) : () -> ()
    return
  }
}

module attributes {stable_mosaic.version = 14 : i64} {
  func.func @_mm_body(%arg0: memref<10240x128xf32, #tpu.memory_space<vmem>>, %arg1: memref<128x128xf32, #tpu.memory_space<vmem>>, %arg2: memref<10240x128xf32, #tpu.memory_space<vmem>>) attributes {dimension_semantics = [], scalar_prefetch = 0 : i64, scratch_operands = 0 : i64, tpu.core_type = #tpu.core_type<tc>} {
    %get3A = arith.constant 0 : index
    %get3A_0 = arith.constant 0 : index
    %get3A_1 = vector.load %arg0[%get3A, %get3A_0] : memref<10240x128xf32, #tpu.memory_space<vmem>>, vector<10240x128xf32>
    %get3A_2 = arith.constant 0 : index
    %get3A_3 = arith.constant 0 : index
    %get3A_4 = vector.load %arg1[%get3A_2, %get3A_3] : memref<128x128xf32, #tpu.memory_space<vmem>>, vector<128x128xf32>
    %dot_general3A = arith.constant dense<0.000000e+00> : vector<10240x128xf32>
    %dot_general3A_5 = tpu.matmul %get3A_1, %get3A_4, %dot_general3A {dimension_numbers = #tpu.dot_dimension_numbers<[1], [0], [0], [1], [0, 0, 1, 1], [], []>, transpose_lhs_hint = false} : vector<10240x128xf32>, vector<128x128xf32>, vector<10240x128xf32> -> vector<10240x128xf32>
    %swap3A = arith.constant 0 : index
    %swap3A_6 = arith.constant 0 : index
    %swap3A_7 = vector.load %arg2[%swap3A, %swap3A_6] : memref<10240x128xf32, #tpu.memory_space<vmem>>, vector<10240x128xf32>
    tpu.vector_store %arg2[%swap3A, %swap3A_6], %dot_general3A_5 {strides = array<i32>} : memref<10240x128xf32, #tpu.memory_space<vmem>>, vector<10240x128xf32>,
    return
  }
}

module attributes {stable_mosaic.version = 14 : i64} {
  func.func @_scale_body(%arg0: memref<10240x128xf32, #tpu.memory_space<vmem>>, %arg1: memref<2x2x10240x8xf32, #tpu.memory_space<vmem>>, %arg2: memref<10240x128xf32, #tpu.memory_space<vmem>>, %arg3: memref<2x10240xf32, #tpu.memory_space<vmem>>) attributes {dimension_semantics = [], scalar_prefetch = 0 : i64, scratch_operands = 0 : i64, tpu.core_type = #tpu.core_type<tc>} {
    %get3A = arith.constant 0 : index
    %get3A_0 = arith.constant 0 : index
    %get3A_1 = arith.constant 0 : index
    %get3A_2 = arith.constant 0 : index
    %get3A_3 = vector.load %arg1[%get3A, %get3A_0, %get3A_1, %get3A_2] : memref<2x2x10240x8xf32, #tpu.memory_space<vmem>>, vector<2x2x10240x1xf32>
    %get3A_4 = vector.shape_cast %get3A_3 : vector<2x2x10240x1xf32> to vector<2x2x10240xf32>
    %slice3A = vector.extract_strided_slice %get3A_4 {offsets = [0, 0, 0], sizes = [1, 1, 10240], strides = [1, 1, 1]} : vector<2x2x10240xf32> to vector<1x1x10240xf32>
    %squeeze3A = vector.shape_cast %slice3A : vector<1x1x10240xf32> to vector<10240xf32>
    %slice3A_5 = vector.extract_strided_slice %get3A_4 {offsets = [1, 0, 0], sizes = [1, 1, 10240], strides = [1, 1, 1]} : vector<2x2x10240xf32> to vector<1x1x10240xf32>
    %squeeze3A_6 = vector.shape_cast %slice3A_5 : vector<1x1x10240xf32> to vector<10240xf32>
    %add3A = arith.addf %squeeze3A, %squeeze3A_6 : vector<10240xf32>
    %slice3A_7 = vector.extract_strided_slice %get3A_4 {offsets = [0, 1, 0], sizes = [1, 1, 10240], strides = [1, 1, 1]} : vector<2x2x10240xf32> to vector<1x1x10240xf32>
    %squeeze3A_8 = vector.shape_cast %slice3A_7 : vector<1x1x10240xf32> to vector<10240xf32>
    %slice3A_9 = vector.extract_strided_slice %get3A_4 {offsets = [1, 1, 0], sizes = [1, 1, 10240], strides = [1, 1, 1]} : vector<2x2x10240xf32> to vector<1x1x10240xf32>
    %squeeze3A_10 = vector.shape_cast %slice3A_9 : vector<1x1x10240xf32> to vector<10240xf32>
    %add3A_11 = arith.addf %squeeze3A_8, %squeeze3A_10 : vector<10240xf32>
    %gt3A = arith.constant 0.000000e+00 : f32
    %gt3A_12 = vector.broadcast %gt3A : f32 to vector<10240xf32>
    %gt3A_13 = arith.cmpf ogt, %add3A, %gt3A_12 : vector<10240xf32>
    %max3A = arith.constant 1.000000e-30 : f32
    %max3A_14 = vector.broadcast %max3A : f32 to vector<10240xf32>
    %max3A_15 = arith.maximumf %add3A, %max3A_14 : vector<10240xf32>
    %rsqrt3A = math.rsqrt %max3A_15 : vector<10240xf32>
    %jit3A = arith.constant 0.000000e+00 : f32
    %broadcast_in_dim3A = vector.broadcast %jit3A : f32 to vector<10240xf32>
    %select_n3A = arith.select %gt3A_13, %rsqrt3A, %broadcast_in_dim3A : vector<10240xi1>, vector<10240xf32>
    %gt3A_16 = arith.constant 0.000000e+00 : f32
    %gt3A_17 = vector.broadcast %gt3A_16 : f32 to vector<10240xf32>
    %gt3A_18 = arith.cmpf ogt, %add3A_11, %gt3A_17 : vector<10240xf32>
    %max3A_19 = arith.constant 1.000000e-30 : f32
    %max3A_20 = vector.broadcast %max3A_19 : f32 to vector<10240xf32>
    %max3A_21 = arith.maximumf %add3A_11, %max3A_20 : vector<10240xf32>
    %rsqrt3A_22 = math.rsqrt %max3A_21 : vector<10240xf32>
    %jit3A_23 = arith.constant 0.000000e+00 : f32
    %broadcast_in_dim3A_24 = vector.broadcast %jit3A_23 : f32 to vector<10240xf32>
    %select_n3A_25 = arith.select %gt3A_18, %rsqrt3A_22, %broadcast_in_dim3A_24 : vector<10240xi1>, vector<10240xf32>
    %stack3A = vector.shape_cast %select_n3A : vector<10240xf32> to vector<1x10240xf32>
    %stack3A_26 = vector.shape_cast %select_n3A_25 : vector<10240xf32> to vector<1x10240xf32>
    %stack3A_27 = tpu.concatenate %stack3A, %stack3A_26 in 0 : vector<1x10240xf32>, vector<1x10240xf32> -> vector<2x10240xf32>
    %swap3A = arith.constant 0 : index
    %swap3A_28 = arith.constant 0 : index
    %swap3A_29 = vector.load %arg3[%swap3A, %swap3A_28] : memref<2x10240xf32, #tpu.memory_space<vmem>>, vector<2x10240xf32>
    tpu.vector_store %arg3[%swap3A, %swap3A_28], %stack3A_27 {strides = array<i32>} : memref<2x10240xf32, #tpu.memory_space<vmem>>, vector<2x10240xf32>,
    %get3A_30 = arith.constant 0 : index
    %get3A_31 = arith.constant 0 : index
    %get3A_32 = vector.load %arg3[%get3A_30, %get3A_31] : memref<2x10240xf32, #tpu.memory_space<vmem>>, vector<1x10240xf32>
    %get3A_33 = vector.shape_cast %get3A_32 : vector<1x10240xf32> to vector<10240xf32>
    %get3A_34 = arith.constant 0 : index
    %get3A_35 = arith.constant 0 : index
    %get3A_36 = vector.load %arg0[%get3A_34, %get3A_35] : memref<10240x128xf32, #tpu.memory_space<vmem>>, vector<10240x128xf32>
    %broadcast_in_dim3A_37 = vector.shape_cast %get3A_33 : vector<10240xf32> to vector<10240x1xf32>
    %mul3A = vector.broadcast %broadcast_in_dim3A_37 : vector<10240x1xf32> to vector<10240x128xf32>
    %mul3A_38 = arith.mulf %get3A_36, %mul3A : vector<10240x128xf32>
    %swap3A_39 = arith.constant 0 : index
    %swap3A_40 = arith.constant 0 : index
    %swap3A_41 = vector.load %arg2[%swap3A_39, %swap3A_40] : memref<10240x128xf32, #tpu.memory_space<vmem>>, vector<10240x128xf32>
    tpu.vector_store %arg2[%swap3A_39, %swap3A_40], %mul3A_38 {strides = array<i32>} : memref<10240x128xf32, #tpu.memory_space<vmem>>, vector<10240x128xf32>,
    return
  }
}

module attributes {stable_mosaic.version = 14 : i64} {
  func.func @_mid_body(%arg0: memref<2x5120x128xf32, #tpu.memory_space<vmem>>, %arg1: memref<2x5120x2xf32, #tpu.memory_space<vmem>>, %arg2: memref<2x1x128xf32, #tpu.memory_space<vmem>>, %arg3: memref<2x1x128xf32, #tpu.memory_space<vmem>>, %arg4: memref<2x1x128xf32, #tpu.memory_space<vmem>>, %arg5: memref<2x2x128x128xf32, #tpu.memory_space<vmem>>, %arg6: memref<2x5120x128xf32, #tpu.memory_space<vmem>>) attributes {dimension_semantics = [], scalar_prefetch = 0 : i64, scratch_operands = 0 : i64, tpu.core_type = #tpu.core_type<tc>} {
    %iota3A = tpu.iota {dimensions = array<i32: 1>} : vector<2x128xi32>
    %iota3A_0 = tpu.iota {dimensions = array<i32: 0>} : vector<2x128xi32>
    %lt3A = arith.constant 64 : i32
    %lt3A_1 = vector.broadcast %lt3A : i32 to vector<2x128xi32>
    %lt3A_2 = arith.cmpi slt, %iota3A, %lt3A_1 : vector<2x128xi32>
    %eq3A = arith.constant 0 : i32
    %eq3A_3 = vector.broadcast %eq3A : i32 to vector<2x128xi32>
    %eq3A_4 = arith.cmpi eq, %iota3A_0, %eq3A_3 : vector<2x128xi32>
    %eq3A_5 = arith.xori %lt3A_2, %eq3A_4 : vector<2x128xi1>
    %eq3A_6 = arith.constant dense<true> : vector<2x128xi1>
    %eq3A_7 = arith.xori %eq3A_5, %eq3A_6 : vector<2x128xi1>
    %convert_element_type3A = arith.extui %eq3A_7 : vector<2x128xi1> to vector<2x128xi32>
    %convert_element_type3A_8 = arith.sitofp %convert_element_type3A : vector<2x128xi32> to vector<2x128xf32>
    %get3A = arith.constant 0 : index
    %get3A_9 = arith.constant 0 : index
    %get3A_10 = arith.constant 0 : index
    %get3A_11 = vector.load %arg1[%get3A, %get3A_9, %get3A_10] : memref<2x5120x2xf32, #tpu.memory_space<vmem>>, vector<1x5120x2xf32>
    %get3A_12 = vector.shape_cast %get3A_11 : vector<1x5120x2xf32> to vector<5120x2xf32>
    %dot_general3A = arith.constant dense<0.000000e+00> : vector<5120x128xf32>
    %dot_general3A_13 = tpu.matmul %get3A_12, %convert_element_type3A_8, %dot_general3A {dimension_numbers = #tpu.dot_dimension_numbers<[1], [0], [0], [1], [0, 0, 1, 1], [], []>, transpose_lhs_hint = false} : vector<5120x2xf32>, vector<2x128xf32>, vector<5120x128xf32> -> vector<5120x128xf32>
    %get3A_14 = arith.constant 1 : index
    %get3A_15 = arith.constant 0 : index
    %get3A_16 = arith.constant 0 : index
    %get3A_17 = vector.load %arg1[%get3A_14, %get3A_15, %get3A_16] : memref<2x5120x2xf32, #tpu.memory_space<vmem>>, vector<1x5120x2xf32>
    %get3A_18 = vector.shape_cast %get3A_17 : vector<1x5120x2xf32> to vector<5120x2xf32>
    %dot_general3A_19 = arith.constant dense<0.000000e+00> : vector<5120x128xf32>
    %dot_general3A_20 = tpu.matmul %get3A_18, %convert_element_type3A_8, %dot_general3A_19 {dimension_numbers = #tpu.dot_dimension_numbers<[1], [0], [0], [1], [0, 0, 1, 1], [], []>, transpose_lhs_hint = false} : vector<5120x2xf32>, vector<2x128xf32>, vector<5120x128xf32> -> vector<5120x128xf32>
    %get3A_21 = arith.constant 0 : index
    %get3A_22 = arith.constant 0 : index
    %get3A_23 = arith.constant 0 : index
    %get3A_24 = vector.load %arg0[%get3A_21, %get3A_22, %get3A_23] : memref<2x5120x128xf32, #tpu.memory_space<vmem>>, vector<1x5120x128xf32>
    %get3A_25 = vector.shape_cast %get3A_24 : vector<1x5120x128xf32> to vector<5120x128xf32>
    %mul3A = arith.mulf %get3A_25, %dot_general3A_20 : vector<5120x128xf32>
    %get3A_26 = arith.constant 0 : index
    %get3A_27 = arith.constant 0 : index
    %get3A_28 = arith.constant 0 : index
    %get3A_29 = vector.load %arg2[%get3A_26, %get3A_27, %get3A_28] : memref<2x1x128xf32, #tpu.memory_space<vmem>>, vector<1x1x128xf32>
    %get3A_30 = vector.shape_cast %get3A_29 : vector<1x1x128xf32> to vector<1x128xf32>
    %add3A = vector.broadcast %get3A_30 : vector<1x128xf32> to vector<5120x128xf32>
    %add3A_31 = arith.addf %mul3A, %add3A : vector<5120x128xf32>
    %slice3A = vector.extract_strided_slice %add3A_31 {offsets = [0, 0], sizes = [5000, 128], strides = [1, 1]} : vector<5120x128xf32> to vector<5000x128xf32>
    %reduce_sum3A = arith.constant dense<0.000000e+00> : vector<128xf32>
    %reduce_sum3A_32 = vector.multi_reduction <add>, %slice3A, %reduce_sum3A [0] : vector<5000x128xf32> to vector<128xf32>
    %slice3A_33 = vector.extract_strided_slice %reduce_sum3A_32 {offsets = [0], sizes = [64], strides = [1]} : vector<128xf32> to vector<64xf32>
    %slice3A_34 = vector.extract_strided_slice %reduce_sum3A_32 {offsets = [64], sizes = [64], strides = [1]} : vector<128xf32> to vector<64xf32>
    %add3A_35 = arith.addf %slice3A_33, %slice3A_34 : vector<64xf32>
    %mul3A_36 = arith.constant 9.99999974E-5 : f32
    %mul3A_37 = vector.broadcast %mul3A_36 : f32 to vector<64xf32>
    %mul3A_38 = arith.mulf %add3A_35, %mul3A_37 : vector<64xf32>
    %concatenate3A = tpu.concatenate %mul3A_38, %mul3A_38 in 0 : vector<64xf32>, vector<64xf32> -> vector<128xf32>
    %broadcast_in_dim3A = vector.shape_cast %concatenate3A : vector<128xf32> to vector<1x128xf32>
    %sub3A = vector.broadcast %broadcast_in_dim3A : vector<1x128xf32> to vector<5000x128xf32>
    %sub3A_39 = arith.subf %slice3A, %sub3A : vector<5000x128xf32>
    %integer_pow3A = arith.mulf %sub3A_39, %sub3A_39 : vector<5000x128xf32>
    %reduce_sum3A_40 = arith.constant dense<0.000000e+00> : vector<128xf32>
    %reduce_sum3A_41 = vector.multi_reduction <add>, %integer_pow3A, %reduce_sum3A_40 [0] : vector<5000x128xf32> to vector<128xf32>
    %slice3A_42 = vector.extract_strided_slice %reduce_sum3A_41 {offsets = [0], sizes = [64], strides = [1]} : vector<128xf32> to vector<64xf32>
    %slice3A_43 = vector.extract_strided_slice %reduce_sum3A_41 {offsets = [64], sizes = [64], strides = [1]} : vector<128xf32> to vector<64xf32>
    %add3A_44 = arith.addf %slice3A_42, %slice3A_43 : vector<64xf32>
    %mul3A_45 = arith.constant 9.99999974E-5 : f32
    %mul3A_46 = vector.broadcast %mul3A_45 : f32 to vector<64xf32>
    %mul3A_47 = arith.mulf %add3A_44, %mul3A_46 : vector<64xf32>
    %concatenate3A_48 = tpu.concatenate %mul3A_47, %mul3A_47 in 0 : vector<64xf32>, vector<64xf32> -> vector<128xf32>
    %broadcast_in_dim3A_49 = vector.shape_cast %concatenate3A : vector<128xf32> to vector<1x128xf32>
    %sub3A_50 = vector.broadcast %broadcast_in_dim3A_49 : vector<1x128xf32> to vector<5120x128xf32>
    %sub3A_51 = arith.subf %add3A_31, %sub3A_50 : vector<5120x128xf32>
    %add3A_52 = arith.constant 9.99999974E-6 : f32
    %add3A_53 = vector.broadcast %add3A_52 : f32 to vector<128xf32>
    %add3A_54 = arith.addf %concatenate3A_48, %add3A_53 : vector<128xf32>
    %rsqrt3A = math.rsqrt %add3A_54 : vector<128xf32>
    %broadcast_in_dim3A_55 = vector.shape_cast %rsqrt3A : vector<128xf32> to vector<1x128xf32>
    %mul3A_56 = vector.broadcast %broadcast_in_dim3A_55 : vector<1x128xf32> to vector<5120x128xf32>
    %mul3A_57 = arith.mulf %sub3A_51, %mul3A_56 : vector<5120x128xf32>
    %get3A_58 = arith.constant 0 : index
    %get3A_59 = arith.constant 0 : index
    %get3A_60 = arith.constant 0 : index
    %get3A_61 = vector.load %arg3[%get3A_58, %get3A_59, %get3A_60] : memref<2x1x128xf32, #tpu.memory_space<vmem>>, vector<1x1x128xf32>
    %get3A_62 = vector.shape_cast %get3A_61 : vector<1x1x128xf32> to vector<1x128xf32>
    %mul3A_63 = vector.broadcast %get3A_62 : vector<1x128xf32> to vector<5120x128xf32>
    %mul3A_64 = arith.mulf %mul3A_57, %mul3A_63 : vector<5120x128xf32>
    %get3A_65 = arith.constant 0 : index
    %get3A_66 = arith.constant 0 : index
    %get3A_67 = arith.constant 0 : index
    %get3A_68 = vector.load %arg4[%get3A_65, %get3A_66, %get3A_67] : memref<2x1x128xf32, #tpu.memory_space<vmem>>, vector<1x1x128xf32>
    %get3A_69 = vector.shape_cast %get3A_68 : vector<1x1x128xf32> to vector<1x128xf32>
    %add3A_70 = vector.broadcast %get3A_69 : vector<1x128xf32> to vector<5120x128xf32>
    %add3A_71 = arith.addf %mul3A_64, %add3A_70 : vector<5120x128xf32>
    %max3A = arith.constant 0.000000e+00 : f32
    %max3A_72 = vector.broadcast %max3A : f32 to vector<5120x128xf32>
    %max3A_73 = arith.maximumf %add3A_71, %max3A_72 : vector<5120x128xf32>
    %mul3A_74 = arith.mulf %max3A_73, %dot_general3A_13 : vector<5120x128xf32>
    %get3A_75 = arith.constant 1 : index
    %get3A_76 = arith.constant 0 : index
    %get3A_77 = arith.constant 0 : index
    %get3A_78 = vector.load %arg0[%get3A_75, %get3A_76, %get3A_77] : memref<2x5120x128xf32, #tpu.memory_space<vmem>>, vector<1x5120x128xf32>
    %get3A_79 = vector.shape_cast %get3A_78 : vector<1x5120x128xf32> to vector<5120x128xf32>
    %mul3A_80 = arith.mulf %get3A_79, %dot_general3A_20 : vector<5120x128xf32>
    %get3A_81 = arith.constant 1 : index
    %get3A_82 = arith.constant 0 : index
    %get3A_83 = arith.constant 0 : index
    %get3A_84 = vector.load %arg2[%get3A_81, %get3A_82, %get3A_83] : memref<2x1x128xf32, #tpu.memory_space<vmem>>, vector<1x1x128xf32>
    %get3A_85 = vector.shape_cast %get3A_84 : vector<1x1x128xf32> to vector<1x128xf32>
    %add3A_86 = vector.broadcast %get3A_85 : vector<1x128xf32> to vector<5120x128xf32>
    %add3A_87 = arith.addf %mul3A_80, %add3A_86 : vector<5120x128xf32>
    %slice3A_88 = vector.extract_strided_slice %add3A_87 {offsets = [0, 0], sizes = [5000, 128], strides = [1, 1]} : vector<5120x128xf32> to vector<5000x128xf32>
    %reduce_sum3A_89 = arith.constant dense<0.000000e+00> : vector<128xf32>
    %reduce_sum3A_90 = vector.multi_reduction <add>, %slice3A_88, %reduce_sum3A_89 [0] : vector<5000x128xf32> to vector<128xf32>
    %slice3A_91 = vector.extract_strided_slice %reduce_sum3A_90 {offsets = [0], sizes = [64], strides = [1]} : vector<128xf32> to vector<64xf32>
    %slice3A_92 = vector.extract_strided_slice %reduce_sum3A_90 {offsets = [64], sizes = [64], strides = [1]} : vector<128xf32> to vector<64xf32>
    %add3A_93 = arith.addf %slice3A_91, %slice3A_92 : vector<64xf32>
    %mul3A_94 = arith.constant 9.99999974E-5 : f32
    %mul3A_95 = vector.broadcast %mul3A_94 : f32 to vector<64xf32>
    %mul3A_96 = arith.mulf %add3A_93, %mul3A_95 : vector<64xf32>
    %concatenate3A_97 = tpu.concatenate %mul3A_96, %mul3A_96 in 0 : vector<64xf32>, vector<64xf32> -> vector<128xf32>
    %broadcast_in_dim3A_98 = vector.shape_cast %concatenate3A_97 : vector<128xf32> to vector<1x128xf32>
    %sub3A_99 = vector.broadcast %broadcast_in_dim3A_98 : vector<1x128xf32> to vector<5000x128xf32>
    %sub3A_100 = arith.subf %slice3A_88, %sub3A_99 : vector<5000x128xf32>
    %integer_pow3A_101 = arith.mulf %sub3A_100, %sub3A_100 : vector<5000x128xf32>
    %reduce_sum3A_102 = arith.constant dense<0.000000e+00> : vector<128xf32>
    %reduce_sum3A_103 = vector.multi_reduction <add>, %integer_pow3A_101, %reduce_sum3A_102 [0] : vector<5000x128xf32> to vector<128xf32>
    %slice3A_104 = vector.extract_strided_slice %reduce_sum3A_103 {offsets = [0], sizes = [64], strides = [1]} : vector<128xf32> to vector<64xf32>
    %slice3A_105 = vector.extract_strided_slice %reduce_sum3A_103 {offsets = [64], sizes = [64], strides = [1]} : vector<128xf32> to vector<64xf32>
    %add3A_106 = arith.addf %slice3A_104, %slice3A_105 : vector<64xf32>
    %mul3A_107 = arith.constant 9.99999974E-5 : f32
    %mul3A_108 = vector.broadcast %mul3A_107 : f32 to vector<64xf32>
    %mul3A_109 = arith.mulf %add3A_106, %mul3A_108 : vector<64xf32>
    %concatenate3A_110 = tpu.concatenate %mul3A_109, %mul3A_109 in 0 : vector<64xf32>, vector<64xf32> -> vector<128xf32>
    %broadcast_in_dim3A_111 = vector.shape_cast %concatenate3A_97 : vector<128xf32> to vector<1x128xf32>
    %sub3A_112 = vector.broadcast %broadcast_in_dim3A_111 : vector<1x128xf32> to vector<5120x128xf32>
    %sub3A_113 = arith.subf %add3A_87, %sub3A_112 : vector<5120x128xf32>
    %add3A_114 = arith.constant 9.99999974E-6 : f32
    %add3A_115 = vector.broadcast %add3A_114 : f32 to vector<128xf32>
    %add3A_116 = arith.addf %concatenate3A_110, %add3A_115 : vector<128xf32>
    %rsqrt3A_117 = math.rsqrt %add3A_116 : vector<128xf32>
    %broadcast_in_dim3A_118 = vector.shape_cast %rsqrt3A_117 : vector<128xf32> to vector<1x128xf32>
    %mul3A_119 = vector.broadcast %broadcast_in_dim3A_118 : vector<1x128xf32> to vector<5120x128xf32>
    %mul3A_120 = arith.mulf %sub3A_113, %mul3A_119 : vector<5120x128xf32>
    %get3A_121 = arith.constant 1 : index
    %get3A_122 = arith.constant 0 : index
    %get3A_123 = arith.constant 0 : index
    %get3A_124 = vector.load %arg3[%get3A_121, %get3A_122, %get3A_123] : memref<2x1x128xf32, #tpu.memory_space<vmem>>, vector<1x1x128xf32>
    %get3A_125 = vector.shape_cast %get3A_124 : vector<1x1x128xf32> to vector<1x128xf32>
    %mul3A_126 = vector.broadcast %get3A_125 : vector<1x128xf32> to vector<5120x128xf32>
    %mul3A_127 = arith.mulf %mul3A_120, %mul3A_126 : vector<5120x128xf32>
    %get3A_128 = arith.constant 1 : index
    %get3A_129 = arith.constant 0 : index
    %get3A_130 = arith.constant 0 : index
    %get3A_131 = vector.load %arg4[%get3A_128, %get3A_129, %get3A_130] : memref<2x1x128xf32, #tpu.memory_space<vmem>>, vector<1x1x128xf32>
    %get3A_132 = vector.shape_cast %get3A_131 : vector<1x1x128xf32> to vector<1x128xf32>
    %add3A_133 = vector.broadcast %get3A_132 : vector<1x128xf32> to vector<5120x128xf32>
    %add3A_134 = arith.addf %mul3A_127, %add3A_133 : vector<5120x128xf32>
    %max3A_135 = arith.constant 0.000000e+00 : f32
    %max3A_136 = vector.broadcast %max3A_135 : f32 to vector<5120x128xf32>
    %max3A_137 = arith.maximumf %add3A_134, %max3A_136 : vector<5120x128xf32>
    %mul3A_138 = arith.mulf %max3A_137, %dot_general3A_13 : vector<5120x128xf32>
    %get3A_139 = arith.constant 0 : index
    %get3A_140 = arith.constant 0 : index
    %get3A_141 = arith.constant 0 : index
    %get3A_142 = arith.constant 0 : index
    %get3A_143 = vector.load %arg5[%get3A_139, %get3A_140, %get3A_141, %get3A_142] : memref<2x2x128x128xf32, #tpu.memory_space<vmem>>, vector<1x1x128x128xf32>
    %get3A_144 = vector.shape_cast %get3A_143 : vector<1x1x128x128xf32> to vector<128x128xf32>
    %dot_general3A_145 = arith.constant dense<0.000000e+00> : vector<5120x128xf32>
    %dot_general3A_146 = tpu.matmul %mul3A_74, %get3A_144, %dot_general3A_145 {dimension_numbers = #tpu.dot_dimension_numbers<[1], [0], [0], [1], [0, 0, 1, 1], [], []>, transpose_lhs_hint = false} : vector<5120x128xf32>, vector<128x128xf32>, vector<5120x128xf32> -> vector<5120x128xf32>
    %get3A_147 = arith.constant 1 : index
    %get3A_148 = arith.constant 0 : index
    %get3A_149 = arith.constant 0 : index
    %get3A_150 = arith.constant 0 : index
    %get3A_151 = vector.load %arg5[%get3A_147, %get3A_148, %get3A_149, %get3A_150] : memref<2x2x128x128xf32, #tpu.memory_space<vmem>>, vector<1x1x128x128xf32>
    %get3A_152 = vector.shape_cast %get3A_151 : vector<1x1x128x128xf32> to vector<128x128xf32>
    %dot_general3A_153 = arith.constant dense<0.000000e+00> : vector<5120x128xf32>
    %dot_general3A_154 = tpu.matmul %mul3A_138, %get3A_152, %dot_general3A_153 {dimension_numbers = #tpu.dot_dimension_numbers<[1], [0], [0], [1], [0, 0, 1, 1], [], []>, transpose_lhs_hint = false} : vector<5120x128xf32>, vector<128x128xf32>, vector<5120x128xf32> -> vector<5120x128xf32>
    %add3A_155 = arith.addf %dot_general3A_146, %dot_general3A_154 : vector<5120x128xf32>
    %swap3A = arith.constant 0 : index
    %swap3A_156 = arith.constant 0 : index
    %swap3A_157 = arith.constant 0 : index
    %swap3A_158 = vector.load %arg6[%swap3A, %swap3A_156, %swap3A_157] : memref<2x5120x128xf32, #tpu.memory_space<vmem>>, vector<1x5120x128xf32>
    %swap3A_159 = vector.shape_cast %swap3A_158 : vector<1x5120x128xf32> to vector<5120x128xf32>
    %swap3A_160 = vector.shape_cast %add3A_155 : vector<5120x128xf32> to vector<1x5120x128xf32>
    tpu.vector_store %arg6[%swap3A, %swap3A_156, %swap3A_157], %swap3A_160 {strides = array<i32>} : memref<2x5120x128xf32, #tpu.memory_space<vmem>>, vector<1x5120x128xf32>,
    %get3A_161 = arith.constant 0 : index
    %get3A_162 = arith.constant 1 : index
    %get3A_163 = arith.constant 0 : index
    %get3A_164 = arith.constant 0 : index
    %get3A_165 = vector.load %arg5[%get3A_161, %get3A_162, %get3A_163, %get3A_164] : memref<2x2x128x128xf32, #tpu.memory_space<vmem>>, vector<1x1x128x128xf32>
    %get3A_166 = vector.shape_cast %get3A_165 : vector<1x1x128x128xf32> to vector<128x128xf32>
    %dot_general3A_167 = arith.constant dense<0.000000e+00> : vector<5120x128xf32>
    %dot_general3A_168 = tpu.matmul %mul3A_74, %get3A_166, %dot_general3A_167 {dimension_numbers = #tpu.dot_dimension_numbers<[1], [0], [0], [1], [0, 0, 1, 1], [], []>, transpose_lhs_hint = false} : vector<5120x128xf32>, vector<128x128xf32>, vector<5120x128xf32> -> vector<5120x128xf32>
    %get3A_169 = arith.constant 1 : index
    %get3A_170 = arith.constant 1 : index
    %get3A_171 = arith.constant 0 : index
    %get3A_172 = arith.constant 0 : index
    %get3A_173 = vector.load %arg5[%get3A_169, %get3A_170, %get3A_171, %get3A_172] : memref<2x2x128x128xf32, #tpu.memory_space<vmem>>, vector<1x1x128x128xf32>
    %get3A_174 = vector.shape_cast %get3A_173 : vector<1x1x128x128xf32> to vector<128x128xf32>
    %dot_general3A_175 = arith.constant dense<0.000000e+00> : vector<5120x128xf32>
    %dot_general3A_176 = tpu.matmul %mul3A_138, %get3A_174, %dot_general3A_175 {dimension_numbers = #tpu.dot_dimension_numbers<[1], [0], [0], [1], [0, 0, 1, 1], [], []>, transpose_lhs_hint = false} : vector<5120x128xf32>, vector<128x128xf32>, vector<5120x128xf32> -> vector<5120x128xf32>
    %add3A_177 = arith.addf %dot_general3A_168, %dot_general3A_176 : vector<5120x128xf32>
    %swap3A_178 = arith.constant 1 : index
    %swap3A_179 = arith.constant 0 : index
    %swap3A_180 = arith.constant 0 : index
    %swap3A_181 = vector.load %arg6[%swap3A_178, %swap3A_179, %swap3A_180] : memref<2x5120x128xf32, #tpu.memory_space<vmem>>, vector<1x5120x128xf32>
    %swap3A_182 = vector.shape_cast %swap3A_181 : vector<1x5120x128xf32> to vector<5120x128xf32>
    %swap3A_183 = vector.shape_cast %add3A_177 : vector<5120x128xf32> to vector<1x5120x128xf32>
    tpu.vector_store %arg6[%swap3A_178, %swap3A_179, %swap3A_180], %swap3A_183 {strides = array<i32>} : memref<2x5120x128xf32, #tpu.memory_space<vmem>>, vector<1x5120x128xf32>,
    return
  }
}

module attributes {stable_mosaic.version = 14 : i64} {
  func.func @_mid_body(%arg0: memref<2x5120x128xf32, #tpu.memory_space<vmem>>, %arg1: memref<2x5120x2xf32, #tpu.memory_space<vmem>>, %arg2: memref<2x1x128xf32, #tpu.memory_space<vmem>>, %arg3: memref<2x1x128xf32, #tpu.memory_space<vmem>>, %arg4: memref<2x1x128xf32, #tpu.memory_space<vmem>>, %arg5: memref<2x128x80xf32, #tpu.memory_space<vmem>>, %arg6: memref<5120x80xf32, #tpu.memory_space<vmem>>) attributes {dimension_semantics = [], scalar_prefetch = 0 : i64, scratch_operands = 0 : i64, tpu.core_type = #tpu.core_type<tc>} {
    %iota3A = tpu.iota {dimensions = array<i32: 1>} : vector<2x128xi32>
    %iota3A_0 = tpu.iota {dimensions = array<i32: 0>} : vector<2x128xi32>
    %lt3A = arith.constant 64 : i32
    %lt3A_1 = vector.broadcast %lt3A : i32 to vector<2x128xi32>
    %lt3A_2 = arith.cmpi slt, %iota3A, %lt3A_1 : vector<2x128xi32>
    %eq3A = arith.constant 0 : i32
    %eq3A_3 = vector.broadcast %eq3A : i32 to vector<2x128xi32>
    %eq3A_4 = arith.cmpi eq, %iota3A_0, %eq3A_3 : vector<2x128xi32>
    %eq3A_5 = arith.xori %lt3A_2, %eq3A_4 : vector<2x128xi1>
    %eq3A_6 = arith.constant dense<true> : vector<2x128xi1>
    %eq3A_7 = arith.xori %eq3A_5, %eq3A_6 : vector<2x128xi1>
    %convert_element_type3A = arith.extui %eq3A_7 : vector<2x128xi1> to vector<2x128xi32>
    %convert_element_type3A_8 = arith.sitofp %convert_element_type3A : vector<2x128xi32> to vector<2x128xf32>
    %get3A = arith.constant 0 : index
    %get3A_9 = arith.constant 0 : index
    %get3A_10 = arith.constant 0 : index
    %get3A_11 = vector.load %arg1[%get3A, %get3A_9, %get3A_10] : memref<2x5120x2xf32, #tpu.memory_space<vmem>>, vector<1x5120x2xf32>
    %get3A_12 = vector.shape_cast %get3A_11 : vector<1x5120x2xf32> to vector<5120x2xf32>
    %dot_general3A = arith.constant dense<0.000000e+00> : vector<5120x128xf32>
    %dot_general3A_13 = tpu.matmul %get3A_12, %convert_element_type3A_8, %dot_general3A {dimension_numbers = #tpu.dot_dimension_numbers<[1], [0], [0], [1], [0, 0, 1, 1], [], []>, transpose_lhs_hint = false} : vector<5120x2xf32>, vector<2x128xf32>, vector<5120x128xf32> -> vector<5120x128xf32>
    %get3A_14 = arith.constant 1 : index
    %get3A_15 = arith.constant 0 : index
    %get3A_16 = arith.constant 0 : index
    %get3A_17 = vector.load %arg1[%get3A_14, %get3A_15, %get3A_16] : memref<2x5120x2xf32, #tpu.memory_space<vmem>>, vector<1x5120x2xf32>
    %get3A_18 = vector.shape_cast %get3A_17 : vector<1x5120x2xf32> to vector<5120x2xf32>
    %dot_general3A_19 = arith.constant dense<0.000000e+00> : vector<5120x128xf32>
    %dot_general3A_20 = tpu.matmul %get3A_18, %convert_element_type3A_8, %dot_general3A_19 {dimension_numbers = #tpu.dot_dimension_numbers<[1], [0], [0], [1], [0, 0, 1, 1], [], []>, transpose_lhs_hint = false} : vector<5120x2xf32>, vector<2x128xf32>, vector<5120x128xf32> -> vector<5120x128xf32>
    %get3A_21 = arith.constant 0 : index
    %get3A_22 = arith.constant 0 : index
    %get3A_23 = arith.constant 0 : index
    %get3A_24 = vector.load %arg0[%get3A_21, %get3A_22, %get3A_23] : memref<2x5120x128xf32, #tpu.memory_space<vmem>>, vector<1x5120x128xf32>
    %get3A_25 = vector.shape_cast %get3A_24 : vector<1x5120x128xf32> to vector<5120x128xf32>
    %mul3A = arith.mulf %get3A_25, %dot_general3A_20 : vector<5120x128xf32>
    %get3A_26 = arith.constant 0 : index
    %get3A_27 = arith.constant 0 : index
    %get3A_28 = arith.constant 0 : index
    %get3A_29 = vector.load %arg2[%get3A_26, %get3A_27, %get3A_28] : memref<2x1x128xf32, #tpu.memory_space<vmem>>, vector<1x1x128xf32>
    %get3A_30 = vector.shape_cast %get3A_29 : vector<1x1x128xf32> to vector<1x128xf32>
    %add3A = vector.broadcast %get3A_30 : vector<1x128xf32> to vector<5120x128xf32>
    %add3A_31 = arith.addf %mul3A, %add3A : vector<5120x128xf32>
    %slice3A = vector.extract_strided_slice %add3A_31 {offsets = [0, 0], sizes = [5000, 128], strides = [1, 1]} : vector<5120x128xf32> to vector<5000x128xf32>
    %reduce_sum3A = arith.constant dense<0.000000e+00> : vector<128xf32>
    %reduce_sum3A_32 = vector.multi_reduction <add>, %slice3A, %reduce_sum3A [0] : vector<5000x128xf32> to vector<128xf32>
    %slice3A_33 = vector.extract_strided_slice %reduce_sum3A_32 {offsets = [0], sizes = [64], strides = [1]} : vector<128xf32> to vector<64xf32>
    %slice3A_34 = vector.extract_strided_slice %reduce_sum3A_32 {offsets = [64], sizes = [64], strides = [1]} : vector<128xf32> to vector<64xf32>
    %add3A_35 = arith.addf %slice3A_33, %slice3A_34 : vector<64xf32>
    %mul3A_36 = arith.constant 9.99999974E-5 : f32
    %mul3A_37 = vector.broadcast %mul3A_36 : f32 to vector<64xf32>
    %mul3A_38 = arith.mulf %add3A_35, %mul3A_37 : vector<64xf32>
    %concatenate3A = tpu.concatenate %mul3A_38, %mul3A_38 in 0 : vector<64xf32>, vector<64xf32> -> vector<128xf32>
    %broadcast_in_dim3A = vector.shape_cast %concatenate3A : vector<128xf32> to vector<1x128xf32>
    %sub3A = vector.broadcast %broadcast_in_dim3A : vector<1x128xf32> to vector<5000x128xf32>
    %sub3A_39 = arith.subf %slice3A, %sub3A : vector<5000x128xf32>
    %integer_pow3A = arith.mulf %sub3A_39, %sub3A_39 : vector<5000x128xf32>
    %reduce_sum3A_40 = arith.constant dense<0.000000e+00> : vector<128xf32>
    %reduce_sum3A_41 = vector.multi_reduction <add>, %integer_pow3A, %reduce_sum3A_40 [0] : vector<5000x128xf32> to vector<128xf32>
    %slice3A_42 = vector.extract_strided_slice %reduce_sum3A_41 {offsets = [0], sizes = [64], strides = [1]} : vector<128xf32> to vector<64xf32>
    %slice3A_43 = vector.extract_strided_slice %reduce_sum3A_41 {offsets = [64], sizes = [64], strides = [1]} : vector<128xf32> to vector<64xf32>
    %add3A_44 = arith.addf %slice3A_42, %slice3A_43 : vector<64xf32>
    %mul3A_45 = arith.constant 9.99999974E-5 : f32
    %mul3A_46 = vector.broadcast %mul3A_45 : f32 to vector<64xf32>
    %mul3A_47 = arith.mulf %add3A_44, %mul3A_46 : vector<64xf32>
    %concatenate3A_48 = tpu.concatenate %mul3A_47, %mul3A_47 in 0 : vector<64xf32>, vector<64xf32> -> vector<128xf32>
    %broadcast_in_dim3A_49 = vector.shape_cast %concatenate3A : vector<128xf32> to vector<1x128xf32>
    %sub3A_50 = vector.broadcast %broadcast_in_dim3A_49 : vector<1x128xf32> to vector<5120x128xf32>
    %sub3A_51 = arith.subf %add3A_31, %sub3A_50 : vector<5120x128xf32>
    %add3A_52 = arith.constant 9.99999974E-6 : f32
    %add3A_53 = vector.broadcast %add3A_52 : f32 to vector<128xf32>
    %add3A_54 = arith.addf %concatenate3A_48, %add3A_53 : vector<128xf32>
    %rsqrt3A = math.rsqrt %add3A_54 : vector<128xf32>
    %broadcast_in_dim3A_55 = vector.shape_cast %rsqrt3A : vector<128xf32> to vector<1x128xf32>
    %mul3A_56 = vector.broadcast %broadcast_in_dim3A_55 : vector<1x128xf32> to vector<5120x128xf32>
    %mul3A_57 = arith.mulf %sub3A_51, %mul3A_56 : vector<5120x128xf32>
    %get3A_58 = arith.constant 0 : index
    %get3A_59 = arith.constant 0 : index
    %get3A_60 = arith.constant 0 : index
    %get3A_61 = vector.load %arg3[%get3A_58, %get3A_59, %get3A_60] : memref<2x1x128xf32, #tpu.memory_space<vmem>>, vector<1x1x128xf32>
    %get3A_62 = vector.shape_cast %get3A_61 : vector<1x1x128xf32> to vector<1x128xf32>
    %mul3A_63 = vector.broadcast %get3A_62 : vector<1x128xf32> to vector<5120x128xf32>
    %mul3A_64 = arith.mulf %mul3A_57, %mul3A_63 : vector<5120x128xf32>
    %get3A_65 = arith.constant 0 : index
    %get3A_66 = arith.constant 0 : index
    %get3A_67 = arith.constant 0 : index
    %get3A_68 = vector.load %arg4[%get3A_65, %get3A_66, %get3A_67] : memref<2x1x128xf32, #tpu.memory_space<vmem>>, vector<1x1x128xf32>
    %get3A_69 = vector.shape_cast %get3A_68 : vector<1x1x128xf32> to vector<1x128xf32>
    %add3A_70 = vector.broadcast %get3A_69 : vector<1x128xf32> to vector<5120x128xf32>
    %add3A_71 = arith.addf %mul3A_64, %add3A_70 : vector<5120x128xf32>
    %max3A = arith.constant 0.000000e+00 : f32
    %max3A_72 = vector.broadcast %max3A : f32 to vector<5120x128xf32>
    %max3A_73 = arith.maximumf %add3A_71, %max3A_72 : vector<5120x128xf32>
    %mul3A_74 = arith.mulf %max3A_73, %dot_general3A_13 : vector<5120x128xf32>
    %get3A_75 = arith.constant 1 : index
    %get3A_76 = arith.constant 0 : index
    %get3A_77 = arith.constant 0 : index
    %get3A_78 = vector.load %arg0[%get3A_75, %get3A_76, %get3A_77] : memref<2x5120x128xf32, #tpu.memory_space<vmem>>, vector<1x5120x128xf32>
    %get3A_79 = vector.shape_cast %get3A_78 : vector<1x5120x128xf32> to vector<5120x128xf32>
    %mul3A_80 = arith.mulf %get3A_79, %dot_general3A_20 : vector<5120x128xf32>
    %get3A_81 = arith.constant 1 : index
    %get3A_82 = arith.constant 0 : index
    %get3A_83 = arith.constant 0 : index
    %get3A_84 = vector.load %arg2[%get3A_81, %get3A_82, %get3A_83] : memref<2x1x128xf32, #tpu.memory_space<vmem>>, vector<1x1x128xf32>
    %get3A_85 = vector.shape_cast %get3A_84 : vector<1x1x128xf32> to vector<1x128xf32>
    %add3A_86 = vector.broadcast %get3A_85 : vector<1x128xf32> to vector<5120x128xf32>
    %add3A_87 = arith.addf %mul3A_80, %add3A_86 : vector<5120x128xf32>
    %slice3A_88 = vector.extract_strided_slice %add3A_87 {offsets = [0, 0], sizes = [5000, 128], strides = [1, 1]} : vector<5120x128xf32> to vector<5000x128xf32>
    %reduce_sum3A_89 = arith.constant dense<0.000000e+00> : vector<128xf32>
    %reduce_sum3A_90 = vector.multi_reduction <add>, %slice3A_88, %reduce_sum3A_89 [0] : vector<5000x128xf32> to vector<128xf32>
    %slice3A_91 = vector.extract_strided_slice %reduce_sum3A_90 {offsets = [0], sizes = [64], strides = [1]} : vector<128xf32> to vector<64xf32>
    %slice3A_92 = vector.extract_strided_slice %reduce_sum3A_90 {offsets = [64], sizes = [64], strides = [1]} : vector<128xf32> to vector<64xf32>
    %add3A_93 = arith.addf %slice3A_91, %slice3A_92 : vector<64xf32>
    %mul3A_94 = arith.constant 9.99999974E-5 : f32
    %mul3A_95 = vector.broadcast %mul3A_94 : f32 to vector<64xf32>
    %mul3A_96 = arith.mulf %add3A_93, %mul3A_95 : vector<64xf32>
    %concatenate3A_97 = tpu.concatenate %mul3A_96, %mul3A_96 in 0 : vector<64xf32>, vector<64xf32> -> vector<128xf32>
    %broadcast_in_dim3A_98 = vector.shape_cast %concatenate3A_97 : vector<128xf32> to vector<1x128xf32>
    %sub3A_99 = vector.broadcast %broadcast_in_dim3A_98 : vector<1x128xf32> to vector<5000x128xf32>
    %sub3A_100 = arith.subf %slice3A_88, %sub3A_99 : vector<5000x128xf32>
    %integer_pow3A_101 = arith.mulf %sub3A_100, %sub3A_100 : vector<5000x128xf32>
    %reduce_sum3A_102 = arith.constant dense<0.000000e+00> : vector<128xf32>
    %reduce_sum3A_103 = vector.multi_reduction <add>, %integer_pow3A_101, %reduce_sum3A_102 [0] : vector<5000x128xf32> to vector<128xf32>
    %slice3A_104 = vector.extract_strided_slice %reduce_sum3A_103 {offsets = [0], sizes = [64], strides = [1]} : vector<128xf32> to vector<64xf32>
    %slice3A_105 = vector.extract_strided_slice %reduce_sum3A_103 {offsets = [64], sizes = [64], strides = [1]} : vector<128xf32> to vector<64xf32>
    %add3A_106 = arith.addf %slice3A_104, %slice3A_105 : vector<64xf32>
    %mul3A_107 = arith.constant 9.99999974E-5 : f32
    %mul3A_108 = vector.broadcast %mul3A_107 : f32 to vector<64xf32>
    %mul3A_109 = arith.mulf %add3A_106, %mul3A_108 : vector<64xf32>
    %concatenate3A_110 = tpu.concatenate %mul3A_109, %mul3A_109 in 0 : vector<64xf32>, vector<64xf32> -> vector<128xf32>
    %broadcast_in_dim3A_111 = vector.shape_cast %concatenate3A_97 : vector<128xf32> to vector<1x128xf32>
    %sub3A_112 = vector.broadcast %broadcast_in_dim3A_111 : vector<1x128xf32> to vector<5120x128xf32>
    %sub3A_113 = arith.subf %add3A_87, %sub3A_112 : vector<5120x128xf32>
    %add3A_114 = arith.constant 9.99999974E-6 : f32
    %add3A_115 = vector.broadcast %add3A_114 : f32 to vector<128xf32>
    %add3A_116 = arith.addf %concatenate3A_110, %add3A_115 : vector<128xf32>
    %rsqrt3A_117 = math.rsqrt %add3A_116 : vector<128xf32>
    %broadcast_in_dim3A_118 = vector.shape_cast %rsqrt3A_117 : vector<128xf32> to vector<1x128xf32>
    %mul3A_119 = vector.broadcast %broadcast_in_dim3A_118 : vector<1x128xf32> to vector<5120x128xf32>
    %mul3A_120 = arith.mulf %sub3A_113, %mul3A_119 : vector<5120x128xf32>
    %get3A_121 = arith.constant 1 : index
    %get3A_122 = arith.constant 0 : index
    %get3A_123 = arith.constant 0 : index
    %get3A_124 = vector.load %arg3[%get3A_121, %get3A_122, %get3A_123] : memref<2x1x128xf32, #tpu.memory_space<vmem>>, vector<1x1x128xf32>
    %get3A_125 = vector.shape_cast %get3A_124 : vector<1x1x128xf32> to vector<1x128xf32>
    %mul3A_126 = vector.broadcast %get3A_125 : vector<1x128xf32> to vector<5120x128xf32>
    %mul3A_127 = arith.mulf %mul3A_120, %mul3A_126 : vector<5120x128xf32>
    %get3A_128 = arith.constant 1 : index
    %get3A_129 = arith.constant 0 : index
    %get3A_130 = arith.constant 0 : index
    %get3A_131 = vector.load %arg4[%get3A_128, %get3A_129, %get3A_130] : memref<2x1x128xf32, #tpu.memory_space<vmem>>, vector<1x1x128xf32>
    %get3A_132 = vector.shape_cast %get3A_131 : vector<1x1x128xf32> to vector<1x128xf32>
    %add3A_133 = vector.broadcast %get3A_132 : vector<1x128xf32> to vector<5120x128xf32>
    %add3A_134 = arith.addf %mul3A_127, %add3A_133 : vector<5120x128xf32>
    %max3A_135 = arith.constant 0.000000e+00 : f32
    %max3A_136 = vector.broadcast %max3A_135 : f32 to vector<5120x128xf32>
    %max3A_137 = arith.maximumf %add3A_134, %max3A_136 : vector<5120x128xf32>
    %mul3A_138 = arith.mulf %max3A_137, %dot_general3A_13 : vector<5120x128xf32>
    %get3A_139 = arith.constant 0 : index
    %get3A_140 = arith.constant 0 : index
    %get3A_141 = arith.constant 0 : index
    %get3A_142 = vector.load %arg5[%get3A_139, %get3A_140, %get3A_141] : memref<2x128x80xf32, #tpu.memory_space<vmem>>, vector<1x128x80xf32>
    %get3A_143 = vector.shape_cast %get3A_142 : vector<1x128x80xf32> to vector<128x80xf32>
    %dot_general3A_144 = arith.constant dense<0.000000e+00> : vector<5120x80xf32>
    %dot_general3A_145 = tpu.matmul %mul3A_74, %get3A_143, %dot_general3A_144 {dimension_numbers = #tpu.dot_dimension_numbers<[1], [0], [0], [1], [0, 0, 1, 1], [], []>, transpose_lhs_hint = false} : vector<5120x128xf32>, vector<128x80xf32>, vector<5120x80xf32> -> vector<5120x80xf32>
    %get3A_146 = arith.constant 1 : index
    %get3A_147 = arith.constant 0 : index
    %get3A_148 = arith.constant 0 : index
    %get3A_149 = vector.load %arg5[%get3A_146, %get3A_147, %get3A_148] : memref<2x128x80xf32, #tpu.memory_space<vmem>>, vector<1x128x80xf32>
    %get3A_150 = vector.shape_cast %get3A_149 : vector<1x128x80xf32> to vector<128x80xf32>
    %dot_general3A_151 = arith.constant dense<0.000000e+00> : vector<5120x80xf32>
    %dot_general3A_152 = tpu.matmul %mul3A_138, %get3A_150, %dot_general3A_151 {dimension_numbers = #tpu.dot_dimension_numbers<[1], [0], [0], [1], [0, 0, 1, 1], [], []>, transpose_lhs_hint = false} : vector<5120x128xf32>, vector<128x80xf32>, vector<5120x80xf32> -> vector<5120x80xf32>
    %add3A_153 = arith.addf %dot_general3A_145, %dot_general3A_152 : vector<5120x80xf32>
    %swap3A = arith.constant 0 : index
    %swap3A_154 = arith.constant 0 : index
    %swap3A_155 = vector.load %arg6[%swap3A, %swap3A_154] : memref<5120x80xf32, #tpu.memory_space<vmem>>, vector<5120x80xf32>
    tpu.vector_store %arg6[%swap3A, %swap3A_154], %add3A_153 {strides = array<i32>} : memref<5120x80xf32, #tpu.memory_space<vmem>>, vector<5120x80xf32>,
    return
  }
}

module attributes {stable_mosaic.version = 14 : i64} {
  func.func @_final_body(%arg0: memref<2x10240x40xf32, #tpu.memory_space<vmem>>, %arg1: memref<2x10240xf32, #tpu.memory_space<vmem>>, %arg2: memref<1x40xf32, #tpu.memory_space<vmem>>, %arg3: memref<10000x40xf32, #tpu.memory_space<vmem>>) attributes {dimension_semantics = [], scalar_prefetch = 0 : i64, scratch_operands = 0 : i64, tpu.core_type = #tpu.core_type<tc>} {
    %get3A = arith.constant 0 : index
    %get3A_0 = arith.constant 0 : index
    %get3A_1 = arith.constant 0 : index
    %get3A_2 = vector.load %arg0[%get3A, %get3A_0, %get3A_1] : memref<2x10240x40xf32, #tpu.memory_space<vmem>>, vector<1x10000x40xf32>
    %get3A_3 = vector.shape_cast %get3A_2 : vector<1x10000x40xf32> to vector<10000x40xf32>
    %get3A_4 = arith.constant 1 : index
    %get3A_5 = arith.constant 0 : index
    %get3A_6 = arith.constant 0 : index
    %get3A_7 = vector.load %arg0[%get3A_4, %get3A_5, %get3A_6] : memref<2x10240x40xf32, #tpu.memory_space<vmem>>, vector<1x10000x40xf32>
    %get3A_8 = vector.shape_cast %get3A_7 : vector<1x10000x40xf32> to vector<10000x40xf32>
    %add3A = arith.addf %get3A_3, %get3A_8 : vector<10000x40xf32>
    %get3A_9 = arith.constant 1 : index
    %get3A_10 = arith.constant 0 : index
    %get3A_11 = vector.load %arg1[%get3A_9, %get3A_10] : memref<2x10240xf32, #tpu.memory_space<vmem>>, vector<1x10000xf32>
    %get3A_12 = vector.shape_cast %get3A_11 : vector<1x10000xf32> to vector<10000xf32>
    %broadcast_in_dim3A = vector.shape_cast %get3A_12 : vector<10000xf32> to vector<10000x1xf32>
    %mul3A = vector.broadcast %broadcast_in_dim3A : vector<10000x1xf32> to vector<10000x40xf32>
    %mul3A_13 = arith.mulf %add3A, %mul3A : vector<10000x40xf32>
    %get3A_14 = arith.constant 0 : index
    %get3A_15 = arith.constant 0 : index
    %get3A_16 = vector.load %arg2[%get3A_14, %get3A_15] : memref<1x40xf32, #tpu.memory_space<vmem>>, vector<1x40xf32>
    %add3A_17 = vector.broadcast %get3A_16 : vector<1x40xf32> to vector<10000x40xf32>
    %add3A_18 = arith.addf %mul3A_13, %add3A_17 : vector<10000x40xf32>
    %swap3A = arith.constant 0 : index
    %swap3A_19 = arith.constant 0 : index
    %swap3A_20 = vector.load %arg3[%swap3A, %swap3A_19] : memref<10000x40xf32, #tpu.memory_space<vmem>>, vector<10000x40xf32>
    tpu.vector_store %arg3[%swap3A, %swap3A_19], %add3A_18 {strides = array<i32>} : memref<10000x40xf32, #tpu.memory_space<vmem>>, vector<10000x40xf32>,
    return
  }
}

</mosaic_0001>

<sc_bundles>
// kernel: kernel.11.cloned.1.call-start
scs
__scs_entry_jumppad:
0x0: {  	(pc) =	sbr.rel $0x88, $3  }
0x1: {  	(tag) =	ssettag $0x0;
	lr =	simm.s32 $0x1  }
0x2: {  	[smem:$0x3F95] =	sst lr;
	_ =	strace $0xD0000000  }
0x3: {  	_ = 	snop  }
0x4: {  	_ = 	snop  }
0x5: {  	_ = 	snop  }
0x6: {  	_ = 	snop  }
0x7: {  	_ = 	snop  }
__scs_overlays_trampoline_lowered:
0x8: {  	[smem:$0x3FA4] =	sst s0  }
0x9: {  	[smem:$0x3FA5] =	sst s1  }
0xa: {  	[smem:$0x3FA6] =	sst s2  }
0xb: {  	[smem:$0x3FA7] =	sst s3  }
0xc: {  	[smem:$0x3FA8] =	sst s4  }
0xd: {  	[smem:$0x3FA9] =	sst s5  }
0xe: {  	[smem:$0x3FAA] =	sst s6  }
0xf: {  	[smem:$0x3FAB] =	sst s7  }
0x10: {  	[smem:$0x3FAC] =	sst s8  }
0x11: {  	[smem:$0x3FAD] =	sst s9;
	s0 =	simm.s32 @!p0 $0x0  }
0x12: {  	s1 =	sld [smem:$0x3F93];
	s0 =	simm.s32 @p0 $0x1  }
0x13: {  	[smem:$0x3FAE] =	sst s0;
	s0 =	simm.s32 @!p1 $0x0  }
0x14: {  	s2 =	sld [smem:$0x3F92];
	s0 =	simm.s32 @p1 $0x1  }
0x15: {  	[smem:$0x3FAF] =	sst s0;
	s0 =	simm.s32 @!p2 $0x0  }
0x16: {  	s3 =	sld [smem:$0x3FDB];
	s0 =	simm.s32 @p2 $0x1  }
0x17: {  	s4 =	simm.s32 $0x1BF5;
	[smem:$0x3FB1] =	sst s0  }
0x18: {  	s0 =	sld [smem:$0x3F94];
	_ =	swait.ge [sflag:s4], $0x0  }
0x19: {  	s7 =	sld [smem:$0x3F95]  }
0x1a: {  	s8 =	sadd.s32 $0xFFFFE003, lr  }
0x1b: {  	s9 =	sadd.s32 $0xFFFFFEF7, lr;
	s5 =	simm.s32 $0xFFFFFFFF;
	p2 =	slt.u32 s8, $0xFFFFF086  }
0x1c: {  	p1 =	slt.u32 s9, $0xF7A;
	s5 =	simm.s32 @!p2 $0x0  }
0x1d: {  	s5 =	simm.s32 @p1 $0x1;
	p0 =	seq.s32 s7, s2  }
0x1e: {  	s7 =	smul.u32 @!p0 $0xF7A, s2;
	p2 =	seq.s32 @!p0 s5, $0x0  }
0x1f: {  	s9 =	smul.u32 $0xF7A, s1;
	s8 =	simm.s32 @!p0 $0x1BF5;
	p2 =	por !p2, p0  }
0x20: {  	[sflag:s8] =	ssyncset.s32 @!p0 $0xFFFFF086;
	s6 =	sadd.s32 @!p0 s3, s7;
	s7 =	simm.s32 @!p0 $0x108  }
0x21: {  	s3 =	sadd.s32 s3, s9;
	s6 =	sadd.s32 @!p0 $0x88, s6;
	s7 =	simm.s32 @p2 $0x1082  }
0x22: {  	[simem:s7], [sflag:s8] =	dma.local @!p0 [hbm:s6], $0xF7A  }
0x23: {  	s9 =	sor.u32 $0xD0000000, s2;
	s6 =	simm.s32 $0x108;
	_ =	swait.ge @!p0 [sflag:s8], $0x0  }
0x24: {  	s3 =	sadd.s32 $0x88, s3;
	s6 =	simm.s32 @!p1 $0x1082;
	[sflag:s4] =	ssyncset.s32 $0xFFFFF086  }
0x25: {  	[simem:s6], [sflag:s4] =	dma.local [hbm:s3], $0xF7A  }
0x26: {  	[smem:$0x3F95] =	sst s1;
	(tag) =	ssettag s2;
	_ =	strace s9  }
0x27: {  	s1 =	sld [smem:$0x3FA5]  }
0x28: {  	s2 =	sld [smem:$0x3FA6]  }
0x29: {  	s4 =	sld [smem:$0x3FA8]  }
0x2a: {  	p0 =	seq.s32 s5, $0x0;
	s5 =	sld [smem:$0x3FA9]  }
0x2b: {  	s6 =	sld [smem:$0x3FAA]  }
0x2c: {  	s7 =	sld [smem:$0x3FAB]  }
0x2d: {  	s3 =	simm.s32 $0x108;
	s8 =	sld [smem:$0x3FAC]  }
0x2e: {  	s3 =	simm.s32 @!p0 $0x1082;
	s9 =	sld [smem:$0x3FAD]  }
0x2f: {  	lr =	sadd.s32 s0, s3;
	s0 =	sld [smem:$0x3FA4]  }
0x30: {  	s3 =	sld [smem:$0x3FA7]  }
0x31: {  	[smem:$0x3FB0] =	sst s10  }
0x32: {  	s10 =	sld [smem:$0x3FAE];
	_ =	sdelay $0x3  }
0x33: {  	p0 =	seq.s32 s10, $0x1;
	s10 =	sld [smem:$0x3FB0];
	_ =	sdelay $0x3  }
0x34: {  	[smem:$0x3FB0] =	sst s10  }
0x35: {  	s10 =	sld [smem:$0x3FAF];
	_ =	sdelay $0x3  }
0x36: {  	p1 =	seq.s32 s10, $0x1;
	s10 =	sld [smem:$0x3FB0];
	_ =	sdelay $0x3  }
0x37: {  	[smem:$0x3FB0] =	sst s10  }
0x38: {  	s10 =	sld [smem:$0x3FB1]  }
0x39: {  	_ = 	snop;
	(pc) =	sbr.ind lr, $3  }
0x3a: {  	_ = 	snop  }
0x3b: {  	_ = 	snop  }
0x3c: {  	p2 =	seq.s32 s10, $0x1;
	s10 =	sld [smem:$0x3FB0]  }
0x3d: {  	_ =	shalt  }
0x3e: {  	_ =	shalt  }
0x3f: {  	_ =	shalt  }
0x40: {  	_ =	shalt  }
0x41: {  	_ =	shalt  }
0x42: {  	_ =	shalt  }
0x43: {  	_ =	shalt  }
0x44: {  	_ =	shalt  }
0x45: {  	_ =	shalt  }
0x46: {  	_ =	shalt  }
0x47: {  	_ =	shalt  }
0x48: {  	_ =	shalt  }
0x49: {  	_ =	shalt  }
0x4a: {  	_ =	shalt  }
0x4b: {  	_ =	shalt  }
0x4c: {  	_ =	shalt  }
0x4d: {  	_ =	shalt  }
0x4e: {  	_ =	shalt  }
0x4f: {  	_ =	shalt  }
0x50: {  	_ =	shalt  }
0x51: {  	_ =	shalt  }
0x52: {  	_ =	shalt  }
0x53: {  	_ =	shalt  }
0x54: {  	_ =	shalt  }
0x55: {  	_ =	shalt  }
0x56: {  	_ =	shalt  }
0x57: {  	_ =	shalt  }
0x58: {  	_ =	shalt  }
0x59: {  	_ =	shalt  }
0x5a: {  	_ =	shalt  }
0x5b: {  	_ =	shalt  }
0x5c: {  	_ =	shalt  }
0x5d: {  	_ =	shalt  }
0x5e: {  	_ =	shalt  }
0x5f: {  	_ =	shalt  }
0x60: {  	_ =	shalt  }
0x61: {  	_ =	shalt  }
0x62: {  	_ =	shalt  }
0x63: {  	_ =	shalt  }
0x64: {  	_ =	shalt  }
0x65: {  	_ =	shalt  }
0x66: {  	_ =	shalt  }
0x67: {  	_ =	shalt  }
0x68: {  	_ =	shalt  }
0x69: {  	_ =	shalt  }
0x6a: {  	_ =	shalt  }
0x6b: {  	_ =	shalt  }
0x6c: {  	_ =	shalt  }
0x6d: {  	_ =	shalt  }
0x6e: {  	_ =	shalt  }
0x6f: {  	_ =	shalt  }
0x70: {  	_ =	shalt  }
0x71: {  	_ =	shalt  }
0x72: {  	_ =	shalt  }
0x73: {  	_ =	shalt  }
0x74: {  	_ =	shalt  }
0x75: {  	_ =	shalt  }
0x76: {  	_ =	shalt  }
0x77: {  	_ =	shalt  }
0x78: {  	_ =	shalt  }
0x79: {  	_ =	shalt  }
0x7a: {  	_ =	shalt  }
0x7b: {  	_ =	shalt  }
0x7c: {  	_ =	shalt  }
0x7d: {  	_ =	shalt  }
0x7e: {  	_ =	shalt  }
0x7f: {  	_ =	shalt  }
0x80: {  	_ =	shalt  }
0x81: {  	_ =	shalt  }
0x82: {  	_ =	shalt  }
0x83: {  	_ =	shalt  }
0x84: {  	_ =	shalt  }
0x85: {  	_ =	shalt  }
0x86: {  	_ =	shalt  }
0x87: {  	_ =	shalt  }
.Lfunc_end0:
.L_simem_size_0:
called_computation_lowered:
.L_overlay_start_0:
0x88: {  	s2 =	sld [smem:$0x3FD9]  }
0x89: {  	s3 =	sld [smem:$0x3FFE];
	_ =	sdelay $0x1  }
0x8a: {  	s1 =	srdreg.scid  }
0x8b: {  	s0 =	sand.u32 $0x1, s1  }
0x8c: {  	s17 =	sshll.u32 s0, $0xA;
	s2 =	sadd.s32 s3, s2  }
0x8d: {  	s2 =	sadd.s32 s2, s17  }
0x8e: {  	[smem:$0x3FBC] =	sst s2  }
0x8f: {  	_ = 	snop  }
0x90: {  	s2 =	sld [smem:$0x3FD0];
	(tm) =	ssettm $0x1  }
0x91: {  	s18 =	sld [smem:$0x3FFB];
	_ =	sdelay $0x3  }
0x92: {  	_ =	strace s18  }
0x93: {  	s3 =	sld [smem:$0x3FFC];
	_ =	sdelay $0x3  }
0x94: {  	_ =	strace s3  }
0x95: {  	s3 =	sld [smem:$0x3FFD];
	_ =	sdelay $0x3  }
0x96: {  	_ =	strace s3  }
0x97: {  	_ =	strace $0x8FFFFFFF  }
0x98: {  	s19 =	sld [smem:$0x3FDB];
	_ =	sdelay $0x1  }
0x99: {  	s4 =	simm.s32 $_scs_section_size  }
0x9a: {  	s5 =	simm.s32 $_size__tile_overlayer_lowered;
	s6 =	simm.s32 $_tile_overlayer_lowered  }
0x9b: {  	s22 =	simm.s32 $0x1BFF;
	s21 =	sshll.u32 s6, $0x1;
	s3 =	sadd.s32 s4, s19  }
0x9c: {  	s7 =	simm.s32 $0x0;
	s20 =	sshll.u32 s5, $0x1;
	s5 =	sadd.s32 s21, s3  }
0x9d: {  	[timem:s7], [sflag:s22] =	dma.local [hbm:s5], s20  }
0x9e: {  	_ =	swait.ge [sflag:s22], s20  }
0x9f: {  	s4 =	ssub.s32 $0x0, s20;
	[sflag:s22] =	ssyncset.done $0x0  }
0xa0: {  	[sflag:s22] =	ssyncadd.s32 s4;
	_ =	sdelay $0x1  }
0xa1: {  	s23 =	simm.s32 $0x1B8B  }
0xa2: {  	_ =	swait.ge [sflag:s23], $0x1  }
0xa3: {  	[sflag:s23] =	ssyncset.done $0x0  }
0xa4: {  	s25 =	simm.s32 $0x1B8E;
	s24 =	sld [smem:$0x3FFE];
	[sflag:s23] =	ssyncadd.s32 $0xFFFFFFFF  }
0xa5: {  	s26 =	simm.s32 $execute0_lowered;
	[smem:$0x3FD2] =	sst s25  }
0xa6: {  	s5 =	sshll.u32 s26, $0x1;
	_ =	strace $0x80000046;
	[dreg:$0x1] =	wrdreg $0xFFFFFFFF  }
0xa7: {  	s28 =	simm.s32 $_size_execute0_lowered;
	s3 =	sadd.s32 s3, s5;
	[dreg:$0x0] =	wrdreg $0x0  }
0xa8: {  	s5 =	sshll.u32 s28, $0x1;
	[dreg:$0x2] =	wrdreg s3  }
0xa9: {  	[dreg:$0x3] =	wrdreg s5  }
0xaa: {  	[dreg:$0x4] =	wrdreg $0xC0  }
0xab: {  	_ =	task [dreg:s7], $0x5FFFF  }
0xac: {  	[dreg:$0x1] =	wrdreg $0xFFFFFFFF  }
0xad: {  	[dreg:$0x0] =	wrdreg $0x60  }
0xae: {  	[dreg:$0x2] =	wrdreg s2  }
0xaf: {  	[dreg:$0x3] =	wrdreg s24  }
0xb0: {  	[dreg:$0x4] =	wrdreg $0x54000  }
0xb1: {  	[dreg:$0x5] =	wrdreg $0x9  }
0xb2: {  	_ =	task.clear_ibuf [dreg:s7], $0x6FFFF;
	_ =	strace $0x90000046  }
0xb3: {  	s29 =	simm.s32 $0x9;
	_ =	strace $0x80000048  }
0xb4: {  	_ =	swait.ge [sflag:s29], $0x1  }
0xb5: {  	[sflag:s29] =	ssyncadd.s32 $0xFFFFFFFF  }
0xb6: {  	_ =	strace $0x90000048  }
0xb7: {  	_ =	sfence  }
0xb8: {  	s30 =	sld [smem:$0x0];
	_ =	sdelay $0x2  }
0xb9: {  	s31 =	sshll.u32 s1, $0xD;
	s1 =	sshrl.u32 s1, $0x2  }
0xba: {  	s3 =	sand.u32 $0x4000, s31;
	s1 =	sadd.s32 s1, s30  }
0xbb: {  	s0 =	sor.u32 s3, s0;
	s1 =	sshll.u32 s1, $0x11  }
0xbc: {  	s0 =	sor.u32 s1, s0  }
0xbd: {  	s0 =	sadd.s32 $0x8F2B, s0  }
0xbe: {  	[sflag:s0] =	ssyncadd.remote.s32 $0x1  }
0xbf: {  	_ =	sfence.sel $0xFFFF  }
0xc0: {  	[dreg:$0x0] =	wrdreg $0xFFFFFFFF;
	(pc) =	sbr.abs _section_cstart, $3  }
0xc1: {  	[dreg:$0x1] =	wrdreg $0xFFFFFFFF  }
0xc2: {  	_ =	task.clear_ibuf [dreg:s7], $0x2FFFF;
	_ =	strace $0x9FFFFFFF  }
0xc3: {  	(tm) =	ssettm $0x7FFFFFFF  }
tec
execute0_lowered:
.L_overlay_start_1:
0x0: {  	(tag) =	ssettag $0x1  }
0x1: {  	s6 =	rddreg [dreg:$0x0]  }
0x2: {  	s0 =	srdreg.scid;
	s8 =	rddreg [dreg:$0x1]  }
0x3: {  	s2 =	rddreg [dreg:$0x2];
	s3 =	simm.s32 $0x0;
	s16 =	simm.s32 $0x80  }
0x4: {  	s20 =	simm.s32 $0x0;
	s7 =	sand.u32 $0x1, s0;
	s0 =	stileid.u32  }
0x5: {  	[smem:$0x7FF] =	sst s3;
	s5 =	sadd.s32 $0xEA00, s8;
	s11 =	smul.u32 $0x5000, s7  }
0x6: {  	s1 =	sshll.u32 s7, $0x4;
	s7 =	ssub.s32 $0x2, s7;
	s12 =	smul.u32 $0x1400, s0  }
0x7: {  	s31 =	sshll.u32 s0, $0x6;
	s4 =	sor.u32 s0, s1;
	s1 =	rddreg [dreg:$0x3]  }
0x8: {  	_ =	strace $0x80000047;
	s30 =	sshrl.u32 s7, $0x1;
	s9 =	smul.u32 $0x500, s4  }
0x9: {  	s4 =	sadd.s32 $0xEE00, s8;
	s11 =	sadd.s32 s11, s8;
	s13 =	ssub.s32 s7, s30  }
0xa: {  	s7 =	sadd.s32 $0x14000, s2;
	s14 =	sadd.s32 s12, s2;
	s18 =	sshrl.u32 s12, $0x3  }
0xb: {  	s15 =	sadd.s32 s12, s7;
	s17 =	sadd.s32 $0xF000, s11;
	s11 =	simm.s32 $0x2  }
0xc: {  	s12 =	simm.s32 $0x2800;
	s14 =	sshrl.u32 s14, $0x3;
	s10 =	sadd.s32 s9, s8  }
0xd: {  	s6 =	sadd.s32 s6, s9;
	s9 =	smax.u32 s13, $0x1;
	s13 =	sor.u32 $0x1C02, s31  }
0xe: {  	s15 =	sshrl.u32 s15, $0x3;
	s17 =	sadd.s32 s18, s17;
	s18 =	simm.s32 $0x1  }
0xf: {  	s8 =	sadd.s32 $0x4A00, s10;
	s10 =	simm.s32 $0x5000;
	s19 =	sadd.s32 $0x2800, s17  }
.LBB2_1:
0x10: {  	[tilespmem:s10], [sflag:$0x2] =	stream.linear.gather [hbm4b:s4+s3], $0x400, $0x38;
	[tilespmem:$0x7C00] =	vst v63  }
0x11: {  	_ =	swait.ge [sflag:s11], $0x400  }
0x12: {  	[sflag:s11] =	ssyncset.done $0x0  }
0x13: {  	[sflag:s11] =	ssyncadd.s32 $0xFFFFFC00  }
0x14: {  	[tilespmem:s3], [sflag:$0x2] =	stream.linear.gather [hbm4b:s6+s3], $0x2800, $0x38;
	[tilespmem:$0x7C00] =	vst v63  }
0x15: {  	_ =	swait.ge [sflag:s11], $0x2800  }
0x16: {  	[sflag:s11] =	ssyncset.done $0x0  }
0x17: {  	[sflag:s11] =	ssyncadd.s32 $0xFFFFD800  }
0x18: {  	[tilespmem:s12], [sflag:$0x2] =	stream.linear.gather [hbm4b:s8+s3], $0x2800, $0x38;
	[tilespmem:$0x7C00] =	vst v63  }
0x19: {  	_ =	swait.ge [sflag:s11], $0x2800  }
0x1a: {  	[sflag:s11] =	ssyncset.done $0x0  }
0x1b: {  	[sflag:s11] =	ssyncadd.s32 $0xFFFFD800  }
0x1c: {  	[spmem:s14], [sflag:s13] =	dma.local [hbm:s5], $0x280  }
0x1d: {  	_ =	swait.ge [sflag:s11], $0x280  }
0x1e: {  	[sflag:s11] =	ssyncset.done $0x0  }
0x1f: {  	[sflag:s11] =	ssyncadd.s32 $0xFFFFFD80  }
0x20: {  	[spmem:s15], [sflag:s13] =	dma.local [hbm:s5], $0x280  }
0x21: {  	_ =	swait.ge [sflag:s11], $0x280  }
0x22: {  	[sflag:s11] =	ssyncset.done $0x0  }
0x23: {  	[sflag:s11] =	ssyncadd.s32 $0xFFFFFD80  }
0x24: {  	s21 =	simm.s32 $0x0;
	[bflag:$0x0] =	sbarrier.arrive $0xFFFF  }
0x25: {  	[spmem:s2] =	stream.indirect.scatter.add.f32 [tilespmem:s10], [sflag:$0x1], $0x8, s21, s16, $0xb8;
	[tilespmem:$0x7C00] =	vst v63  }
0x26: {  	s22 =	simm.s32 $0x2800;
	s21 =	simm.s32 $0x200  }
.LBB2_2:
0x27: {  	[spmem:s7] =	stream.indirect.scatter.add.f32 [tilespmem:s10], [sflag:$0x1], $0x8, s22, s16, $0xb8;
	[tilespmem:$0x7C00] =	vst v63  }
0x28: {  	s22 =	smov.u32 s21;
	p0 =	sne.s32 s21, $0x9E00  }
.Ltmp0:
0x29: {  	s21 =	sadd.s32 $0x200, s21;
	(pc) =	sbr.rel @p0 .LBB2_2-.Ltmp0, $4  }
0x2a: {  	_ = 	snop  }
0x2b: {  	s22 =	sshra.s32 s22, $0x2  }
0x2c: {  	[spmem:s2] =	stream.indirect.scatter.add.f32 [tilespmem:s10], [sflag:$0x1], $0x8, s22, s16, $0xb8;
	[tilespmem:$0x7C00] =	vst v63  }
0x2d: {  	s22 =	sadd.s32 $0x2800, s22  }
0x2e: {  	[spmem:s7] =	stream.indirect.scatter.add.f32 [tilespmem:s10], [sflag:$0x1], $0x8, s22, s16, $0xb8;
	[tilespmem:$0x7C00] =	vst v63  }
0x2f: {  	_ =	swait.ge [sflag:s18], $0x400  }
0x30: {  	[sflag:s18] =	ssyncset.done $0x0  }
0x31: {  	[sflag:s18] =	ssyncadd.s32 $0xFFFFFC00  }
0x32: {  	_ =	swait.ge [sflag:s18], $0x400  }
0x33: {  	s21 =	simm.s32 $0x4F;
	[sflag:s18] =	ssyncset.done $0x0  }
.LBB2_4:
0x34: {  	p0 =	sne.s32 s21, $0x1;
	s21 =	sadd.s32 $0xFFFFFFFF, s21;
	[sflag:s18] =	ssyncadd.s32 $0xFFFFFC00  }
.Ltmp1:
0x35: {  	_ =	swait.ge [sflag:s18], $0x400;
	(pc) =	sbr.rel @p0 .LBB2_4-.Ltmp1, $4  }
0x36: {  	[sflag:s18] =	ssyncset.done $0x0  }
0x37: {  	[sflag:s18] =	ssyncadd.s32 $0xFFFFFC00  }
0x38: {  	_ =	swait.ge [sflag:s18], $0x400  }
0x39: {  	[sflag:s18] =	ssyncset.done $0x0  }
0x3a: {  	[sflag:s18] =	ssyncadd.s32 $0xFFFFFC00  }
0x3b: {  	[bflag:$0x0] =	sbarrier.arrive $0xFFFF  }
0x3c: {  	[hbm:s17], [sflag:s13] =	dma.local [spmem:s14], $0x280  }
0x3d: {  	s20 =	sadd.s32 $0x1, s20;
	_ =	swait.ge [sflag:s11], $0x280  }
0x3e: {  	p0 =	sne.s32 s20, s9;
	[sflag:s11] =	ssyncset.done $0x0  }
.Ltmp2:
0x3f: {  	[sflag:s11] =	ssyncadd.s32 $0xFFFFFD80;
	(pc) =	sbr.rel @p0 .LBB2_1-.Ltmp2, $4  }
0x40: {  	[hbm:s19], [sflag:s13] =	dma.local [spmem:s15], $0x280  }
0x41: {  	_ =	swait.ge [sflag:s11], $0x280  }
0x42: {  	[sflag:s11] =	ssyncset.done $0x0  }
0x43: {  	[sflag:s11] =	ssyncadd.s32 $0xFFFFFD80  }
0x44: {  	_ =	sfence.sel $0x180000  }
0x45: {  	[bflag:$0x0] =	sbarrier.arrive $0xFFFF  }
0x46: {  	p0 =	sne.s32 s0, $0x0;
	_ =	strace $0x90000047  }
0x47: {  	s0 =	sadd.s32 @!p0 $0x100000, s1;
	[bflag:$0x2] =	sbarrier.arrive $0xFFFF  }
0x48: {  	[sflag:s0] =	ssyncadd.tile.s32 @!p0 $0x1;
	_ =	shalt  }
.Lfunc_end2:
_tile_overlayer_lowered:
.L_overlay_start_2:
0x49: {  	(tag) =	ssettag $0x2  }
0x4a: {  	s0 =	rddreg [dreg:$0x0];
	s2 =	stileid.u32  }
0x4b: {  	s1 =	rddreg [dreg:$0x1];
	p0 =	sne.s32 s2, $0x0  }
0x4c: {  	s3 =	rddreg [dreg:$0x2];
	[bflag:$0x3] =	sbarrier.arrive $0xFFFF;
	s2 =	simm.s32 @!p0 $0x1C02  }
0x4d: {  	[timem:s3], [sflag:s2] =	dma.local @!p0 [hbm:s0], s1  }
0x4e: {  	s0 =	simm.s32 @!p0 $0x2  }
0x4f: {  	_ =	swait.ge @!p0 [sflag:s0], s1  }
0x50: {  	s1 =	ssub.s32 @!p0 $0x0, s1;
	[sflag:s0] =	ssyncset.done @!p0 $0x0  }
0x51: {  	[sflag:s0] =	ssyncadd.s32 @!p0 s1  }
0x52: {  	[bflag:$0x3] =	sbarrier.arrive $0xFFFF  }
0x53: {  	_ =	shalt  }

// kernel: kernel.14.cloned.1.call-start
scs
__scs_entry_jumppad:
0x0: {  	(pc) =	sbr.rel $0x88, $3  }
0x1: {  	(tag) =	ssettag $0x0;
	lr =	simm.s32 $0x1  }
0x2: {  	[smem:$0x3F95] =	sst lr;
	_ =	strace $0xD0000000  }
0x3: {  	_ = 	snop  }
0x4: {  	_ = 	snop  }
0x5: {  	_ = 	snop  }
0x6: {  	_ = 	snop  }
0x7: {  	_ = 	snop  }
__scs_overlays_trampoline_lowered:
0x8: {  	[smem:$0x3FA4] =	sst s0  }
0x9: {  	[smem:$0x3FA5] =	sst s1  }
0xa: {  	[smem:$0x3FA6] =	sst s2  }
0xb: {  	[smem:$0x3FA7] =	sst s3  }
0xc: {  	[smem:$0x3FA8] =	sst s4  }
0xd: {  	[smem:$0x3FA9] =	sst s5  }
0xe: {  	[smem:$0x3FAA] =	sst s6  }
0xf: {  	[smem:$0x3FAB] =	sst s7  }
0x10: {  	[smem:$0x3FAC] =	sst s8  }
0x11: {  	[smem:$0x3FAD] =	sst s9;
	s0 =	simm.s32 @!p0 $0x0  }
0x12: {  	s1 =	sld [smem:$0x3F93];
	s0 =	simm.s32 @p0 $0x1  }
0x13: {  	[smem:$0x3FAE] =	sst s0;
	s0 =	simm.s32 @!p1 $0x0  }
0x14: {  	s2 =	sld [smem:$0x3F92];
	s0 =	simm.s32 @p1 $0x1  }
0x15: {  	[smem:$0x3FAF] =	sst s0;
	s0 =	simm.s32 @!p2 $0x0  }
0x16: {  	s3 =	sld [smem:$0x3FDB];
	s0 =	simm.s32 @p2 $0x1  }
0x17: {  	s4 =	simm.s32 $0x1BF5;
	[smem:$0x3FB1] =	sst s0  }
0x18: {  	s0 =	sld [smem:$0x3F94];
	_ =	swait.ge [sflag:s4], $0x0  }
0x19: {  	s7 =	sld [smem:$0x3F95]  }
0x1a: {  	s8 =	sadd.s32 $0xFFFFE003, lr  }
0x1b: {  	s9 =	sadd.s32 $0xFFFFFEF7, lr;
	s5 =	simm.s32 $0xFFFFFFFF;
	p2 =	slt.u32 s8, $0xFFFFF086  }
0x1c: {  	p1 =	slt.u32 s9, $0xF7A;
	s5 =	simm.s32 @!p2 $0x0  }
0x1d: {  	s5 =	simm.s32 @p1 $0x1;
	p0 =	seq.s32 s7, s2  }
0x1e: {  	s7 =	smul.u32 @!p0 $0xF7A, s2;
	p2 =	seq.s32 @!p0 s5, $0x0  }
0x1f: {  	s9 =	smul.u32 $0xF7A, s1;
	s8 =	simm.s32 @!p0 $0x1BF5;
	p2 =	por !p2, p0  }
0x20: {  	[sflag:s8] =	ssyncset.s32 @!p0 $0xFFFFF086;
	s6 =	sadd.s32 @!p0 s3, s7;
	s7 =	simm.s32 @!p0 $0x108  }
0x21: {  	s3 =	sadd.s32 s3, s9;
	s6 =	sadd.s32 @!p0 $0x88, s6;
	s7 =	simm.s32 @p2 $0x1082  }
0x22: {  	[simem:s7], [sflag:s8] =	dma.local @!p0 [hbm:s6], $0xF7A  }
0x23: {  	s9 =	sor.u32 $0xD0000000, s2;
	s6 =	simm.s32 $0x108;
	_ =	swait.ge @!p0 [sflag:s8], $0x0  }
0x24: {  	s3 =	sadd.s32 $0x88, s3;
	s6 =	simm.s32 @!p1 $0x1082;
	[sflag:s4] =	ssyncset.s32 $0xFFFFF086  }
0x25: {  	[simem:s6], [sflag:s4] =	dma.local [hbm:s3], $0xF7A  }
0x26: {  	[smem:$0x3F95] =	sst s1;
	(tag) =	ssettag s2;
	_ =	strace s9  }
0x27: {  	s1 =	sld [smem:$0x3FA5]  }
0x28: {  	s2 =	sld [smem:$0x3FA6]  }
0x29: {  	s4 =	sld [smem:$0x3FA8]  }
0x2a: {  	p0 =	seq.s32 s5, $0x0;
	s5 =	sld [smem:$0x3FA9]  }
0x2b: {  	s6 =	sld [smem:$0x3FAA]  }
0x2c: {  	s7 =	sld [smem:$0x3FAB]  }
0x2d: {  	s3 =	simm.s32 $0x108;
	s8 =	sld [smem:$0x3FAC]  }
0x2e: {  	s3 =	simm.s32 @!p0 $0x1082;
	s9 =	sld [smem:$0x3FAD]  }
0x2f: {  	lr =	sadd.s32 s0, s3;
	s0 =	sld [smem:$0x3FA4]  }
0x30: {  	s3 =	sld [smem:$0x3FA7]  }
0x31: {  	[smem:$0x3FB0] =	sst s10  }
0x32: {  	s10 =	sld [smem:$0x3FAE];
	_ =	sdelay $0x3  }
0x33: {  	p0 =	seq.s32 s10, $0x1;
	s10 =	sld [smem:$0x3FB0];
	_ =	sdelay $0x3  }
0x34: {  	[smem:$0x3FB0] =	sst s10  }
0x35: {  	s10 =	sld [smem:$0x3FAF];
	_ =	sdelay $0x3  }
0x36: {  	p1 =	seq.s32 s10, $0x1;
	s10 =	sld [smem:$0x3FB0];
	_ =	sdelay $0x3  }
0x37: {  	[smem:$0x3FB0] =	sst s10  }
0x38: {  	s10 =	sld [smem:$0x3FB1]  }
0x39: {  	_ = 	snop;
	(pc) =	sbr.ind lr, $3  }
0x3a: {  	_ = 	snop  }
0x3b: {  	_ = 	snop  }
0x3c: {  	p2 =	seq.s32 s10, $0x1;
	s10 =	sld [smem:$0x3FB0]  }
0x3d: {  	_ =	shalt  }
0x3e: {  	_ =	shalt  }
0x3f: {  	_ =	shalt  }
0x40: {  	_ =	shalt  }
0x41: {  	_ =	shalt  }
0x42: {  	_ =	shalt  }
0x43: {  	_ =	shalt  }
0x44: {  	_ =	shalt  }
0x45: {  	_ =	shalt  }
0x46: {  	_ =	shalt  }
0x47: {  	_ =	shalt  }
0x48: {  	_ =	shalt  }
0x49: {  	_ =	shalt  }
0x4a: {  	_ =	shalt  }
0x4b: {  	_ =	shalt  }
0x4c: {  	_ =	shalt  }
0x4d: {  	_ =	shalt  }
0x4e: {  	_ =	shalt  }
0x4f: {  	_ =	shalt  }
0x50: {  	_ =	shalt  }
0x51: {  	_ =	shalt  }
0x52: {  	_ =	shalt  }
0x53: {  	_ =	shalt  }
0x54: {  	_ =	shalt  }
0x55: {  	_ =	shalt  }
0x56: {  	_ =	shalt  }
0x57: {  	_ =	shalt  }
0x58: {  	_ =	shalt  }
0x59: {  	_ =	shalt  }
0x5a: {  	_ =	shalt  }
0x5b: {  	_ =	shalt  }
0x5c: {  	_ =	shalt  }
0x5d: {  	_ =	shalt  }
0x5e: {  	_ =	shalt  }
0x5f: {  	_ =	shalt  }
0x60: {  	_ =	shalt  }
0x61: {  	_ =	shalt  }
0x62: {  	_ =	shalt  }
0x63: {  	_ =	shalt  }
0x64: {  	_ =	shalt  }
0x65: {  	_ =	shalt  }
0x66: {  	_ =	shalt  }
0x67: {  	_ =	shalt  }
0x68: {  	_ =	shalt  }
0x69: {  	_ =	shalt  }
0x6a: {  	_ =	shalt  }
0x6b: {  	_ =	shalt  }
0x6c: {  	_ =	shalt  }
0x6d: {  	_ =	shalt  }
0x6e: {  	_ =	shalt  }
0x6f: {  	_ =	shalt  }
0x70: {  	_ =	shalt  }
0x71: {  	_ =	shalt  }
0x72: {  	_ =	shalt  }
0x73: {  	_ =	shalt  }
0x74: {  	_ =	shalt  }
0x75: {  	_ =	shalt  }
0x76: {  	_ =	shalt  }
0x77: {  	_ =	shalt  }
0x78: {  	_ =	shalt  }
0x79: {  	_ =	shalt  }
0x7a: {  	_ =	shalt  }
0x7b: {  	_ =	shalt  }
0x7c: {  	_ =	shalt  }
0x7d: {  	_ =	shalt  }
0x7e: {  	_ =	shalt  }
0x7f: {  	_ =	shalt  }
0x80: {  	_ =	shalt  }
0x81: {  	_ =	shalt  }
0x82: {  	_ =	shalt  }
0x83: {  	_ =	shalt  }
0x84: {  	_ =	shalt  }
0x85: {  	_ =	shalt  }
0x86: {  	_ =	shalt  }
0x87: {  	_ =	shalt  }
.Lfunc_end0:
.L_simem_size_0:
called_computation.1_lowered:
.L_overlay_start_0:
0x88: {  	s2 =	sld [smem:$0x3FD9]  }
0x89: {  	s3 =	sld [smem:$0x3FFE];
	_ =	sdelay $0x1  }
0x8a: {  	s1 =	srdreg.scid  }
0x8b: {  	s0 =	sand.u32 $0x1, s1  }
0x8c: {  	s16 =	sshll.u32 s0, $0xA;
	s2 =	sadd.s32 s3, s2  }
0x8d: {  	s2 =	sadd.s32 s2, s16  }
0x8e: {  	[smem:$0x3FBC] =	sst s2  }
0x8f: {  	_ = 	snop  }
0x90: {  	(tm) =	ssettm $0x1  }
0x91: {  	s17 =	sld [smem:$0x3FFB];
	_ =	sdelay $0x3  }
0x92: {  	_ =	strace s17  }
0x93: {  	s2 =	sld [smem:$0x3FFC];
	_ =	sdelay $0x3  }
0x94: {  	_ =	strace s2  }
0x95: {  	s2 =	sld [smem:$0x3FFD];
	_ =	sdelay $0x3  }
0x96: {  	_ =	strace s2  }
0x97: {  	_ =	strace $0x8FFFFFFF  }
0x98: {  	s18 =	sld [smem:$0x3FDB];
	_ =	sdelay $0x1  }
0x99: {  	s19 =	simm.s32 $_scs_section_size  }
0x9a: {  	s4 =	simm.s32 $_size__tile_overlayer_lowered;
	s5 =	simm.s32 $_tile_overlayer_lowered  }
0x9b: {  	s22 =	simm.s32 $0x1BFF;
	s21 =	sshll.u32 s5, $0x1;
	s2 =	sadd.s32 s19, s18  }
0x9c: {  	s6 =	simm.s32 $0x0;
	s20 =	sshll.u32 s4, $0x1;
	s4 =	sadd.s32 s21, s2  }
0x9d: {  	[timem:s6], [sflag:s22] =	dma.local [hbm:s4], s20  }
0x9e: {  	_ =	swait.ge [sflag:s22], s20  }
0x9f: {  	s3 =	ssub.s32 $0x0, s20;
	[sflag:s22] =	ssyncset.done $0x0  }
0xa0: {  	[sflag:s22] =	ssyncadd.s32 s3;
	_ =	sdelay $0x1  }
0xa1: {  	s23 =	simm.s32 $0x1B8B  }
0xa2: {  	_ =	swait.ge [sflag:s23], $0x1  }
0xa3: {  	[sflag:s23] =	ssyncset.done $0x0  }
0xa4: {  	s25 =	simm.s32 $0x1B8E;
	s24 =	sld [smem:$0x3FFE];
	[sflag:s23] =	ssyncadd.s32 $0xFFFFFFFF  }
0xa5: {  	s26 =	simm.s32 $execute0_lowered;
	[smem:$0x3FD2] =	sst s25  }
0xa6: {  	s4 =	sshll.u32 s26, $0x1;
	_ =	strace $0x80000049;
	[dreg:$0x1] =	wrdreg $0xFFFFFFFF  }
0xa7: {  	s28 =	simm.s32 $_size_execute0_lowered;
	s2 =	sadd.s32 s2, s4;
	[dreg:$0x0] =	wrdreg $0x0  }
0xa8: {  	s4 =	sshll.u32 s28, $0x1;
	[dreg:$0x2] =	wrdreg s2  }
0xa9: {  	[dreg:$0x3] =	wrdreg s4  }
0xaa: {  	[dreg:$0x4] =	wrdreg $0xC0  }
0xab: {  	_ =	task [dreg:s6], $0x5FFFF  }
0xac: {  	[dreg:$0x1] =	wrdreg $0xFFFFFFFF  }
0xad: {  	[dreg:$0x0] =	wrdreg $0x60  }
0xae: {  	[dreg:$0x2] =	wrdreg s24  }
0xaf: {  	[dreg:$0x3] =	wrdreg $0x120000  }
0xb0: {  	[dreg:$0x4] =	wrdreg $0x9  }
0xb1: {  	_ =	task.clear_ibuf [dreg:s6], $0x5FFFF;
	_ =	strace $0x90000049  }
0xb2: {  	s29 =	simm.s32 $0x9;
	_ =	strace $0x8000004B  }
0xb3: {  	_ =	swait.ge [sflag:s29], $0x1  }
0xb4: {  	[sflag:s29] =	ssyncadd.s32 $0xFFFFFFFF  }
0xb5: {  	_ =	strace $0x9000004B  }
0xb6: {  	_ =	sfence  }
0xb7: {  	s30 =	sld [smem:$0x0];
	_ =	sdelay $0x2  }
0xb8: {  	s31 =	sshll.u32 s1, $0xD;
	s1 =	sshrl.u32 s1, $0x2  }
0xb9: {  	s3 =	sand.u32 $0x4000, s31;
	s1 =	sadd.s32 s1, s30  }
0xba: {  	s0 =	sor.u32 s3, s0;
	s1 =	sshll.u32 s1, $0x11  }
0xbb: {  	s0 =	sor.u32 s1, s0  }
0xbc: {  	s0 =	sadd.s32 $0x8F2B, s0  }
0xbd: {  	[sflag:s0] =	ssyncadd.remote.s32 $0x1  }
0xbe: {  	_ =	sfence.sel $0xFFFF  }
0xbf: {  	[dreg:$0x0] =	wrdreg $0xFFFFFFFF;
	(pc) =	sbr.abs _section_cstart, $3  }
0xc0: {  	[dreg:$0x1] =	wrdreg $0xFFFFFFFF  }
0xc1: {  	_ =	task.clear_ibuf [dreg:s6], $0x2FFFF;
	_ =	strace $0x9FFFFFFF  }
0xc2: {  	(tm) =	ssettm $0x7FFFFFFF  }
0xc3: {  	_ =	shalt  }
tec
execute0_lowered:
.L_overlay_start_1:
0x0: {  	(tag) =	ssettag $0x1  }
0x1: {  	s0 =	rddreg [dreg:$0x0]  }
0x2: {  	s1 =	rddreg [dreg:$0x1];
	s2 =	srdreg.scid;
	s3 =	simm.s32 $0x0  }
0x3: {  	s10 =	stileid.u32;
	s14 =	simm.s32 $0xA000;
	s15 =	simm.s32 $0xC000  }
0x4: {  	s17 =	simm.s32 $0xE000;
	s19 =	simm.s32 $0x10000;
	s20 =	simm.s32 $0x1  }
0x5: {  	s21 =	simm.s32 $0x5;
	s22 =	simm.s32 $0x2;
	s23 =	simm.s32 $0x6  }
0x6: {  	s25 =	simm.s32 $0x3;
	s26 =	simm.s32 $0x7;
	s28 =	simm.s32 $0x4  }
0x7: {  	s29 =	simm.s32 $0x8;
	s31 =	simm.s32 $0x9E80;
	s11 =	smul.u32 $0xA00, s10  }
0x8: {  	s2 =	sand.u32 $0x1, s2;
	[smem:$0x7FF] =	sst s3;
	s9 =	smul.u32 $0xA000, s10  }
0x9: {  	s4 =	sadd.s32 $0x2D000, s0;
	s10 =	sshll.u32 s10, $0x6;
	s5 =	smul.u32 $0xA000, s2  }
0xa: {  	_ =	strace $0x8000004A;
	s6 =	smul.u32 $0x14000, s2;
	s2 =	ssub.s32 $0x2, s2  }
0xb: {  	s8 =	sadd.s32 s11, s0;
	s30 =	sshrl.u32 s2, $0x1;
	s12 =	sadd.s32 s9, s1  }
0xc: {  	s16 =	sshrl.u32 s9, $0x3;
	s7 =	sadd.s32 s5, s0;
	s5 =	sadd.s32 $0xEA00, s0  }
0xd: {  	s0 =	sadd.s32 s6, s0;
	s2 =	ssub.s32 s2, s30;
	s6 =	sor.u32 $0x1C09, s10  }
0xe: {  	s9 =	sshrl.u32 s12, $0x3;
	s10 =	simm.s32 $0x9;
	s12 =	simm.s32 $0x0  }
0xf: {  	s13 =	sadd.s32 $0x19000, s7;
	s7 =	sadd.s32 $0x4A00, s8;
	s0 =	sadd.s32 $0x55000, s0  }
0x10: {  	s8 =	smax.u32 s2, $0x1;
	s2 =	simm.s32 $0x9F80;
	s11 =	sadd.s32 s11, s13  }
0x11: {  	s13 =	simm.s32 $0x80;
	s24 =	sadd.s32 s16, s0;
	s0 =	simm.s32 $0x9F00  }
.LBB2_1:
0x12: {  	[spmem:s9], [sflag:s6] =	dma.local [hbm:s5], $0x1400  }
0x13: {  	_ =	swait.ge [sflag:s10], $0x1400  }
0x14: {  	[sflag:s10] =	ssyncset.done $0x0  }
0x15: {  	[sflag:s10] =	ssyncadd.s32 $0xFFFFEC00  }
0x16: {  	[tilespmem:s3], [sflag:$0x9] =	stream.linear.gather [hbm4b:s11+s3], $0x5000, $0x38;
	[tilespmem:$0x1C000] =	vst v63  }
0x17: {  	_ =	swait.ge [sflag:s10], $0x5000  }
0x18: {  	[sflag:s10] =	ssyncset.done $0x0  }
0x19: {  	s16 =	simm.s32 $0x5000;
	[sflag:s10] =	ssyncadd.s32 $0xFFFFB000  }
0x1a: {  	[tilespmem:s16], [sflag:$0x9] =	stream.linear.gather [hbm4b:s7+s3], $0x5000, $0x38;
	[tilespmem:$0x1C000] =	vst v63  }
0x1b: {  	_ =	swait.ge [sflag:s10], $0x5000  }
0x1c: {  	[sflag:s10] =	ssyncset.done $0x0  }
0x1d: {  	[sflag:s10] =	ssyncadd.s32 $0xFFFFB000  }
0x1e: {  	[bflag:$0x0] =	sbarrier.arrive $0xFFFF  }
0x1f: {  	[tilespmem:s14], [sflag:$0x1] =	stream.indirect.gather [hbm4b:s4+s13], $0x40, s3, s13, $0xb8;
	[tilespmem:$0x1C000] =	vst v63  }
0x20: {  	_ = 	snop  }
0x21: {  	[tilespmem:s15], [sflag:$0x2] =	stream.indirect.gather [hbm4b:s4+s13], $0x40, s13, s13, $0xb8;
	[tilespmem:$0x1C000] =	vst v63  }
0x22: {  	s30 =	simm.s32 $0x100  }
0x23: {  	[tilespmem:s17], [sflag:$0x3] =	stream.indirect.gather [hbm4b:s4+s13], $0x40, s30, s13, $0xb8;
	[tilespmem:$0x1C000] =	vst v63  }
0x24: {  	s18 =	simm.s32 $0x180  }
0x25: {  	[tilespmem:s19], [sflag:$0x4] =	stream.indirect.gather [hbm4b:s4+s13], $0x40, s18, s13, $0xb8;
	[tilespmem:$0x1C000] =	vst v63  }
0x26: {  	_ =	swait.ge [sflag:s20], $0x2000  }
0x27: {  	[sflag:s20] =	ssyncset.done $0x0  }
0x28: {  	s30 =	simm.s32 $0x5000;
	[sflag:s20] =	ssyncadd.s32 $0xFFFFE000  }
0x29: {  	[spmem:s1] =	stream.indirect.scatter.add.f32 [tilespmem:s14], [sflag:$0x5], $0x40, s30, s13, $0xb8;
	[tilespmem:$0x1C000] =	vst v63  }
0x2a: {  	_ =	swait.ge [sflag:s21], $0x2000  }
0x2b: {  	[sflag:s21] =	ssyncset.done $0x0  }
0x2c: {  	s18 =	simm.s32 $0x200;
	[sflag:s21] =	ssyncadd.s32 $0xFFFFE000  }
0x2d: {  	[tilespmem:s14], [sflag:$0x1] =	stream.indirect.gather [hbm4b:s4+s13], $0x40, s18, s13, $0xb8;
	[tilespmem:$0x1C000] =	vst v63  }
0x2e: {  	_ =	swait.ge [sflag:s22], $0x2000  }
0x2f: {  	[sflag:s22] =	ssyncset.done $0x0  }
0x30: {  	s30 =	simm.s32 $0x5080;
	[sflag:s22] =	ssyncadd.s32 $0xFFFFE000  }
0x31: {  	[spmem:s1] =	stream.indirect.scatter.add.f32 [tilespmem:s15], [sflag:$0x6], $0x40, s30, s13, $0xb8;
	[tilespmem:$0x1C000] =	vst v63  }
0x32: {  	_ =	swait.ge [sflag:s23], $0x2000  }
0x33: {  	[sflag:s23] =	ssyncset.done $0x0  }
0x34: {  	s18 =	simm.s32 $0x280;
	[sflag:s23] =	ssyncadd.s32 $0xFFFFE000  }
0x35: {  	[tilespmem:s15], [sflag:$0x2] =	stream.indirect.gather [hbm4b:s4+s13], $0x40, s18, s13, $0xb8;
	[tilespmem:$0x1C000] =	vst v63  }
0x36: {  	_ =	swait.ge [sflag:s25], $0x2000  }
0x37: {  	[sflag:s25] =	ssyncset.done $0x0  }
0x38: {  	s30 =	simm.s32 $0x5100;
	[sflag:s25] =	ssyncadd.s32 $0xFFFFE000  }
0x39: {  	[spmem:s1] =	stream.indirect.scatter.add.f32 [tilespmem:s17], [sflag:$0x7], $0x40, s30, s13, $0xb8;
	[tilespmem:$0x1C000] =	vst v63  }
0x3a: {  	_ =	swait.ge [sflag:s26], $0x2000  }
0x3b: {  	[sflag:s26] =	ssyncset.done $0x0  }
0x3c: {  	s18 =	simm.s32 $0x300;
	[sflag:s26] =	ssyncadd.s32 $0xFFFFE000  }
0x3d: {  	[tilespmem:s17], [sflag:$0x3] =	stream.indirect.gather [hbm4b:s4+s13], $0x40, s18, s13, $0xb8;
	[tilespmem:$0x1C000] =	vst v63  }
0x3e: {  	_ =	swait.ge [sflag:s28], $0x2000  }
0x3f: {  	[sflag:s28] =	ssyncset.done $0x0  }
0x40: {  	s30 =	simm.s32 $0x5180;
	[sflag:s28] =	ssyncadd.s32 $0xFFFFE000  }
0x41: {  	[spmem:s1] =	stream.indirect.scatter.add.f32 [tilespmem:s19], [sflag:$0x8], $0x40, s30, s13, $0xb8;
	[tilespmem:$0x1C000] =	vst v63  }
0x42: {  	_ =	swait.ge [sflag:s29], $0x2000  }
0x43: {  	[sflag:s29] =	ssyncset.done $0x0  }
0x44: {  	s16 =	simm.s32 $0x800;
	s18 =	simm.s32 $0x380;
	[sflag:s29] =	ssyncadd.s32 $0xFFFFE000  }
.LBB2_2:
0x45: {  	[tilespmem:s19], [sflag:$0x4] =	stream.indirect.gather [hbm4b:s4+s13], $0x40, s18, s13, $0xb8;
	[tilespmem:$0x1C000] =	vst v63  }
0x46: {  	s18 =	smov.u32 s16  }
0x47: {  	p0 =	sne.s32 s16, $0x13000;
	s16 =	sadd.s32 $0x800, s16;
	_ =	swait.ge [sflag:s20], $0x2000  }
0x48: {  	s18 =	sshra.s32 s18, $0x2;
	[sflag:s20] =	ssyncset.done $0x0  }
0x49: {  	s30 =	sadd.s32 $0x5000, s18;
	[sflag:s20] =	ssyncadd.s32 $0xFFFFE000  }
0x4a: {  	[spmem:s1] =	stream.indirect.scatter.add.f32 [tilespmem:s14], [sflag:$0x5], $0x40, s30, s13, $0xb8;
	[tilespmem:$0x1C000] =	vst v63  }
0x4b: {  	_ =	swait.ge [sflag:s21], $0x2000  }
0x4c: {  	[sflag:s21] =	ssyncset.done $0x0  }
0x4d: {  	s30 =	sadd.s32 $0x200, s18;
	[sflag:s21] =	ssyncadd.s32 $0xFFFFE000  }
0x4e: {  	[tilespmem:s14], [sflag:$0x1] =	stream.indirect.gather [hbm4b:s4+s13], $0x40, s30, s13, $0xb8;
	[tilespmem:$0x1C000] =	vst v63  }
0x4f: {  	_ =	swait.ge [sflag:s22], $0x2000  }
0x50: {  	[sflag:s22] =	ssyncset.done $0x0  }
0x51: {  	s30 =	sadd.s32 $0x5080, s18;
	[sflag:s22] =	ssyncadd.s32 $0xFFFFE000  }
0x52: {  	[spmem:s1] =	stream.indirect.scatter.add.f32 [tilespmem:s15], [sflag:$0x6], $0x40, s30, s13, $0xb8;
	[tilespmem:$0x1C000] =	vst v63  }
0x53: {  	_ =	swait.ge [sflag:s23], $0x2000  }
0x54: {  	[sflag:s23] =	ssyncset.done $0x0  }
0x55: {  	s30 =	sadd.s32 $0x280, s18;
	[sflag:s23] =	ssyncadd.s32 $0xFFFFE000  }
0x56: {  	[tilespmem:s15], [sflag:$0x2] =	stream.indirect.gather [hbm4b:s4+s13], $0x40, s30, s13, $0xb8;
	[tilespmem:$0x1C000] =	vst v63  }
0x57: {  	_ =	swait.ge [sflag:s25], $0x2000  }
0x58: {  	[sflag:s25] =	ssyncset.done $0x0  }
0x59: {  	s30 =	sadd.s32 $0x5100, s18;
	[sflag:s25] =	ssyncadd.s32 $0xFFFFE000  }
0x5a: {  	[spmem:s1] =	stream.indirect.scatter.add.f32 [tilespmem:s17], [sflag:$0x7], $0x40, s30, s13, $0xb8;
	[tilespmem:$0x1C000] =	vst v63  }
0x5b: {  	_ =	swait.ge [sflag:s26], $0x2000  }
0x5c: {  	[sflag:s26] =	ssyncset.done $0x0  }
0x5d: {  	s30 =	sadd.s32 $0x300, s18;
	[sflag:s26] =	ssyncadd.s32 $0xFFFFE000  }
0x5e: {  	[tilespmem:s17], [sflag:$0x3] =	stream.indirect.gather [hbm4b:s4+s13], $0x40, s30, s13, $0xb8;
	[tilespmem:$0x1C000] =	vst v63  }
0x5f: {  	_ =	swait.ge [sflag:s28], $0x2000  }
0x60: {  	[sflag:s28] =	ssyncset.done $0x0  }
.Ltmp0:
0x61: {  	s30 =	sadd.s32 $0x5180, s18;
	[sflag:s28] =	ssyncadd.s32 $0xFFFFE000;
	(pc) =	sbr.rel @p0 .LBB2_2-.Ltmp0, $4  }
0x62: {  	[spmem:s1] =	stream.indirect.scatter.add.f32 [tilespmem:s19], [sflag:$0x8], $0x40, s30, s13, $0xb8;
	[tilespmem:$0x1C000] =	vst v63  }
0x63: {  	_ =	swait.ge [sflag:s29], $0x2000  }
0x64: {  	[sflag:s29] =	ssyncset.done $0x0  }
0x65: {  	s18 =	sadd.s32 $0x380, s18;
	[sflag:s29] =	ssyncadd.s32 $0xFFFFE000  }
0x66: {  	[tilespmem:s19], [sflag:$0x4] =	stream.indirect.gather [hbm4b:s4+s13], $0x40, s18, s13, $0xb8;
	[tilespmem:$0x1C000] =	vst v63  }
0x67: {  	_ =	swait.ge [sflag:s20], $0x2000  }
0x68: {  	[sflag:s20] =	ssyncset.done $0x0  }
0x69: {  	s16 =	simm.s32 $0x9E00;
	[sflag:s20] =	ssyncadd.s32 $0xFFFFE000  }
0x6a: {  	[spmem:s1] =	stream.indirect.scatter.add.f32 [tilespmem:s14], [sflag:$0x5], $0x40, s16, s13, $0xb8;
	[tilespmem:$0x1C000] =	vst v63  }
0x6b: {  	_ =	swait.ge [sflag:s22], $0x2000  }
0x6c: {  	[sflag:s22] =	ssyncset.done $0x0  }
0x6d: {  	[sflag:s22] =	ssyncadd.s32 $0xFFFFE000  }
0x6e: {  	[spmem:s1] =	stream.indirect.scatter.add.f32 [tilespmem:s15], [sflag:$0x6], $0x40, s31, s13, $0xb8;
	[tilespmem:$0x1C000] =	vst v63  }
0x6f: {  	_ =	swait.ge [sflag:s25], $0x2000  }
0x70: {  	[sflag:s25] =	ssyncset.done $0x0  }
0x71: {  	[sflag:s25] =	ssyncadd.s32 $0xFFFFE000  }
0x72: {  	[spmem:s1] =	stream.indirect.scatter.add.f32 [tilespmem:s17], [sflag:$0x7], $0x40, s0, s13, $0xb8;
	[tilespmem:$0x1C000] =	vst v63  }
0x73: {  	_ =	swait.ge [sflag:s28], $0x2000  }
0x74: {  	[sflag:s28] =	ssyncset.done $0x0  }
0x75: {  	[sflag:s28] =	ssyncadd.s32 $0xFFFFE000  }
0x76: {  	[spmem:s1] =	stream.indirect.scatter.add.f32 [tilespmem:s19], [sflag:$0x8], $0x40, s2, s13, $0xb8;
	[tilespmem:$0x1C000] =	vst v63  }
0x77: {  	_ =	swait.ge [sflag:s21], $0x2000  }
0x78: {  	[sflag:s21] =	ssyncset.done $0x0  }
0x79: {  	[sflag:s21] =	ssyncadd.s32 $0xFFFFE000  }
0x7a: {  	_ =	swait.ge [sflag:s23], $0x2000  }
0x7b: {  	[sflag:s23] =	ssyncset.done $0x0  }
0x7c: {  	[sflag:s23] =	ssyncadd.s32 $0xFFFFE000  }
0x7d: {  	_ =	swait.ge [sflag:s26], $0x2000  }
0x7e: {  	[sflag:s26] =	ssyncset.done $0x0  }
0x7f: {  	[sflag:s26] =	ssyncadd.s32 $0xFFFFE000  }
0x80: {  	_ =	swait.ge [sflag:s29], $0x2000  }
0x81: {  	s12 =	sadd.s32 $0x1, s12;
	[sflag:s29] =	ssyncset.done $0x0  }
0x82: {  	p0 =	sne.s32 s12, s8;
	[sflag:s29] =	ssyncadd.s32 $0xFFFFE000  }
.Ltmp1:
0x83: {  	[bflag:$0x0] =	sbarrier.arrive $0xFFFF;
	(pc) =	sbr.rel @p0 .LBB2_1-.Ltmp1, $4  }
0x84: {  	[hbm:s24], [sflag:s6] =	dma.local [spmem:s9], $0x1400  }
0x85: {  	_ =	swait.ge [sflag:s10], $0x1400  }
0x86: {  	[sflag:s10] =	ssyncset.done $0x0  }
0x87: {  	[sflag:s10] =	ssyncadd.s32 $0xFFFFEC00  }
0x88: {  	_ =	sfence.sel $0x180000  }
0x89: {  	[bflag:$0x0] =	sbarrier.arrive $0xFFFF  }
0x8a: {  	_ =	strace $0x9000004A  }
0x8b: {  	s0 =	stileid.u32;
	[bflag:$0x2] =	sbarrier.arrive $0xFFFF  }
0x8c: {  	p0 =	sne.s32 s0, $0x0;
	s0 =	rddreg [dreg:$0x2]  }
0x8d: {  	s0 =	sadd.s32 @!p0 $0x100000, s0  }
0x8e: {  	[sflag:s0] =	ssyncadd.tile.s32 @!p0 $0x1;
	_ =	shalt  }
.Lfunc_end2:
_tile_overlayer_lowered:
.L_overlay_start_2:
0x8f: {  	(tag) =	ssettag $0x2  }
0x90: {  	s0 =	rddreg [dreg:$0x0];
	s2 =	stileid.u32  }
0x91: {  	s1 =	rddreg [dreg:$0x1];
	p0 =	sne.s32 s2, $0x0  }
0x92: {  	s3 =	rddreg [dreg:$0x2];
	[bflag:$0x3] =	sbarrier.arrive $0xFFFF;
	s2 =	simm.s32 @!p0 $0x1C09  }
0x93: {  	[timem:s3], [sflag:s2] =	dma.local @!p0 [hbm:s0], s1  }
0x94: {  	s0 =	simm.s32 @!p0 $0x9  }
0x95: {  	_ =	swait.ge @!p0 [sflag:s0], s1  }
0x96: {  	s1 =	ssub.s32 @!p0 $0x0, s1;
	[sflag:s0] =	ssyncset.done @!p0 $0x0  }
0x97: {  	[sflag:s0] =	ssyncadd.s32 @!p0 s1  }
0x98: {  	[bflag:$0x3] =	sbarrier.arrive $0xFFFF  }
0x99: {  	_ =	shalt  }

// kernel: kernel.17.cloned.1.call-start
scs
__scs_entry_jumppad:
0x0: {  	(pc) =	sbr.rel $0x88, $3  }
0x1: {  	(tag) =	ssettag $0x0;
	lr =	simm.s32 $0x1  }
0x2: {  	[smem:$0x3F95] =	sst lr;
	_ =	strace $0xD0000000  }
0x3: {  	_ = 	snop  }
0x4: {  	_ = 	snop  }
0x5: {  	_ = 	snop  }
0x6: {  	_ = 	snop  }
0x7: {  	_ = 	snop  }
__scs_overlays_trampoline_lowered:
0x8: {  	[smem:$0x3FA4] =	sst s0  }
0x9: {  	[smem:$0x3FA5] =	sst s1  }
0xa: {  	[smem:$0x3FA6] =	sst s2  }
0xb: {  	[smem:$0x3FA7] =	sst s3  }
0xc: {  	[smem:$0x3FA8] =	sst s4  }
0xd: {  	[smem:$0x3FA9] =	sst s5  }
0xe: {  	[smem:$0x3FAA] =	sst s6  }
0xf: {  	[smem:$0x3FAB] =	sst s7  }
0x10: {  	[smem:$0x3FAC] =	sst s8  }
0x11: {  	[smem:$0x3FAD] =	sst s9;
	s0 =	simm.s32 @!p0 $0x0  }
0x12: {  	s1 =	sld [smem:$0x3F93];
	s0 =	simm.s32 @p0 $0x1  }
0x13: {  	[smem:$0x3FAE] =	sst s0;
	s0 =	simm.s32 @!p1 $0x0  }
0x14: {  	s2 =	sld [smem:$0x3F92];
	s0 =	simm.s32 @p1 $0x1  }
0x15: {  	[smem:$0x3FAF] =	sst s0;
	s0 =	simm.s32 @!p2 $0x0  }
0x16: {  	s3 =	sld [smem:$0x3FDB];
	s0 =	simm.s32 @p2 $0x1  }
0x17: {  	s4 =	simm.s32 $0x1BF5;
	[smem:$0x3FB1] =	sst s0  }
0x18: {  	s0 =	sld [smem:$0x3F94];
	_ =	swait.ge [sflag:s4], $0x0  }
0x19: {  	s7 =	sld [smem:$0x3F95]  }
0x1a: {  	s8 =	sadd.s32 $0xFFFFE003, lr  }
0x1b: {  	s9 =	sadd.s32 $0xFFFFFEF7, lr;
	s5 =	simm.s32 $0xFFFFFFFF;
	p2 =	slt.u32 s8, $0xFFFFF086  }
0x1c: {  	p1 =	slt.u32 s9, $0xF7A;
	s5 =	simm.s32 @!p2 $0x0  }
0x1d: {  	s5 =	simm.s32 @p1 $0x1;
	p0 =	seq.s32 s7, s2  }
0x1e: {  	s7 =	smul.u32 @!p0 $0xF7A, s2;
	p2 =	seq.s32 @!p0 s5, $0x0  }
0x1f: {  	s9 =	smul.u32 $0xF7A, s1;
	s8 =	simm.s32 @!p0 $0x1BF5;
	p2 =	por !p2, p0  }
0x20: {  	[sflag:s8] =	ssyncset.s32 @!p0 $0xFFFFF086;
	s6 =	sadd.s32 @!p0 s3, s7;
	s7 =	simm.s32 @!p0 $0x108  }
0x21: {  	s3 =	sadd.s32 s3, s9;
	s6 =	sadd.s32 @!p0 $0x88, s6;
	s7 =	simm.s32 @p2 $0x1082  }
0x22: {  	[simem:s7], [sflag:s8] =	dma.local @!p0 [hbm:s6], $0xF7A  }
0x23: {  	s9 =	sor.u32 $0xD0000000, s2;
	s6 =	simm.s32 $0x108;
	_ =	swait.ge @!p0 [sflag:s8], $0x0  }
0x24: {  	s3 =	sadd.s32 $0x88, s3;
	s6 =	simm.s32 @!p1 $0x1082;
	[sflag:s4] =	ssyncset.s32 $0xFFFFF086  }
0x25: {  	[simem:s6], [sflag:s4] =	dma.local [hbm:s3], $0xF7A  }
0x26: {  	[smem:$0x3F95] =	sst s1;
	(tag) =	ssettag s2;
	_ =	strace s9  }
0x27: {  	s1 =	sld [smem:$0x3FA5]  }
0x28: {  	s2 =	sld [smem:$0x3FA6]  }
0x29: {  	s4 =	sld [smem:$0x3FA8]  }
0x2a: {  	p0 =	seq.s32 s5, $0x0;
	s5 =	sld [smem:$0x3FA9]  }
0x2b: {  	s6 =	sld [smem:$0x3FAA]  }
0x2c: {  	s7 =	sld [smem:$0x3FAB]  }
0x2d: {  	s3 =	simm.s32 $0x108;
	s8 =	sld [smem:$0x3FAC]  }
0x2e: {  	s3 =	simm.s32 @!p0 $0x1082;
	s9 =	sld [smem:$0x3FAD]  }
0x2f: {  	lr =	sadd.s32 s0, s3;
	s0 =	sld [smem:$0x3FA4]  }
0x30: {  	s3 =	sld [smem:$0x3FA7]  }
0x31: {  	[smem:$0x3FB0] =	sst s10  }
0x32: {  	s10 =	sld [smem:$0x3FAE];
	_ =	sdelay $0x3  }
0x33: {  	p0 =	seq.s32 s10, $0x1;
	s10 =	sld [smem:$0x3FB0];
	_ =	sdelay $0x3  }
0x34: {  	[smem:$0x3FB0] =	sst s10  }
0x35: {  	s10 =	sld [smem:$0x3FAF];
	_ =	sdelay $0x3  }
0x36: {  	p1 =	seq.s32 s10, $0x1;
	s10 =	sld [smem:$0x3FB0];
	_ =	sdelay $0x3  }
0x37: {  	[smem:$0x3FB0] =	sst s10  }
0x38: {  	s10 =	sld [smem:$0x3FB1]  }
0x39: {  	_ = 	snop;
	(pc) =	sbr.ind lr, $3  }
0x3a: {  	_ = 	snop  }
0x3b: {  	_ = 	snop  }
0x3c: {  	p2 =	seq.s32 s10, $0x1;
	s10 =	sld [smem:$0x3FB0]  }
0x3d: {  	_ =	shalt  }
0x3e: {  	_ =	shalt  }
0x3f: {  	_ =	shalt  }
0x40: {  	_ =	shalt  }
0x41: {  	_ =	shalt  }
0x42: {  	_ =	shalt  }
0x43: {  	_ =	shalt  }
0x44: {  	_ =	shalt  }
0x45: {  	_ =	shalt  }
0x46: {  	_ =	shalt  }
0x47: {  	_ =	shalt  }
0x48: {  	_ =	shalt  }
0x49: {  	_ =	shalt  }
0x4a: {  	_ =	shalt  }
0x4b: {  	_ =	shalt  }
0x4c: {  	_ =	shalt  }
0x4d: {  	_ =	shalt  }
0x4e: {  	_ =	shalt  }
0x4f: {  	_ =	shalt  }
0x50: {  	_ =	shalt  }
0x51: {  	_ =	shalt  }
0x52: {  	_ =	shalt  }
0x53: {  	_ =	shalt  }
0x54: {  	_ =	shalt  }
0x55: {  	_ =	shalt  }
0x56: {  	_ =	shalt  }
0x57: {  	_ =	shalt  }
0x58: {  	_ =	shalt  }
0x59: {  	_ =	shalt  }
0x5a: {  	_ =	shalt  }
0x5b: {  	_ =	shalt  }
0x5c: {  	_ =	shalt  }
0x5d: {  	_ =	shalt  }
0x5e: {  	_ =	shalt  }
0x5f: {  	_ =	shalt  }
0x60: {  	_ =	shalt  }
0x61: {  	_ =	shalt  }
0x62: {  	_ =	shalt  }
0x63: {  	_ =	shalt  }
0x64: {  	_ =	shalt  }
0x65: {  	_ =	shalt  }
0x66: {  	_ =	shalt  }
0x67: {  	_ =	shalt  }
0x68: {  	_ =	shalt  }
0x69: {  	_ =	shalt  }
0x6a: {  	_ =	shalt  }
0x6b: {  	_ =	shalt  }
0x6c: {  	_ =	shalt  }
0x6d: {  	_ =	shalt  }
0x6e: {  	_ =	shalt  }
0x6f: {  	_ =	shalt  }
0x70: {  	_ =	shalt  }
0x71: {  	_ =	shalt  }
0x72: {  	_ =	shalt  }
0x73: {  	_ =	shalt  }
0x74: {  	_ =	shalt  }
0x75: {  	_ =	shalt  }
0x76: {  	_ =	shalt  }
0x77: {  	_ =	shalt  }
0x78: {  	_ =	shalt  }
0x79: {  	_ =	shalt  }
0x7a: {  	_ =	shalt  }
0x7b: {  	_ =	shalt  }
0x7c: {  	_ =	shalt  }
0x7d: {  	_ =	shalt  }
0x7e: {  	_ =	shalt  }
0x7f: {  	_ =	shalt  }
0x80: {  	_ =	shalt  }
0x81: {  	_ =	shalt  }
0x82: {  	_ =	shalt  }
0x83: {  	_ =	shalt  }
0x84: {  	_ =	shalt  }
0x85: {  	_ =	shalt  }
0x86: {  	_ =	shalt  }
0x87: {  	_ =	shalt  }
.Lfunc_end0:
.L_simem_size_0:
called_computation.2_lowered:
.L_overlay_start_0:
0x88: {  	s2 =	sld [smem:$0x3FD9]  }
0x89: {  	s3 =	sld [smem:$0x3FFE];
	_ =	sdelay $0x1  }
0x8a: {  	s1 =	srdreg.scid  }
0x8b: {  	s0 =	sand.u32 $0x1, s1  }
0x8c: {  	s16 =	sshll.u32 s0, $0xA;
	s2 =	sadd.s32 s3, s2  }
0x8d: {  	s2 =	sadd.s32 s2, s16  }
0x8e: {  	[smem:$0x3FBC] =	sst s2  }
0x8f: {  	_ = 	snop  }
0x90: {  	(tm) =	ssettm $0x1  }
0x91: {  	s17 =	sld [smem:$0x3FFB];
	_ =	sdelay $0x3  }
0x92: {  	_ =	strace s17  }
0x93: {  	s2 =	sld [smem:$0x3FFC];
	_ =	sdelay $0x3  }
0x94: {  	_ =	strace s2  }
0x95: {  	s2 =	sld [smem:$0x3FFD];
	_ =	sdelay $0x3  }
0x96: {  	_ =	strace s2  }
0x97: {  	_ =	strace $0x8FFFFFFF  }
0x98: {  	s18 =	sld [smem:$0x3FDB];
	_ =	sdelay $0x1  }
0x99: {  	s19 =	simm.s32 $_scs_section_size  }
0x9a: {  	s4 =	simm.s32 $_size__tile_overlayer_lowered;
	s5 =	simm.s32 $_tile_overlayer_lowered  }
0x9b: {  	s22 =	simm.s32 $0x1BFF;
	s21 =	sshll.u32 s5, $0x1;
	s2 =	sadd.s32 s19, s18  }
0x9c: {  	s6 =	simm.s32 $0x0;
	s20 =	sshll.u32 s4, $0x1;
	s4 =	sadd.s32 s21, s2  }
0x9d: {  	[timem:s6], [sflag:s22] =	dma.local [hbm:s4], s20  }
0x9e: {  	_ =	swait.ge [sflag:s22], s20  }
0x9f: {  	s3 =	ssub.s32 $0x0, s20;
	[sflag:s22] =	ssyncset.done $0x0  }
0xa0: {  	[sflag:s22] =	ssyncadd.s32 s3;
	_ =	sdelay $0x1  }
0xa1: {  	s23 =	simm.s32 $0x1B8B  }
0xa2: {  	_ =	swait.ge [sflag:s23], $0x1  }
0xa3: {  	[sflag:s23] =	ssyncset.done $0x0  }
0xa4: {  	s25 =	simm.s32 $0x1B8E;
	s24 =	sld [smem:$0x3FFE];
	[sflag:s23] =	ssyncadd.s32 $0xFFFFFFFF  }
0xa5: {  	s26 =	simm.s32 $execute0_lowered;
	[smem:$0x3FD2] =	sst s25  }
0xa6: {  	s4 =	sshll.u32 s26, $0x1;
	_ =	strace $0x8000004C;
	[dreg:$0x1] =	wrdreg $0xFFFFFFFF  }
0xa7: {  	s28 =	simm.s32 $_size_execute0_lowered;
	s2 =	sadd.s32 s2, s4;
	[dreg:$0x0] =	wrdreg $0x0  }
0xa8: {  	s4 =	sshll.u32 s28, $0x1;
	[dreg:$0x2] =	wrdreg s2  }
0xa9: {  	[dreg:$0x3] =	wrdreg s4  }
0xaa: {  	[dreg:$0x4] =	wrdreg $0xC0  }
0xab: {  	_ =	task [dreg:s6], $0x5FFFF  }
0xac: {  	[dreg:$0x1] =	wrdreg $0xFFFFFFFF  }
0xad: {  	[dreg:$0x0] =	wrdreg $0x60  }
0xae: {  	[dreg:$0x2] =	wrdreg s24  }
0xaf: {  	[dreg:$0x3] =	wrdreg $0x120000  }
0xb0: {  	[dreg:$0x4] =	wrdreg $0x9  }
0xb1: {  	_ =	task.clear_ibuf [dreg:s6], $0x5FFFF;
	_ =	strace $0x9000004C  }
0xb2: {  	s29 =	simm.s32 $0x9;
	_ =	strace $0x8000004E  }
0xb3: {  	_ =	swait.ge [sflag:s29], $0x1  }
0xb4: {  	[sflag:s29] =	ssyncadd.s32 $0xFFFFFFFF  }
0xb5: {  	_ =	strace $0x9000004E  }
0xb6: {  	_ =	sfence  }
0xb7: {  	s30 =	sld [smem:$0x0];
	_ =	sdelay $0x2  }
0xb8: {  	s31 =	sshll.u32 s1, $0xD;
	s1 =	sshrl.u32 s1, $0x2  }
0xb9: {  	s3 =	sand.u32 $0x4000, s31;
	s1 =	sadd.s32 s1, s30  }
0xba: {  	s0 =	sor.u32 s3, s0;
	s1 =	sshll.u32 s1, $0x11  }
0xbb: {  	s0 =	sor.u32 s1, s0  }
0xbc: {  	s0 =	sadd.s32 $0x8F2B, s0  }
0xbd: {  	[sflag:s0] =	ssyncadd.remote.s32 $0x1  }
0xbe: {  	_ =	sfence.sel $0xFFFF  }
0xbf: {  	[dreg:$0x0] =	wrdreg $0xFFFFFFFF;
	(pc) =	sbr.abs _section_cstart, $3  }
0xc0: {  	[dreg:$0x1] =	wrdreg $0xFFFFFFFF  }
0xc1: {  	_ =	task.clear_ibuf [dreg:s6], $0x2FFFF;
	_ =	strace $0x9FFFFFFF  }
0xc2: {  	(tm) =	ssettm $0x7FFFFFFF  }
0xc3: {  	_ =	shalt  }
tec
execute0_lowered:
.L_overlay_start_1:
0x0: {  	(tag) =	ssettag $0x1  }
0x1: {  	s0 =	rddreg [dreg:$0x0]  }
0x2: {  	s1 =	rddreg [dreg:$0x1];
	s2 =	srdreg.scid;
	s3 =	simm.s32 $0x0  }
0x3: {  	s10 =	stileid.u32;
	s14 =	simm.s32 $0xA000;
	s15 =	simm.s32 $0xC000  }
0x4: {  	s17 =	simm.s32 $0xE000;
	s19 =	simm.s32 $0x10000;
	s20 =	simm.s32 $0x1  }
0x5: {  	s21 =	simm.s32 $0x5;
	s22 =	simm.s32 $0x2;
	s23 =	simm.s32 $0x6  }
0x6: {  	s25 =	simm.s32 $0x3;
	s26 =	simm.s32 $0x7;
	s28 =	simm.s32 $0x4  }
0x7: {  	s29 =	simm.s32 $0x8;
	s31 =	simm.s32 $0x9E80;
	s11 =	smul.u32 $0xA00, s10  }
0x8: {  	s2 =	sand.u32 $0x1, s2;
	[smem:$0x7FF] =	sst s3;
	s9 =	smul.u32 $0xA000, s10  }
0x9: {  	s4 =	sadd.s32 $0xFE00, s0;
	s10 =	sshll.u32 s10, $0x6;
	s5 =	smul.u32 $0xA000, s2  }
0xa: {  	_ =	strace $0x8000004D;
	s6 =	smul.u32 $0x14000, s2;
	s2 =	ssub.s32 $0x2, s2  }
0xb: {  	s8 =	sadd.s32 s11, s0;
	s30 =	sshrl.u32 s2, $0x1;
	s12 =	sadd.s32 s9, s1  }
0xc: {  	s16 =	sshrl.u32 s9, $0x3;
	s7 =	sadd.s32 s5, s0;
	s5 =	sadd.s32 $0xEA00, s0  }
0xd: {  	s0 =	sadd.s32 s6, s0;
	s2 =	ssub.s32 s2, s30;
	s6 =	sor.u32 $0x1C09, s10  }
0xe: {  	s9 =	sshrl.u32 s12, $0x3;
	s10 =	simm.s32 $0x9;
	s12 =	simm.s32 $0x0  }
0xf: {  	s13 =	sadd.s32 $0x7D000, s7;
	s7 =	sadd.s32 $0x4A00, s8;
	s0 =	sadd.s32 $0x37E00, s0  }
0x10: {  	s8 =	smax.u32 s2, $0x1;
	s2 =	simm.s32 $0x9F80;
	s11 =	sadd.s32 s11, s13  }
0x11: {  	s13 =	simm.s32 $0x80;
	s24 =	sadd.s32 s16, s0;
	s0 =	simm.s32 $0x9F00  }
.LBB2_1:
0x12: {  	[spmem:s9], [sflag:s6] =	dma.local [hbm:s5], $0x1400  }
0x13: {  	_ =	swait.ge [sflag:s10], $0x1400  }
0x14: {  	[sflag:s10] =	ssyncset.done $0x0  }
0x15: {  	[sflag:s10] =	ssyncadd.s32 $0xFFFFEC00  }
0x16: {  	[tilespmem:s3], [sflag:$0x9] =	stream.linear.gather [hbm4b:s11+s3], $0x5000, $0x38;
	[tilespmem:$0x1C000] =	vst v63  }
0x17: {  	_ =	swait.ge [sflag:s10], $0x5000  }
0x18: {  	[sflag:s10] =	ssyncset.done $0x0  }
0x19: {  	s16 =	simm.s32 $0x5000;
	[sflag:s10] =	ssyncadd.s32 $0xFFFFB000  }
0x1a: {  	[tilespmem:s16], [sflag:$0x9] =	stream.linear.gather [hbm4b:s7+s3], $0x5000, $0x38;
	[tilespmem:$0x1C000] =	vst v63  }
0x1b: {  	_ =	swait.ge [sflag:s10], $0x5000  }
0x1c: {  	[sflag:s10] =	ssyncset.done $0x0  }
0x1d: {  	[sflag:s10] =	ssyncadd.s32 $0xFFFFB000  }
0x1e: {  	[bflag:$0x0] =	sbarrier.arrive $0xFFFF  }
0x1f: {  	[tilespmem:s14], [sflag:$0x1] =	stream.indirect.gather [hbm4b:s4+s13], $0x40, s3, s13, $0xb8;
	[tilespmem:$0x1C000] =	vst v63  }
0x20: {  	_ = 	snop  }
0x21: {  	[tilespmem:s15], [sflag:$0x2] =	stream.indirect.gather [hbm4b:s4+s13], $0x40, s13, s13, $0xb8;
	[tilespmem:$0x1C000] =	vst v63  }
0x22: {  	s30 =	simm.s32 $0x100  }
0x23: {  	[tilespmem:s17], [sflag:$0x3] =	stream.indirect.gather [hbm4b:s4+s13], $0x40, s30, s13, $0xb8;
	[tilespmem:$0x1C000] =	vst v63  }
0x24: {  	s18 =	simm.s32 $0x180  }
0x25: {  	[tilespmem:s19], [sflag:$0x4] =	stream.indirect.gather [hbm4b:s4+s13], $0x40, s18, s13, $0xb8;
	[tilespmem:$0x1C000] =	vst v63  }
0x26: {  	_ =	swait.ge [sflag:s20], $0x2000  }
0x27: {  	[sflag:s20] =	ssyncset.done $0x0  }
0x28: {  	s30 =	simm.s32 $0x5000;
	[sflag:s20] =	ssyncadd.s32 $0xFFFFE000  }
0x29: {  	[spmem:s1] =	stream.indirect.scatter.add.f32 [tilespmem:s14], [sflag:$0x5], $0x40, s30, s13, $0xb8;
	[tilespmem:$0x1C000] =	vst v63  }
0x2a: {  	_ =	swait.ge [sflag:s21], $0x2000  }
0x2b: {  	[sflag:s21] =	ssyncset.done $0x0  }
0x2c: {  	s18 =	simm.s32 $0x200;
	[sflag:s21] =	ssyncadd.s32 $0xFFFFE000  }
0x2d: {  	[tilespmem:s14], [sflag:$0x1] =	stream.indirect.gather [hbm4b:s4+s13], $0x40, s18, s13, $0xb8;
	[tilespmem:$0x1C000] =	vst v63  }
0x2e: {  	_ =	swait.ge [sflag:s22], $0x2000  }
0x2f: {  	[sflag:s22] =	ssyncset.done $0x0  }
0x30: {  	s30 =	simm.s32 $0x5080;
	[sflag:s22] =	ssyncadd.s32 $0xFFFFE000  }
0x31: {  	[spmem:s1] =	stream.indirect.scatter.add.f32 [tilespmem:s15], [sflag:$0x6], $0x40, s30, s13, $0xb8;
	[tilespmem:$0x1C000] =	vst v63  }
0x32: {  	_ =	swait.ge [sflag:s23], $0x2000  }
0x33: {  	[sflag:s23] =	ssyncset.done $0x0  }
0x34: {  	s18 =	simm.s32 $0x280;
	[sflag:s23] =	ssyncadd.s32 $0xFFFFE000  }
0x35: {  	[tilespmem:s15], [sflag:$0x2] =	stream.indirect.gather [hbm4b:s4+s13], $0x40, s18, s13, $0xb8;
	[tilespmem:$0x1C000] =	vst v63  }
0x36: {  	_ =	swait.ge [sflag:s25], $0x2000  }
0x37: {  	[sflag:s25] =	ssyncset.done $0x0  }
0x38: {  	s30 =	simm.s32 $0x5100;
	[sflag:s25] =	ssyncadd.s32 $0xFFFFE000  }
0x39: {  	[spmem:s1] =	stream.indirect.scatter.add.f32 [tilespmem:s17], [sflag:$0x7], $0x40, s30, s13, $0xb8;
	[tilespmem:$0x1C000] =	vst v63  }
0x3a: {  	_ =	swait.ge [sflag:s26], $0x2000  }
0x3b: {  	[sflag:s26] =	ssyncset.done $0x0  }
0x3c: {  	s18 =	simm.s32 $0x300;
	[sflag:s26] =	ssyncadd.s32 $0xFFFFE000  }
0x3d: {  	[tilespmem:s17], [sflag:$0x3] =	stream.indirect.gather [hbm4b:s4+s13], $0x40, s18, s13, $0xb8;
	[tilespmem:$0x1C000] =	vst v63  }
0x3e: {  	_ =	swait.ge [sflag:s28], $0x2000  }
0x3f: {  	[sflag:s28] =	ssyncset.done $0x0  }
0x40: {  	s30 =	simm.s32 $0x5180;
	[sflag:s28] =	ssyncadd.s32 $0xFFFFE000  }
0x41: {  	[spmem:s1] =	stream.indirect.scatter.add.f32 [tilespmem:s19], [sflag:$0x8], $0x40, s30, s13, $0xb8;
	[tilespmem:$0x1C000] =	vst v63  }
0x42: {  	_ =	swait.ge [sflag:s29], $0x2000  }
0x43: {  	[sflag:s29] =	ssyncset.done $0x0  }
0x44: {  	s16 =	simm.s32 $0x800;
	s18 =	simm.s32 $0x380;
	[sflag:s29] =	ssyncadd.s32 $0xFFFFE000  }
.LBB2_2:
0x45: {  	[tilespmem:s19], [sflag:$0x4] =	stream.indirect.gather [hbm4b:s4+s13], $0x40, s18, s13, $0xb8;
	[tilespmem:$0x1C000] =	vst v63  }
0x46: {  	s18 =	smov.u32 s16  }
0x47: {  	p0 =	sne.s32 s16, $0x13000;
	s16 =	sadd.s32 $0x800, s16;
	_ =	swait.ge [sflag:s20], $0x2000  }
0x48: {  	s18 =	sshra.s32 s18, $0x2;
	[sflag:s20] =	ssyncset.done $0x0  }
0x49: {  	s30 =	sadd.s32 $0x5000, s18;
	[sflag:s20] =	ssyncadd.s32 $0xFFFFE000  }
0x4a: {  	[spmem:s1] =	stream.indirect.scatter.add.f32 [tilespmem:s14], [sflag:$0x5], $0x40, s30, s13, $0xb8;
	[tilespmem:$0x1C000] =	vst v63  }
0x4b: {  	_ =	swait.ge [sflag:s21], $0x2000  }
0x4c: {  	[sflag:s21] =	ssyncset.done $0x0  }
0x4d: {  	s30 =	sadd.s32 $0x200, s18;
	[sflag:s21] =	ssyncadd.s32 $0xFFFFE000  }
0x4e: {  	[tilespmem:s14], [sflag:$0x1] =	stream.indirect.gather [hbm4b:s4+s13], $0x40, s30, s13, $0xb8;
	[tilespmem:$0x1C000] =	vst v63  }
0x4f: {  	_ =	swait.ge [sflag:s22], $0x2000  }
0x50: {  	[sflag:s22] =	ssyncset.done $0x0  }
0x51: {  	s30 =	sadd.s32 $0x5080, s18;
	[sflag:s22] =	ssyncadd.s32 $0xFFFFE000  }
0x52: {  	[spmem:s1] =	stream.indirect.scatter.add.f32 [tilespmem:s15], [sflag:$0x6], $0x40, s30, s13, $0xb8;
	[tilespmem:$0x1C000] =	vst v63  }
0x53: {  	_ =	swait.ge [sflag:s23], $0x2000  }
0x54: {  	[sflag:s23] =	ssyncset.done $0x0  }
0x55: {  	s30 =	sadd.s32 $0x280, s18;
	[sflag:s23] =	ssyncadd.s32 $0xFFFFE000  }
0x56: {  	[tilespmem:s15], [sflag:$0x2] =	stream.indirect.gather [hbm4b:s4+s13], $0x40, s30, s13, $0xb8;
	[tilespmem:$0x1C000] =	vst v63  }
0x57: {  	_ =	swait.ge [sflag:s25], $0x2000  }
0x58: {  	[sflag:s25] =	ssyncset.done $0x0  }
0x59: {  	s30 =	sadd.s32 $0x5100, s18;
	[sflag:s25] =	ssyncadd.s32 $0xFFFFE000  }
0x5a: {  	[spmem:s1] =	stream.indirect.scatter.add.f32 [tilespmem:s17], [sflag:$0x7], $0x40, s30, s13, $0xb8;
	[tilespmem:$0x1C000] =	vst v63  }
0x5b: {  	_ =	swait.ge [sflag:s26], $0x2000  }
0x5c: {  	[sflag:s26] =	ssyncset.done $0x0  }
0x5d: {  	s30 =	sadd.s32 $0x300, s18;
	[sflag:s26] =	ssyncadd.s32 $0xFFFFE000  }
0x5e: {  	[tilespmem:s17], [sflag:$0x3] =	stream.indirect.gather [hbm4b:s4+s13], $0x40, s30, s13, $0xb8;
	[tilespmem:$0x1C000] =	vst v63  }
0x5f: {  	_ =	swait.ge [sflag:s28], $0x2000  }
0x60: {  	[sflag:s28] =	ssyncset.done $0x0  }
.Ltmp0:
0x61: {  	s30 =	sadd.s32 $0x5180, s18;
	[sflag:s28] =	ssyncadd.s32 $0xFFFFE000;
	(pc) =	sbr.rel @p0 .LBB2_2-.Ltmp0, $4  }
0x62: {  	[spmem:s1] =	stream.indirect.scatter.add.f32 [tilespmem:s19], [sflag:$0x8], $0x40, s30, s13, $0xb8;
	[tilespmem:$0x1C000] =	vst v63  }
0x63: {  	_ =	swait.ge [sflag:s29], $0x2000  }
0x64: {  	[sflag:s29] =	ssyncset.done $0x0  }
0x65: {  	s18 =	sadd.s32 $0x380, s18;
	[sflag:s29] =	ssyncadd.s32 $0xFFFFE000  }
0x66: {  	[tilespmem:s19], [sflag:$0x4] =	stream.indirect.gather [hbm4b:s4+s13], $0x40, s18, s13, $0xb8;
	[tilespmem:$0x1C000] =	vst v63  }
0x67: {  	_ =	swait.ge [sflag:s20], $0x2000  }
0x68: {  	[sflag:s20] =	ssyncset.done $0x0  }
0x69: {  	s16 =	simm.s32 $0x9E00;
	[sflag:s20] =	ssyncadd.s32 $0xFFFFE000  }
0x6a: {  	[spmem:s1] =	stream.indirect.scatter.add.f32 [tilespmem:s14], [sflag:$0x5], $0x40, s16, s13, $0xb8;
	[tilespmem:$0x1C000] =	vst v63  }
0x6b: {  	_ =	swait.ge [sflag:s22], $0x2000  }
0x6c: {  	[sflag:s22] =	ssyncset.done $0x0  }
0x6d: {  	[sflag:s22] =	ssyncadd.s32 $0xFFFFE000  }
0x6e: {  	[spmem:s1] =	stream.indirect.scatter.add.f32 [tilespmem:s15], [sflag:$0x6], $0x40, s31, s13, $0xb8;
	[tilespmem:$0x1C000] =	vst v63  }
0x6f: {  	_ =	swait.ge [sflag:s25], $0x2000  }
0x70: {  	[sflag:s25] =	ssyncset.done $0x0  }
0x71: {  	[sflag:s25] =	ssyncadd.s32 $0xFFFFE000  }
0x72: {  	[spmem:s1] =	stream.indirect.scatter.add.f32 [tilespmem:s17], [sflag:$0x7], $0x40, s0, s13, $0xb8;
	[tilespmem:$0x1C000] =	vst v63  }
0x73: {  	_ =	swait.ge [sflag:s28], $0x2000  }
0x74: {  	[sflag:s28] =	ssyncset.done $0x0  }
0x75: {  	[sflag:s28] =	ssyncadd.s32 $0xFFFFE000  }
0x76: {  	[spmem:s1] =	stream.indirect.scatter.add.f32 [tilespmem:s19], [sflag:$0x8], $0x40, s2, s13, $0xb8;
	[tilespmem:$0x1C000] =	vst v63  }
0x77: {  	_ =	swait.ge [sflag:s21], $0x2000  }
0x78: {  	[sflag:s21] =	ssyncset.done $0x0  }
0x79: {  	[sflag:s21] =	ssyncadd.s32 $0xFFFFE000  }
0x7a: {  	_ =	swait.ge [sflag:s23], $0x2000  }
0x7b: {  	[sflag:s23] =	ssyncset.done $0x0  }
0x7c: {  	[sflag:s23] =	ssyncadd.s32 $0xFFFFE000  }
0x7d: {  	_ =	swait.ge [sflag:s26], $0x2000  }
0x7e: {  	[sflag:s26] =	ssyncset.done $0x0  }
0x7f: {  	[sflag:s26] =	ssyncadd.s32 $0xFFFFE000  }
0x80: {  	_ =	swait.ge [sflag:s29], $0x2000  }
0x81: {  	s12 =	sadd.s32 $0x1, s12;
	[sflag:s29] =	ssyncset.done $0x0  }
0x82: {  	p0 =	sne.s32 s12, s8;
	[sflag:s29] =	ssyncadd.s32 $0xFFFFE000  }
.Ltmp1:
0x83: {  	[bflag:$0x0] =	sbarrier.arrive $0xFFFF;
	(pc) =	sbr.rel @p0 .LBB2_1-.Ltmp1, $4  }
0x84: {  	[hbm:s24], [sflag:s6] =	dma.local [spmem:s9], $0x1400  }
0x85: {  	_ =	swait.ge [sflag:s10], $0x1400  }
0x86: {  	[sflag:s10] =	ssyncset.done $0x0  }
0x87: {  	[sflag:s10] =	ssyncadd.s32 $0xFFFFEC00  }
0x88: {  	_ =	sfence.sel $0x180000  }
0x89: {  	[bflag:$0x0] =	sbarrier.arrive $0xFFFF  }
0x8a: {  	_ =	strace $0x9000004D  }
0x8b: {  	s0 =	stileid.u32;
	[bflag:$0x2] =	sbarrier.arrive $0xFFFF  }
0x8c: {  	p0 =	sne.s32 s0, $0x0;
	s0 =	rddreg [dreg:$0x2]  }
0x8d: {  	s0 =	sadd.s32 @!p0 $0x100000, s0  }
0x8e: {  	[sflag:s0] =	ssyncadd.tile.s32 @!p0 $0x1;
	_ =	shalt  }
.Lfunc_end2:
_tile_overlayer_lowered:
.L_overlay_start_2:
0x8f: {  	(tag) =	ssettag $0x2  }
0x90: {  	s0 =	rddreg [dreg:$0x0];
	s2 =	stileid.u32  }
0x91: {  	s1 =	rddreg [dreg:$0x1];
	p0 =	sne.s32 s2, $0x0  }
0x92: {  	s3 =	rddreg [dreg:$0x2];
	[bflag:$0x3] =	sbarrier.arrive $0xFFFF;
	s2 =	simm.s32 @!p0 $0x1C09  }
0x93: {  	[timem:s3], [sflag:s2] =	dma.local @!p0 [hbm:s0], s1  }
0x94: {  	s0 =	simm.s32 @!p0 $0x9  }
0x95: {  	_ =	swait.ge @!p0 [sflag:s0], s1  }
0x96: {  	s1 =	ssub.s32 @!p0 $0x0, s1;
	[sflag:s0] =	ssyncset.done @!p0 $0x0  }
0x97: {  	[sflag:s0] =	ssyncadd.s32 @!p0 s1  }
0x98: {  	[bflag:$0x3] =	sbarrier.arrive $0xFFFF  }
0x99: {  	_ =	shalt  }

// kernel: kernel.20.cloned.1.call-start
scs
__scs_entry_jumppad:
0x0: {  	(pc) =	sbr.rel $0x88, $3  }
0x1: {  	(tag) =	ssettag $0x0;
	lr =	simm.s32 $0x1  }
0x2: {  	[smem:$0x3F95] =	sst lr;
	_ =	strace $0xD0000000  }
0x3: {  	_ = 	snop  }
0x4: {  	_ = 	snop  }
0x5: {  	_ = 	snop  }
0x6: {  	_ = 	snop  }
0x7: {  	_ = 	snop  }
__scs_overlays_trampoline_lowered:
0x8: {  	[smem:$0x3FA4] =	sst s0  }
0x9: {  	[smem:$0x3FA5] =	sst s1  }
0xa: {  	[smem:$0x3FA6] =	sst s2  }
0xb: {  	[smem:$0x3FA7] =	sst s3  }
0xc: {  	[smem:$0x3FA8] =	sst s4  }
0xd: {  	[smem:$0x3FA9] =	sst s5  }
0xe: {  	[smem:$0x3FAA] =	sst s6  }
0xf: {  	[smem:$0x3FAB] =	sst s7  }
0x10: {  	[smem:$0x3FAC] =	sst s8  }
0x11: {  	[smem:$0x3FAD] =	sst s9;
	s0 =	simm.s32 @!p0 $0x0  }
0x12: {  	s1 =	sld [smem:$0x3F93];
	s0 =	simm.s32 @p0 $0x1  }
0x13: {  	[smem:$0x3FAE] =	sst s0;
	s0 =	simm.s32 @!p1 $0x0  }
0x14: {  	s2 =	sld [smem:$0x3F92];
	s0 =	simm.s32 @p1 $0x1  }
0x15: {  	[smem:$0x3FAF] =	sst s0;
	s0 =	simm.s32 @!p2 $0x0  }
0x16: {  	s3 =	sld [smem:$0x3FDB];
	s0 =	simm.s32 @p2 $0x1  }
0x17: {  	s4 =	simm.s32 $0x1BF5;
	[smem:$0x3FB1] =	sst s0  }
0x18: {  	s0 =	sld [smem:$0x3F94];
	_ =	swait.ge [sflag:s4], $0x0  }
0x19: {  	s7 =	sld [smem:$0x3F95]  }
0x1a: {  	s8 =	sadd.s32 $0xFFFFE003, lr  }
0x1b: {  	s9 =	sadd.s32 $0xFFFFFEF7, lr;
	s5 =	simm.s32 $0xFFFFFFFF;
	p2 =	slt.u32 s8, $0xFFFFF086  }
0x1c: {  	p1 =	slt.u32 s9, $0xF7A;
	s5 =	simm.s32 @!p2 $0x0  }
0x1d: {  	s5 =	simm.s32 @p1 $0x1;
	p0 =	seq.s32 s7, s2  }
0x1e: {  	s7 =	smul.u32 @!p0 $0xF7A, s2;
	p2 =	seq.s32 @!p0 s5, $0x0  }
0x1f: {  	s9 =	smul.u32 $0xF7A, s1;
	s8 =	simm.s32 @!p0 $0x1BF5;
	p2 =	por !p2, p0  }
0x20: {  	[sflag:s8] =	ssyncset.s32 @!p0 $0xFFFFF086;
	s6 =	sadd.s32 @!p0 s3, s7;
	s7 =	simm.s32 @!p0 $0x108  }
0x21: {  	s3 =	sadd.s32 s3, s9;
	s6 =	sadd.s32 @!p0 $0x88, s6;
	s7 =	simm.s32 @p2 $0x1082  }
0x22: {  	[simem:s7], [sflag:s8] =	dma.local @!p0 [hbm:s6], $0xF7A  }
0x23: {  	s9 =	sor.u32 $0xD0000000, s2;
	s6 =	simm.s32 $0x108;
	_ =	swait.ge @!p0 [sflag:s8], $0x0  }
0x24: {  	s3 =	sadd.s32 $0x88, s3;
	s6 =	simm.s32 @!p1 $0x1082;
	[sflag:s4] =	ssyncset.s32 $0xFFFFF086  }
0x25: {  	[simem:s6], [sflag:s4] =	dma.local [hbm:s3], $0xF7A  }
0x26: {  	[smem:$0x3F95] =	sst s1;
	(tag) =	ssettag s2;
	_ =	strace s9  }
0x27: {  	s1 =	sld [smem:$0x3FA5]  }
0x28: {  	s2 =	sld [smem:$0x3FA6]  }
0x29: {  	s4 =	sld [smem:$0x3FA8]  }
0x2a: {  	p0 =	seq.s32 s5, $0x0;
	s5 =	sld [smem:$0x3FA9]  }
0x2b: {  	s6 =	sld [smem:$0x3FAA]  }
0x2c: {  	s7 =	sld [smem:$0x3FAB]  }
0x2d: {  	s3 =	simm.s32 $0x108;
	s8 =	sld [smem:$0x3FAC]  }
0x2e: {  	s3 =	simm.s32 @!p0 $0x1082;
	s9 =	sld [smem:$0x3FAD]  }
0x2f: {  	lr =	sadd.s32 s0, s3;
	s0 =	sld [smem:$0x3FA4]  }
0x30: {  	s3 =	sld [smem:$0x3FA7]  }
0x31: {  	[smem:$0x3FB0] =	sst s10  }
0x32: {  	s10 =	sld [smem:$0x3FAE];
	_ =	sdelay $0x3  }
0x33: {  	p0 =	seq.s32 s10, $0x1;
	s10 =	sld [smem:$0x3FB0];
	_ =	sdelay $0x3  }
0x34: {  	[smem:$0x3FB0] =	sst s10  }
0x35: {  	s10 =	sld [smem:$0x3FAF];
	_ =	sdelay $0x3  }
0x36: {  	p1 =	seq.s32 s10, $0x1;
	s10 =	sld [smem:$0x3FB0];
	_ =	sdelay $0x3  }
0x37: {  	[smem:$0x3FB0] =	sst s10  }
0x38: {  	s10 =	sld [smem:$0x3FB1]  }
0x39: {  	_ = 	snop;
	(pc) =	sbr.ind lr, $3  }
0x3a: {  	_ = 	snop  }
0x3b: {  	_ = 	snop  }
0x3c: {  	p2 =	seq.s32 s10, $0x1;
	s10 =	sld [smem:$0x3FB0]  }
0x3d: {  	_ =	shalt  }
0x3e: {  	_ =	shalt  }
0x3f: {  	_ =	shalt  }
0x40: {  	_ =	shalt  }
0x41: {  	_ =	shalt  }
0x42: {  	_ =	shalt  }
0x43: {  	_ =	shalt  }
0x44: {  	_ =	shalt  }
0x45: {  	_ =	shalt  }
0x46: {  	_ =	shalt  }
0x47: {  	_ =	shalt  }
0x48: {  	_ =	shalt  }
0x49: {  	_ =	shalt  }
0x4a: {  	_ =	shalt  }
0x4b: {  	_ =	shalt  }
0x4c: {  	_ =	shalt  }
0x4d: {  	_ =	shalt  }
0x4e: {  	_ =	shalt  }
0x4f: {  	_ =	shalt  }
0x50: {  	_ =	shalt  }
0x51: {  	_ =	shalt  }
0x52: {  	_ =	shalt  }
0x53: {  	_ =	shalt  }
0x54: {  	_ =	shalt  }
0x55: {  	_ =	shalt  }
0x56: {  	_ =	shalt  }
0x57: {  	_ =	shalt  }
0x58: {  	_ =	shalt  }
0x59: {  	_ =	shalt  }
0x5a: {  	_ =	shalt  }
0x5b: {  	_ =	shalt  }
0x5c: {  	_ =	shalt  }
0x5d: {  	_ =	shalt  }
0x5e: {  	_ =	shalt  }
0x5f: {  	_ =	shalt  }
0x60: {  	_ =	shalt  }
0x61: {  	_ =	shalt  }
0x62: {  	_ =	shalt  }
0x63: {  	_ =	shalt  }
0x64: {  	_ =	shalt  }
0x65: {  	_ =	shalt  }
0x66: {  	_ =	shalt  }
0x67: {  	_ =	shalt  }
0x68: {  	_ =	shalt  }
0x69: {  	_ =	shalt  }
0x6a: {  	_ =	shalt  }
0x6b: {  	_ =	shalt  }
0x6c: {  	_ =	shalt  }
0x6d: {  	_ =	shalt  }
0x6e: {  	_ =	shalt  }
0x6f: {  	_ =	shalt  }
0x70: {  	_ =	shalt  }
0x71: {  	_ =	shalt  }
0x72: {  	_ =	shalt  }
0x73: {  	_ =	shalt  }
0x74: {  	_ =	shalt  }
0x75: {  	_ =	shalt  }
0x76: {  	_ =	shalt  }
0x77: {  	_ =	shalt  }
0x78: {  	_ =	shalt  }
0x79: {  	_ =	shalt  }
0x7a: {  	_ =	shalt  }
0x7b: {  	_ =	shalt  }
0x7c: {  	_ =	shalt  }
0x7d: {  	_ =	shalt  }
0x7e: {  	_ =	shalt  }
0x7f: {  	_ =	shalt  }
0x80: {  	_ =	shalt  }
0x81: {  	_ =	shalt  }
0x82: {  	_ =	shalt  }
0x83: {  	_ =	shalt  }
0x84: {  	_ =	shalt  }
0x85: {  	_ =	shalt  }
0x86: {  	_ =	shalt  }
0x87: {  	_ =	shalt  }
.Lfunc_end0:
.L_simem_size_0:
called_computation.3_lowered:
.L_overlay_start_0:
0x88: {  	s2 =	sld [smem:$0x3FD9]  }
0x89: {  	s3 =	sld [smem:$0x3FFE];
	_ =	sdelay $0x1  }
0x8a: {  	s1 =	srdreg.scid  }
0x8b: {  	s0 =	sand.u32 $0x1, s1  }
0x8c: {  	s17 =	sshll.u32 s0, $0xA;
	s2 =	sadd.s32 s3, s2  }
0x8d: {  	s2 =	sadd.s32 s2, s17  }
0x8e: {  	[smem:$0x3FBC] =	sst s2  }
0x8f: {  	_ = 	snop  }
0x90: {  	s2 =	sld [smem:$0x3FD0];
	(tm) =	ssettm $0x1  }
0x91: {  	s18 =	sld [smem:$0x3FFB];
	_ =	sdelay $0x3  }
0x92: {  	_ =	strace s18  }
0x93: {  	s3 =	sld [smem:$0x3FFC];
	_ =	sdelay $0x3  }
0x94: {  	_ =	strace s3  }
0x95: {  	s3 =	sld [smem:$0x3FFD];
	_ =	sdelay $0x3  }
0x96: {  	_ =	strace s3  }
0x97: {  	_ =	strace $0x8FFFFFFF  }
0x98: {  	s19 =	sld [smem:$0x3FDB];
	_ =	sdelay $0x1  }
0x99: {  	s4 =	simm.s32 $_scs_section_size  }
0x9a: {  	s5 =	simm.s32 $_size__tile_overlayer_lowered;
	s6 =	simm.s32 $_tile_overlayer_lowered  }
0x9b: {  	s22 =	simm.s32 $0x1BFF;
	s21 =	sshll.u32 s6, $0x1;
	s3 =	sadd.s32 s4, s19  }
0x9c: {  	s7 =	simm.s32 $0x0;
	s20 =	sshll.u32 s5, $0x1;
	s5 =	sadd.s32 s21, s3  }
0x9d: {  	[timem:s7], [sflag:s22] =	dma.local [hbm:s5], s20  }
0x9e: {  	_ =	swait.ge [sflag:s22], s20  }
0x9f: {  	s4 =	ssub.s32 $0x0, s20;
	[sflag:s22] =	ssyncset.done $0x0  }
0xa0: {  	[sflag:s22] =	ssyncadd.s32 s4;
	_ =	sdelay $0x1  }
0xa1: {  	s23 =	simm.s32 $0x1B8B  }
0xa2: {  	_ =	swait.ge [sflag:s23], $0x1  }
0xa3: {  	[sflag:s23] =	ssyncset.done $0x0  }
0xa4: {  	s25 =	simm.s32 $0x1B8E;
	s24 =	sld [smem:$0x3FFE];
	[sflag:s23] =	ssyncadd.s32 $0xFFFFFFFF  }
0xa5: {  	s26 =	simm.s32 $execute0_lowered;
	[smem:$0x3FD2] =	sst s25  }
0xa6: {  	s5 =	sshll.u32 s26, $0x1;
	_ =	strace $0x8000004F;
	[dreg:$0x1] =	wrdreg $0xFFFFFFFF  }
0xa7: {  	s28 =	simm.s32 $_size_execute0_lowered;
	s3 =	sadd.s32 s3, s5;
	[dreg:$0x0] =	wrdreg $0x0  }
0xa8: {  	s5 =	sshll.u32 s28, $0x1;
	[dreg:$0x2] =	wrdreg s3  }
0xa9: {  	[dreg:$0x3] =	wrdreg s5  }
0xaa: {  	[dreg:$0x4] =	wrdreg $0xC0  }
0xab: {  	_ =	task [dreg:s7], $0x5FFFF  }
0xac: {  	[dreg:$0x1] =	wrdreg $0xFFFFFFFF  }
0xad: {  	[dreg:$0x0] =	wrdreg $0x60  }
0xae: {  	[dreg:$0x2] =	wrdreg s24  }
0xaf: {  	[dreg:$0x3] =	wrdreg s2  }
0xb0: {  	[dreg:$0x4] =	wrdreg $0xA0000  }
0xb1: {  	[dreg:$0x5] =	wrdreg $0x9  }
0xb2: {  	_ =	task.clear_ibuf [dreg:s7], $0x6FFFF;
	_ =	strace $0x9000004F  }
0xb3: {  	s29 =	simm.s32 $0x9;
	_ =	strace $0x80000051  }
0xb4: {  	_ =	swait.ge [sflag:s29], $0x1  }
0xb5: {  	[sflag:s29] =	ssyncadd.s32 $0xFFFFFFFF  }
0xb6: {  	_ =	strace $0x90000051  }
0xb7: {  	_ =	sfence  }
0xb8: {  	s30 =	sld [smem:$0x0];
	_ =	sdelay $0x2  }
0xb9: {  	s31 =	sshll.u32 s1, $0xD;
	s1 =	sshrl.u32 s1, $0x2  }
0xba: {  	s3 =	sand.u32 $0x4000, s31;
	s1 =	sadd.s32 s1, s30  }
0xbb: {  	s0 =	sor.u32 s3, s0;
	s1 =	sshll.u32 s1, $0x11  }
0xbc: {  	s0 =	sor.u32 s1, s0  }
0xbd: {  	s0 =	sadd.s32 $0x8F2B, s0  }
0xbe: {  	[sflag:s0] =	ssyncadd.remote.s32 $0x1  }
0xbf: {  	_ =	sfence.sel $0xFFFF  }
0xc0: {  	[dreg:$0x0] =	wrdreg $0xFFFFFFFF;
	(pc) =	sbr.abs _section_cstart, $3  }
0xc1: {  	[dreg:$0x1] =	wrdreg $0xFFFFFFFF  }
0xc2: {  	_ =	task.clear_ibuf [dreg:s7], $0x2FFFF;
	_ =	strace $0x9FFFFFFF  }
0xc3: {  	(tm) =	ssettm $0x7FFFFFFF  }
tec
execute0_lowered:
.L_overlay_start_1:
0x0: {  	(tag) =	ssettag $0x1  }
0x1: {  	s0 =	rddreg [dreg:$0x0]  }
0x2: {  	s7 =	rddreg [dreg:$0x1]  }
0x3: {  	s1 =	srdreg.scid;
	s2 =	rddreg [dreg:$0x2]  }
0x4: {  	s12 =	stileid.u32;
	s3 =	simm.s32 $0x0;
	s13 =	simm.s32 $0x80  }
0x5: {  	s14 =	simm.s32 $0x5000;
	s15 =	simm.s32 $0x6400;
	s17 =	simm.s32 $0x7800  }
0x6: {  	s19 =	simm.s32 $0x8C00;
	s20 =	simm.s32 $0x1;
	s21 =	simm.s32 $0x5  }
0x7: {  	s22 =	simm.s32 $0x2;
	s23 =	simm.s32 $0x6;
	s28 =	simm.s32 $0x4  }
0x8: {  	s29 =	simm.s32 $0x8;
	s31 =	simm.s32 $0x4E80;
	s1 =	sand.u32 $0x1, s1  }
0x9: {  	[smem:$0x7FF] =	sst s3;
	s10 =	smul.u32 $0x6400, s12;
	s5 =	sadd.s32 $0x1B200, s0  }
0xa: {  	s26 =	sshll.u32 s12, $0x6;
	s4 =	sshll.u32 s1, $0x4;
	_ =	strace $0x80000050  }
0xb: {  	s6 =	smul.u32 $0xC800, s1;
	s1 =	ssub.s32 $0x2, s1;
	s4 =	sor.u32 s12, s4  }
0xc: {  	s25 =	sshrl.u32 s1, $0x1;
	s11 =	sadd.s32 s10, s2;
	s30 =	sshrl.u32 s10, $0x3  }
0xd: {  	s12 =	simm.s32 $0x0;
	s8 =	smul.u32 $0x500, s4;
	s4 =	sadd.s32 $0xEA00, s0  }
0xe: {  	s1 =	ssub.s32 s1, s25;
	s10 =	sshrl.u32 s11, $0x3;
	s11 =	simm.s32 $0x9  }
0xf: {  	s25 =	simm.s32 $0x3;
	s9 =	sadd.s32 s8, s0;
	s0 =	sadd.s32 s6, s0  }
0x10: {  	s6 =	sor.u32 $0x1C09, s26;
	s7 =	sadd.s32 s7, s8;
	s26 =	simm.s32 $0x7  }
0x11: {  	s8 =	sadd.s32 $0x4A00, s9;
	s0 =	sadd.s32 $0x1C000, s0;
	s9 =	smax.u32 s1, $0x1  }
0x12: {  	s1 =	simm.s32 $0x4F80;
	s24 =	sadd.s32 s30, s0;
	s0 =	simm.s32 $0x4F00  }
.LBB2_1:
0x13: {  	[spmem:s10], [sflag:s6] =	dma.local [hbm:s5], $0xC80  }
0x14: {  	_ =	swait.ge [sflag:s11], $0xC80  }
0x15: {  	[sflag:s11] =	ssyncset.done $0x0  }
0x16: {  	[sflag:s11] =	ssyncadd.s32 $0xFFFFF380  }
0x17: {  	[tilespmem:s3], [sflag:$0x9] =	stream.linear.gather [hbm4b:s7+s3], $0x2800, $0x38;
	[tilespmem:$0x10400] =	vst v63  }
0x18: {  	_ =	swait.ge [sflag:s11], $0x2800  }
0x19: {  	[sflag:s11] =	ssyncset.done $0x0  }
0x1a: {  	s16 =	simm.s32 $0x2800;
	[sflag:s11] =	ssyncadd.s32 $0xFFFFD800  }
0x1b: {  	[tilespmem:s16], [sflag:$0x9] =	stream.linear.gather [hbm4b:s8+s3], $0x2800, $0x38;
	[tilespmem:$0x10400] =	vst v63  }
0x1c: {  	_ =	swait.ge [sflag:s11], $0x2800  }
0x1d: {  	[sflag:s11] =	ssyncset.done $0x0  }
0x1e: {  	[sflag:s11] =	ssyncadd.s32 $0xFFFFD800  }
0x1f: {  	[bflag:$0x0] =	sbarrier.arrive $0xFFFF  }
0x20: {  	[tilespmem:s14], [sflag:$0x1] =	stream.indirect.gather [hbm4b:s4+s13], $0x28, s3, s13, $0xb8;
	[tilespmem:$0x10400] =	vst v63  }
0x21: {  	_ = 	snop  }
0x22: {  	[tilespmem:s15], [sflag:$0x2] =	stream.indirect.gather [hbm4b:s4+s13], $0x28, s13, s13, $0xb8;
	[tilespmem:$0x10400] =	vst v63  }
0x23: {  	s30 =	simm.s32 $0x100  }
0x24: {  	[tilespmem:s17], [sflag:$0x3] =	stream.indirect.gather [hbm4b:s4+s13], $0x28, s30, s13, $0xb8;
	[tilespmem:$0x10400] =	vst v63  }
0x25: {  	s18 =	simm.s32 $0x180  }
0x26: {  	[tilespmem:s19], [sflag:$0x4] =	stream.indirect.gather [hbm4b:s4+s13], $0x28, s18, s13, $0xb8;
	[tilespmem:$0x10400] =	vst v63  }
0x27: {  	_ =	swait.ge [sflag:s20], $0x1400  }
0x28: {  	[sflag:s20] =	ssyncset.done $0x0  }
0x29: {  	s30 =	simm.s32 $0x2800;
	[sflag:s20] =	ssyncadd.s32 $0xFFFFEC00  }
0x2a: {  	[spmem:s2] =	stream.indirect.scatter.add.f32 [tilespmem:s14], [sflag:$0x5], $0x28, s30, s13, $0xb8;
	[tilespmem:$0x10400] =	vst v63  }
0x2b: {  	_ =	swait.ge [sflag:s21], $0x1400  }
0x2c: {  	[sflag:s21] =	ssyncset.done $0x0  }
0x2d: {  	s18 =	simm.s32 $0x200;
	[sflag:s21] =	ssyncadd.s32 $0xFFFFEC00  }
0x2e: {  	[tilespmem:s14], [sflag:$0x1] =	stream.indirect.gather [hbm4b:s4+s13], $0x28, s18, s13, $0xb8;
	[tilespmem:$0x10400] =	vst v63  }
0x2f: {  	_ =	swait.ge [sflag:s22], $0x1400  }
0x30: {  	[sflag:s22] =	ssyncset.done $0x0  }
0x31: {  	s30 =	simm.s32 $0x2880;
	[sflag:s22] =	ssyncadd.s32 $0xFFFFEC00  }
0x32: {  	[spmem:s2] =	stream.indirect.scatter.add.f32 [tilespmem:s15], [sflag:$0x6], $0x28, s30, s13, $0xb8;
	[tilespmem:$0x10400] =	vst v63  }
0x33: {  	_ =	swait.ge [sflag:s23], $0x1400  }
0x34: {  	[sflag:s23] =	ssyncset.done $0x0  }
0x35: {  	s18 =	simm.s32 $0x280;
	[sflag:s23] =	ssyncadd.s32 $0xFFFFEC00  }
0x36: {  	[tilespmem:s15], [sflag:$0x2] =	stream.indirect.gather [hbm4b:s4+s13], $0x28, s18, s13, $0xb8;
	[tilespmem:$0x10400] =	vst v63  }
0x37: {  	_ =	swait.ge [sflag:s25], $0x1400  }
0x38: {  	[sflag:s25] =	ssyncset.done $0x0  }
0x39: {  	s30 =	simm.s32 $0x2900;
	[sflag:s25] =	ssyncadd.s32 $0xFFFFEC00  }
0x3a: {  	[spmem:s2] =	stream.indirect.scatter.add.f32 [tilespmem:s17], [sflag:$0x7], $0x28, s30, s13, $0xb8;
	[tilespmem:$0x10400] =	vst v63  }
0x3b: {  	_ =	swait.ge [sflag:s26], $0x1400  }
0x3c: {  	[sflag:s26] =	ssyncset.done $0x0  }
0x3d: {  	s18 =	simm.s32 $0x300;
	[sflag:s26] =	ssyncadd.s32 $0xFFFFEC00  }
0x3e: {  	[tilespmem:s17], [sflag:$0x3] =	stream.indirect.gather [hbm4b:s4+s13], $0x28, s18, s13, $0xb8;
	[tilespmem:$0x10400] =	vst v63  }
0x3f: {  	_ =	swait.ge [sflag:s28], $0x1400  }
0x40: {  	[sflag:s28] =	ssyncset.done $0x0  }
0x41: {  	s30 =	simm.s32 $0x2980;
	[sflag:s28] =	ssyncadd.s32 $0xFFFFEC00  }
0x42: {  	[spmem:s2] =	stream.indirect.scatter.add.f32 [tilespmem:s19], [sflag:$0x8], $0x28, s30, s13, $0xb8;
	[tilespmem:$0x10400] =	vst v63  }
0x43: {  	_ =	swait.ge [sflag:s29], $0x1400  }
0x44: {  	[sflag:s29] =	ssyncset.done $0x0  }
0x45: {  	s16 =	simm.s32 $0x800;
	s18 =	simm.s32 $0x380;
	[sflag:s29] =	ssyncadd.s32 $0xFFFFEC00  }
.LBB2_2:
0x46: {  	[tilespmem:s19], [sflag:$0x4] =	stream.indirect.gather [hbm4b:s4+s13], $0x28, s18, s13, $0xb8;
	[tilespmem:$0x10400] =	vst v63  }
0x47: {  	s18 =	smov.u32 s16  }
0x48: {  	p0 =	sne.s32 s16, $0x9000;
	s16 =	sadd.s32 $0x800, s16;
	_ =	swait.ge [sflag:s20], $0x1400  }
0x49: {  	s18 =	sshra.s32 s18, $0x2;
	[sflag:s20] =	ssyncset.done $0x0  }
0x4a: {  	s30 =	sadd.s32 $0x2800, s18;
	[sflag:s20] =	ssyncadd.s32 $0xFFFFEC00  }
0x4b: {  	[spmem:s2] =	stream.indirect.scatter.add.f32 [tilespmem:s14], [sflag:$0x5], $0x28, s30, s13, $0xb8;
	[tilespmem:$0x10400] =	vst v63  }
0x4c: {  	_ =	swait.ge [sflag:s21], $0x1400  }
0x4d: {  	[sflag:s21] =	ssyncset.done $0x0  }
0x4e: {  	s30 =	sadd.s32 $0x200, s18;
	[sflag:s21] =	ssyncadd.s32 $0xFFFFEC00  }
0x4f: {  	[tilespmem:s14], [sflag:$0x1] =	stream.indirect.gather [hbm4b:s4+s13], $0x28, s30, s13, $0xb8;
	[tilespmem:$0x10400] =	vst v63  }
0x50: {  	_ =	swait.ge [sflag:s22], $0x1400  }
0x51: {  	[sflag:s22] =	ssyncset.done $0x0  }
0x52: {  	s30 =	sadd.s32 $0x2880, s18;
	[sflag:s22] =	ssyncadd.s32 $0xFFFFEC00  }
0x53: {  	[spmem:s2] =	stream.indirect.scatter.add.f32 [tilespmem:s15], [sflag:$0x6], $0x28, s30, s13, $0xb8;
	[tilespmem:$0x10400] =	vst v63  }
0x54: {  	_ =	swait.ge [sflag:s23], $0x1400  }
0x55: {  	[sflag:s23] =	ssyncset.done $0x0  }
0x56: {  	s30 =	sadd.s32 $0x280, s18;
	[sflag:s23] =	ssyncadd.s32 $0xFFFFEC00  }
0x57: {  	[tilespmem:s15], [sflag:$0x2] =	stream.indirect.gather [hbm4b:s4+s13], $0x28, s30, s13, $0xb8;
	[tilespmem:$0x10400] =	vst v63  }
0x58: {  	_ =	swait.ge [sflag:s25], $0x1400  }
0x59: {  	[sflag:s25] =	ssyncset.done $0x0  }
0x5a: {  	s30 =	sadd.s32 $0x2900, s18;
	[sflag:s25] =	ssyncadd.s32 $0xFFFFEC00  }
0x5b: {  	[spmem:s2] =	stream.indirect.scatter.add.f32 [tilespmem:s17], [sflag:$0x7], $0x28, s30, s13, $0xb8;
	[tilespmem:$0x10400] =	vst v63  }
0x5c: {  	_ =	swait.ge [sflag:s26], $0x1400  }
0x5d: {  	[sflag:s26] =	ssyncset.done $0x0  }
0x5e: {  	s30 =	sadd.s32 $0x300, s18;
	[sflag:s26] =	ssyncadd.s32 $0xFFFFEC00  }
0x5f: {  	[tilespmem:s17], [sflag:$0x3] =	stream.indirect.gather [hbm4b:s4+s13], $0x28, s30, s13, $0xb8;
	[tilespmem:$0x10400] =	vst v63  }
0x60: {  	_ =	swait.ge [sflag:s28], $0x1400  }
0x61: {  	[sflag:s28] =	ssyncset.done $0x0  }
.Ltmp0:
0x62: {  	s30 =	sadd.s32 $0x2980, s18;
	[sflag:s28] =	ssyncadd.s32 $0xFFFFEC00;
	(pc) =	sbr.rel @p0 .LBB2_2-.Ltmp0, $4  }
0x63: {  	[spmem:s2] =	stream.indirect.scatter.add.f32 [tilespmem:s19], [sflag:$0x8], $0x28, s30, s13, $0xb8;
	[tilespmem:$0x10400] =	vst v63  }
0x64: {  	_ =	swait.ge [sflag:s29], $0x1400  }
0x65: {  	[sflag:s29] =	ssyncset.done $0x0  }
0x66: {  	s18 =	sadd.s32 $0x380, s18;
	[sflag:s29] =	ssyncadd.s32 $0xFFFFEC00  }
0x67: {  	[tilespmem:s19], [sflag:$0x4] =	stream.indirect.gather [hbm4b:s4+s13], $0x28, s18, s13, $0xb8;
	[tilespmem:$0x10400] =	vst v63  }
0x68: {  	_ =	swait.ge [sflag:s20], $0x1400  }
0x69: {  	[sflag:s20] =	ssyncset.done $0x0  }
0x6a: {  	s16 =	simm.s32 $0x4E00;
	[sflag:s20] =	ssyncadd.s32 $0xFFFFEC00  }
0x6b: {  	[spmem:s2] =	stream.indirect.scatter.add.f32 [tilespmem:s14], [sflag:$0x5], $0x28, s16, s13, $0xb8;
	[tilespmem:$0x10400] =	vst v63  }
0x6c: {  	_ =	swait.ge [sflag:s22], $0x1400  }
0x6d: {  	[sflag:s22] =	ssyncset.done $0x0  }
0x6e: {  	[sflag:s22] =	ssyncadd.s32 $0xFFFFEC00  }
0x6f: {  	[spmem:s2] =	stream.indirect.scatter.add.f32 [tilespmem:s15], [sflag:$0x6], $0x28, s31, s13, $0xb8;
	[tilespmem:$0x10400] =	vst v63  }
0x70: {  	_ =	swait.ge [sflag:s25], $0x1400  }
0x71: {  	[sflag:s25] =	ssyncset.done $0x0  }
0x72: {  	[sflag:s25] =	ssyncadd.s32 $0xFFFFEC00  }
0x73: {  	[spmem:s2] =	stream.indirect.scatter.add.f32 [tilespmem:s17], [sflag:$0x7], $0x28, s0, s13, $0xb8;
	[tilespmem:$0x10400] =	vst v63  }
0x74: {  	_ =	swait.ge [sflag:s28], $0x1400  }
0x75: {  	[sflag:s28] =	ssyncset.done $0x0  }
0x76: {  	[sflag:s28] =	ssyncadd.s32 $0xFFFFEC00  }
0x77: {  	[spmem:s2] =	stream.indirect.scatter.add.f32 [tilespmem:s19], [sflag:$0x8], $0x28, s1, s13, $0xb8;
	[tilespmem:$0x10400] =	vst v63  }
0x78: {  	_ =	swait.ge [sflag:s21], $0x1400  }
0x79: {  	[sflag:s21] =	ssyncset.done $0x0  }
0x7a: {  	[sflag:s21] =	ssyncadd.s32 $0xFFFFEC00  }
0x7b: {  	_ =	swait.ge [sflag:s23], $0x1400  }
0x7c: {  	[sflag:s23] =	ssyncset.done $0x0  }
0x7d: {  	[sflag:s23] =	ssyncadd.s32 $0xFFFFEC00  }
0x7e: {  	_ =	swait.ge [sflag:s26], $0x1400  }
0x7f: {  	[sflag:s26] =	ssyncset.done $0x0  }
0x80: {  	[sflag:s26] =	ssyncadd.s32 $0xFFFFEC00  }
0x81: {  	_ =	swait.ge [sflag:s29], $0x1400  }
0x82: {  	s12 =	sadd.s32 $0x1, s12;
	[sflag:s29] =	ssyncset.done $0x0  }
0x83: {  	p0 =	sne.s32 s12, s9;
	[sflag:s29] =	ssyncadd.s32 $0xFFFFEC00  }
.Ltmp1:
0x84: {  	[bflag:$0x0] =	sbarrier.arrive $0xFFFF;
	(pc) =	sbr.rel @p0 .LBB2_1-.Ltmp1, $4  }
0x85: {  	[hbm:s24], [sflag:s6] =	dma.local [spmem:s10], $0xC80  }
0x86: {  	_ =	swait.ge [sflag:s11], $0xC80  }
0x87: {  	[sflag:s11] =	ssyncset.done $0x0  }
0x88: {  	[sflag:s11] =	ssyncadd.s32 $0xFFFFF380  }
0x89: {  	_ =	sfence.sel $0x180000  }
0x8a: {  	[bflag:$0x0] =	sbarrier.arrive $0xFFFF  }
0x8b: {  	_ =	strace $0x90000050  }
0x8c: {  	s0 =	stileid.u32;
	[bflag:$0x2] =	sbarrier.arrive $0xFFFF  }
0x8d: {  	p0 =	sne.s32 s0, $0x0;
	s0 =	rddreg [dreg:$0x3]  }
0x8e: {  	s0 =	sadd.s32 @!p0 $0x100000, s0  }
0x8f: {  	[sflag:s0] =	ssyncadd.tile.s32 @!p0 $0x1;
	_ =	shalt  }
.Lfunc_end2:
_tile_overlayer_lowered:
.L_overlay_start_2:
0x90: {  	(tag) =	ssettag $0x2  }
0x91: {  	s0 =	rddreg [dreg:$0x0];
	s2 =	stileid.u32  }
0x92: {  	s1 =	rddreg [dreg:$0x1];
	p0 =	sne.s32 s2, $0x0  }
0x93: {  	s3 =	rddreg [dreg:$0x2];
	[bflag:$0x3] =	sbarrier.arrive $0xFFFF;
	s2 =	simm.s32 @!p0 $0x1C09  }
0x94: {  	[timem:s3], [sflag:s2] =	dma.local @!p0 [hbm:s0], s1  }
0x95: {  	s0 =	simm.s32 @!p0 $0x9  }
0x96: {  	_ =	swait.ge @!p0 [sflag:s0], s1  }
0x97: {  	s1 =	ssub.s32 @!p0 $0x0, s1;
	[sflag:s0] =	ssyncset.done @!p0 $0x0  }
0x98: {  	[sflag:s0] =	ssyncadd.s32 @!p0 s1  }
0x99: {  	[bflag:$0x3] =	sbarrier.arrive $0xFFFF  }
0x9a: {  	_ =	shalt  }

</sc_bundles>
